<compile_context>
chip_gen: v7x
topology: tpu7x:2x2x1
jax: 0.10.2.dev20260603
libtpu: 0.0.44.dev20260713+nightly
codegen_flags: <defaults>
</compile_context>

<pallas_src>
import functools

import jax
import jax.numpy as jnp
from jax import lax
from jax.experimental import pallas as pl
from jax.experimental.pallas import tpu as pltpu
from jax.experimental.pallas import tpu_sc as plsc

N = 10000
E = 320000
IN_CH = 128
HID_CH = 128
OUT_CH = 64

NC, NS, L = 2, 16, 16
CHUNK = 128
NPAD = 10240
RPT = NPAD // NS
NCHUNK = 160
EPW = NCHUNK * CHUNK
EPAD = EPW * NS
DEG_C = 8


@functools.cache
def _build_sc_degree():
  HALF = NCHUNK // 2

  @functools.partial(
      pl.kernel,
      out_type=jax.ShapeDtypeStruct((NC, NPAD, DEG_C), jnp.float32),
      mesh=plsc.VectorSubcoreMesh(core_axis_name="c", subcore_axis_name="s"),
      compiler_params=pltpu.CompilerParams(use_tc_tiling_on_sc=False),
      scratch_types=[
          pltpu.VMEM((HALF, CHUNK), jnp.int32),
          pltpu.VMEM((CHUNK, DEG_C), jnp.float32),
          pltpu.VMEM_SHARED((NPAD, DEG_C), jnp.float32),
          pltpu.SemaphoreType.DMA,
          pltpu.SemaphoreType.DMA,
      ],
  )
  def _sc_degree(dst_hbm, const_hbm, out_hbm, didx, buf, acc, sem0, sem1):
      c = lax.axis_index("c")
      s = lax.axis_index("s")

      pltpu.sync_copy(dst_hbm.at[s, pl.ds(c * HALF, HALF)], didx)

      pltpu.sync_copy(const_hbm.at[0], buf)
      def zrow(j, _):
          pltpu.sync_copy(buf, acc.at[pl.ds(s * RPT + j * CHUNK, CHUNK)])
          return 0
      lax.fori_loop(0, RPT // CHUNK, zrow, 0)
      plsc.subcore_barrier()

      pltpu.sync_copy(const_hbm.at[1], buf)
      def step(t, _):
          d0 = pltpu.async_copy(buf, acc.at[didx.at[2 * t]], sem0, add=True)
          d1 = pltpu.async_copy(buf, acc.at[didx.at[2 * t + 1]], sem1, add=True)
          d0.wait()
          d1.wait()
          return 0
      lax.fori_loop(0, HALF // 2, step, 0)
      plsc.subcore_barrier()

      pltpu.sync_copy(acc.at[pl.ds(s * RPT, RPT)], out_hbm.at[c, pl.ds(s * RPT, RPT)])

  return _sc_degree


@functools.cache
def _build_sc_aggregate(C2):

    @functools.partial(
        pl.kernel,
        out_type=jax.ShapeDtypeStruct((NC, NPAD, C2), jnp.float32),
        mesh=plsc.VectorSubcoreMesh(core_axis_name="c", subcore_axis_name="s"),
        compiler_params=pltpu.CompilerParams(use_tc_tiling_on_sc=False),
        scratch_types=[
            pltpu.VMEM((NCHUNK, CHUNK), jnp.int32),
            pltpu.VMEM((NCHUNK, CHUNK), jnp.int32),
            pltpu.VMEM((CHUNK, C2), jnp.float32),
            pltpu.VMEM((CHUNK, C2), jnp.float32),
            pltpu.VMEM((CHUNK, C2), jnp.float32),
            pltpu.VMEM((CHUNK, C2), jnp.float32),
            pltpu.VMEM_SHARED((NPAD, C2), jnp.float32),
            pltpu.SemaphoreType.DMA,
            pltpu.SemaphoreType.DMA,
            pltpu.SemaphoreType.DMA,
            pltpu.SemaphoreType.DMA,
            pltpu.SemaphoreType.DMA,
            pltpu.SemaphoreType.DMA,
        ],
    )
    def agg(h_hbm, src_hbm, dst_hbm, zeros_hbm, out_hbm, sidx, didx,
            b0, b1, b2, b3, acc, g0, g1, g2, g3, sA, sB):
        c = lax.axis_index("c")
        s = lax.axis_index("s")
        h_half = h_hbm.at[c]

        pltpu.sync_copy(src_hbm.at[s], sidx)
        pltpu.sync_copy(dst_hbm.at[s], didx)

        pltpu.sync_copy(zeros_hbm, b0)
        def zacc(j, _):
            pltpu.sync_copy(b0, acc.at[pl.ds(s * RPT + j * CHUNK, CHUNK)])
            return 0
        lax.fori_loop(0, RPT // CHUNK, zacc, 0)
        plsc.subcore_barrier()

        bufs = (b0, b1, b2, b3)
        gsems = (g0, g1, g2, g3)
        for j in range(4):
            pltpu.async_copy(h_half.at[sidx.at[j]], bufs[j], gsems[j])

        def step(u, _):
            k = 4 * u
            pltpu.make_async_copy(h_half.at[sidx.at[k]], b0, g0).wait()
            dA0 = pltpu.async_copy(b0, acc.at[didx.at[k]], sA, add=True)
            pltpu.make_async_copy(h_half.at[sidx.at[k + 1]], b1, g1).wait()
            dA1 = pltpu.async_copy(b1, acc.at[didx.at[k + 1]], sA, add=True)
            pltpu.make_async_copy(h_half.at[sidx.at[k + 2]], b2, g2).wait()
            dB0 = pltpu.async_copy(b2, acc.at[didx.at[k + 2]], sB, add=True)
            pltpu.make_async_copy(h_half.at[sidx.at[k + 3]], b3, g3).wait()
            dB1 = pltpu.async_copy(b3, acc.at[didx.at[k + 3]], sB, add=True)
            dA0.wait()
            dA1.wait()
            pltpu.async_copy(h_half.at[sidx.at[(k + 4) % NCHUNK]], b0, g0)
            pltpu.async_copy(h_half.at[sidx.at[(k + 5) % NCHUNK]], b1, g1)
            dB0.wait()
            dB1.wait()
            pltpu.async_copy(h_half.at[sidx.at[(k + 6) % NCHUNK]], b2, g2)
            pltpu.async_copy(h_half.at[sidx.at[(k + 7) % NCHUNK]], b3, g3)
            return 0
        lax.fori_loop(0, NCHUNK // 4, step, 0)
        for j in range(4):
            pltpu.make_async_copy(h_half.at[sidx.at[j]], bufs[j], gsems[j]).wait()
        plsc.subcore_barrier()

        pltpu.sync_copy(acc.at[pl.ds(s * RPT, RPT)], out_hbm.at[c, pl.ds(s * RPT, RPT)])

    return agg



BM = 1000


def _tc1_body(x_ref, w_ref, degp_ref, hp_ref, q_ref, dinv_ref):
    deg = degp_ref[0, :, 0] + degp_ref[1, :, 0] + 1.0
    dinv = lax.rsqrt(deg)[:, None]
    h = jnp.dot(x_ref[...], w_ref[...], preferred_element_type=jnp.float32)
    hp = h * dinv
    hp_ref[0] = hp[:, : HID_CH // 2]
    hp_ref[1] = hp[:, HID_CH // 2 :]
    q_ref[...] = h * (dinv * dinv)
    dinv_ref[...] = jnp.broadcast_to(dinv, (BM, 8))


def _tc1(x, W1, degp):
    return pl.pallas_call(
        _tc1_body,
        grid=(N // BM,),
        in_specs=[
            pl.BlockSpec((BM, IN_CH), lambda i: (i, 0)),
            pl.BlockSpec((IN_CH, HID_CH), lambda i: (0, 0)),
            pl.BlockSpec((NC, BM, DEG_C), lambda i: (0, i, 0)),
        ],
        out_specs=[
            pl.BlockSpec((NC, BM, HID_CH // 2), lambda i: (0, i, 0)),
            pl.BlockSpec((BM, HID_CH), lambda i: (i, 0)),
            pl.BlockSpec((BM, 8), lambda i: (i, 0)),
        ],
        out_shape=[
            jax.ShapeDtypeStruct((NC, N, HID_CH // 2), jnp.float32),
            jax.ShapeDtypeStruct((N, HID_CH), jnp.float32),
            jax.ShapeDtypeStruct((N, 8), jnp.float32),
        ],
    )(x, W1, degp)


def _tc2_body(agg_ref, dinv_ref, q_ref, b_ref, w_ref, hp_ref, q2_ref):
    dinv = dinv_ref[:, 0:1]
    aggsum = jnp.concatenate([agg_ref[0], agg_ref[1]], axis=1)
    z = jnp.maximum(aggsum * dinv + q_ref[...] + b_ref[...], 0.0)
    h2 = jnp.dot(z, w_ref[...], preferred_element_type=jnp.float32)
    hp = h2 * dinv
    hp_ref[0] = hp[:, : OUT_CH // 2]
    hp_ref[1] = hp[:, OUT_CH // 2 :]
    q2_ref[...] = h2 * (dinv * dinv)


def _tc2(agg1, dinv8, q1, b1, W2):
    return pl.pallas_call(
        _tc2_body,
        grid=(N // BM,),
        in_specs=[
            pl.BlockSpec((NC, BM, HID_CH // 2), lambda i: (0, i, 0)),
            pl.BlockSpec((BM, 8), lambda i: (i, 0)),
            pl.BlockSpec((BM, HID_CH), lambda i: (i, 0)),
            pl.BlockSpec((1, HID_CH), lambda i: (0, 0)),
            pl.BlockSpec((HID_CH, OUT_CH), lambda i: (0, 0)),
        ],
        out_specs=[
            pl.BlockSpec((NC, BM, OUT_CH // 2), lambda i: (0, i, 0)),
            pl.BlockSpec((BM, OUT_CH), lambda i: (i, 0)),
        ],
        out_shape=[
            jax.ShapeDtypeStruct((NC, N, OUT_CH // 2), jnp.float32),
            jax.ShapeDtypeStruct((N, OUT_CH), jnp.float32),
        ],
    )(agg1, dinv8, q1, b1, W2)


def _tc3_body(agg_ref, dinv_ref, q_ref, b_ref, out_ref):
    dinv = dinv_ref[:, 0:1]
    aggsum = jnp.concatenate([agg_ref[0], agg_ref[1]], axis=1)
    out_ref[...] = aggsum * dinv + q_ref[...] + b_ref[...]


def _tc3(agg2, dinv8, q2, b2):
    return pl.pallas_call(
        _tc3_body,
        grid=(N // BM,),
        in_specs=[
            pl.BlockSpec((NC, BM, OUT_CH // 2), lambda i: (0, i, 0)),
            pl.BlockSpec((BM, 8), lambda i: (i, 0)),
            pl.BlockSpec((BM, OUT_CH), lambda i: (i, 0)),
            pl.BlockSpec((1, OUT_CH), lambda i: (0, 0)),
        ],
        out_specs=pl.BlockSpec((BM, OUT_CH), lambda i: (i, 0)),
        out_shape=jax.ShapeDtypeStruct((N, OUT_CH), jnp.float32),
    )(agg2, dinv8, q2, b2)



def kernel(x, edge_index, W1, b1, W2, b2):
    src = edge_index[0].astype(jnp.int32)
    dst = edge_index[1].astype(jnp.int32)
    pad = EPAD - E
    srcp = jnp.concatenate([src, jnp.zeros((pad,), jnp.int32)])
    srcp = srcp.reshape(NS, NCHUNK, CHUNK)
    dstp = jnp.concatenate([dst, jnp.full((pad,), N, jnp.int32)])
    dstp = dstp.reshape(NS, NCHUNK, CHUNK)

    deg_const = jnp.stack([jnp.zeros((CHUNK, DEG_C), jnp.float32),
                           jnp.ones((CHUNK, DEG_C), jnp.float32)])
    zeros_hid = jnp.zeros((CHUNK, HID_CH // 2), jnp.float32)
    zeros_out = jnp.zeros((CHUNK, OUT_CH // 2), jnp.float32)

    degp = _build_sc_degree()(dstp, deg_const)
    h1p, q1, dinv8 = _tc1(x, W1, degp)
    agg1 = _build_sc_aggregate(HID_CH // 2)(h1p, srcp, dstp, zeros_hid)
    h2p, q2 = _tc2(agg1, dinv8, q1, b1.reshape(1, HID_CH), W2)
    agg2 = _build_sc_aggregate(OUT_CH // 2)(h2p, srcp, dstp, zeros_out)
    return _tc3(agg2, dinv8, q2, b2.reshape(1, OUT_CH))

# --- scband reference (transcript-rebuilt; emitter-appended) ---
"""Pipeline reference for scband-gcnrecommendation-model-43087111914213 (READ-ONLY COPY).

The authoritative reference and input builder live on the scoring server;
editing this copy changes nothing except your own understanding.
"""

import jax, jax.numpy as jnp
import numpy as np

N_NODES = 10000
N_EDGES = 320000
IN_CH = 128
HID_CH = 128
OUT_CH = 64


def gcn_conv(x, src, dst, W, b, num_nodes):
    # PyG GCNConv: add self-loops, symmetric normalization, linear, scatter-add, bias
    loop = jnp.arange(num_nodes, dtype=src.dtype)
    src_full = jnp.concatenate([src, loop])
    dst_full = jnp.concatenate([dst, loop])
    deg = jnp.zeros((num_nodes,), dtype=x.dtype).at[dst_full].add(1.0)
    deg_inv_sqrt = jnp.where(deg > 0, jax.lax.rsqrt(deg), 0.0)
    norm = deg_inv_sqrt[src_full] * deg_inv_sqrt[dst_full]
    h = x @ W
    msg = h[src_full] * norm[:, None]
    out = jnp.zeros((num_nodes, W.shape[1]), dtype=x.dtype).at[dst_full].add(msg)
    return out + b


def setup_inputs(seed: int = 0) -> dict:
    key = jax.random.key(seed)
    k_x, k_e, k_w1, k_w2 = jax.random.split(key, 4)
    x = jax.random.normal(k_x, (N_NODES, IN_CH), dtype=jnp.float32)
    edge_index = jax.random.randint(k_e, (2, N_EDGES), 0, N_NODES, dtype=jnp.int64 if jax.config.jax_enable_x64 else jnp.int32)
    # glorot-style init for GCN weights
    W1 = jax.random.normal(k_w1, (IN_CH, HID_CH), dtype=jnp.float32) * (1.0 / np.sqrt(IN_CH))
    b1 = jnp.zeros((HID_CH,), dtype=jnp.float32)
    W2 = jax.random.normal(k_w2, (HID_CH, OUT_CH), dtype=jnp.float32) * (1.0 / np.sqrt(HID_CH))
    b2 = jnp.zeros((OUT_CH,), dtype=jnp.float32)
    return {"x": x, "edge_index": edge_index, "W1": W1, "b1": b1, "W2": W2, "b2": b2}


def reference(x, edge_index, W1, b1, W2, b2):
    src, dst = edge_index[0], edge_index[1]
    h = gcn_conv(x, src, dst, W1, b1, N_NODES)
    h = jax.nn.relu(h)
    # dropout p=0.5 with training=False (eval mode) -> identity
    out = gcn_conv(h, src, dst, W2, b2, N_NODES)
    return out

if __name__ == "__main__":
    import jax
    _d = setup_inputs()
    print(jax.jit(kernel)(*tuple(_d.values())))

</pallas_src>

<mosaic_0001>
#map = affine_map<(d0, d1) -> (0, 0, 0)>
#map1 = affine_map<(d0, d1) -> (0, 0)>
module attributes {stable_mosaic.version = 14 : i64} {
  func.func @agg(%arg0: i32, %arg1: i32, %arg2: memref<2x10000x32xf32, #tpu.memory_space<hbm>>, %arg3: memref<16x160x128xi32, #tpu.memory_space<hbm>>, %arg4: memref<16x160x128xi32, #tpu.memory_space<hbm>>, %arg5: memref<128x32xf32, #tpu.memory_space<hbm>>, %arg6: memref<2x10240x32xf32, #tpu.memory_space<hbm>>, %arg7: memref<160x128xi32, #tpu.memory_space<vmem>>, %arg8: memref<160x128xi32, #tpu.memory_space<vmem>>, %arg9: memref<128x32xf32, #tpu.memory_space<vmem>>, %arg10: memref<128x32xf32, #tpu.memory_space<vmem>>, %arg11: memref<128x32xf32, #tpu.memory_space<vmem>>, %arg12: memref<128x32xf32, #tpu.memory_space<vmem>>, %arg13: memref<10240x32xf32, #tpu.memory_space<vmem_shared>>, %arg14: memref<!tpu.dma_semaphore, #tpu.memory_space<semaphore_mem>>, %arg15: memref<!tpu.dma_semaphore, #tpu.memory_space<semaphore_mem>>, %arg16: memref<!tpu.dma_semaphore, #tpu.memory_space<semaphore_mem>>, %arg17: memref<!tpu.dma_semaphore, #tpu.memory_space<semaphore_mem>>, %arg18: memref<!tpu.dma_semaphore, #tpu.memory_space<semaphore_mem>>, %arg19: memref<!tpu.dma_semaphore, #tpu.memory_space<semaphore_mem>>) attributes {dimension_semantics = [#tpu.dimension_semantics<core_parallel>, #tpu.dimension_semantics<subcore_parallel>], iteration_bounds = array<i64: 2, 16>, scalar_prefetch = 0 : i64, scratch_operands = 13 : i64, tpu.core_type = #tpu.core_type<sc_vector_subcore>, window_params = [{transform_indices = #map}, {transform_indices = #map}, {transform_indices = #map}, {transform_indices = #map1}, {transform_indices = #map}]} {
    "tpu.region"() ({
      %run_scoped3A = tpu.sem_alloc : memref<!tpu.dma_semaphore, #tpu.memory_space<semaphore_mem>>
      %dma_start3A_103 = arith.constant 0 : i32
      %dma_start3A_104 = arith.constant 0 : i32
      %dma_start3A_105 = tpu.memref_slice %arg3[%arg1, %dma_start3A_103, %dma_start3A_104] : memref<16x160x128xi32, #tpu.memory_space<hbm>> -> memref<1x160x128xi32, #tpu.memory_space<hbm>>
      %dma_start3A_106 = tpu.memref_squeeze %dma_start3A_105 : memref<1x160x128xi32, #tpu.memory_space<hbm>> -> memref<160x128xi32, #tpu.memory_space<hbm>>
      %dma_start3A_107 = arith.constant 0 : i32
      %dma_start3A_108 = arith.constant 0 : i32
      %dma_start3A_109 = tpu.memref_slice %arg3[%arg1, %dma_start3A_107, %dma_start3A_108] : memref<16x160x128xi32, #tpu.memory_space<hbm>> -> memref<1x160x128xi32, #tpu.memory_space<hbm>>
      %dma_start3A_110 = tpu.memref_squeeze %dma_start3A_109 : memref<1x160x128xi32, #tpu.memory_space<hbm>> -> memref<160x128xi32, #tpu.memory_space<hbm>>
      tpu.enqueue_dma source(%dma_start3A_110 : memref<160x128xi32, #tpu.memory_space<hbm>>) target(%arg7 : memref<160x128xi32, #tpu.memory_space<vmem>>) target_semaphore(%run_scoped3A : memref<!tpu.dma_semaphore, #tpu.memory_space<semaphore_mem>>)
      %dma_wait3A_111 = arith.constant 0 : i32
      %dma_wait3A_112 = arith.constant 0 : i32
      %dma_wait3A_113 = tpu.memref_slice %arg3[%arg1, %dma_wait3A_111, %dma_wait3A_112] : memref<16x160x128xi32, #tpu.memory_space<hbm>> -> memref<1x160x128xi32, #tpu.memory_space<hbm>>
      %dma_wait3A_114 = tpu.memref_squeeze %dma_wait3A_113 : memref<1x160x128xi32, #tpu.memory_space<hbm>> -> memref<160x128xi32, #tpu.memory_space<hbm>>
      %dma_wait3A_115 = arith.constant 0 : i32
      %dma_wait3A_116 = arith.constant 0 : i32
      %dma_wait3A_117 = tpu.memref_slice %arg3[%arg1, %dma_wait3A_115, %dma_wait3A_116] : memref<16x160x128xi32, #tpu.memory_space<hbm>> -> memref<1x160x128xi32, #tpu.memory_space<hbm>>
      %dma_wait3A_118 = tpu.memref_squeeze %dma_wait3A_117 : memref<1x160x128xi32, #tpu.memory_space<hbm>> -> memref<160x128xi32, #tpu.memory_space<hbm>>
      tpu.wait_dma2 semaphore(%run_scoped3A : memref<!tpu.dma_semaphore, #tpu.memory_space<semaphore_mem>>) src(%dma_wait3A_118 : memref<160x128xi32, #tpu.memory_space<hbm>>) dst(%arg7 : memref<160x128xi32, #tpu.memory_space<vmem>>)
      tpu.yield
    }) : () -> ()
    "tpu.region"() ({
      %run_scoped3A = tpu.sem_alloc : memref<!tpu.dma_semaphore, #tpu.memory_space<semaphore_mem>>
      %dma_start3A_103 = arith.constant 0 : i32
      %dma_start3A_104 = arith.constant 0 : i32
      %dma_start3A_105 = tpu.memref_slice %arg4[%arg1, %dma_start3A_103, %dma_start3A_104] : memref<16x160x128xi32, #tpu.memory_space<hbm>> -> memref<1x160x128xi32, #tpu.memory_space<hbm>>
      %dma_start3A_106 = tpu.memref_squeeze %dma_start3A_105 : memref<1x160x128xi32, #tpu.memory_space<hbm>> -> memref<160x128xi32, #tpu.memory_space<hbm>>
      %dma_start3A_107 = arith.constant 0 : i32
      %dma_start3A_108 = arith.constant 0 : i32
      %dma_start3A_109 = tpu.memref_slice %arg4[%arg1, %dma_start3A_107, %dma_start3A_108] : memref<16x160x128xi32, #tpu.memory_space<hbm>> -> memref<1x160x128xi32, #tpu.memory_space<hbm>>
      %dma_start3A_110 = tpu.memref_squeeze %dma_start3A_109 : memref<1x160x128xi32, #tpu.memory_space<hbm>> -> memref<160x128xi32, #tpu.memory_space<hbm>>
      tpu.enqueue_dma source(%dma_start3A_110 : memref<160x128xi32, #tpu.memory_space<hbm>>) target(%arg8 : memref<160x128xi32, #tpu.memory_space<vmem>>) target_semaphore(%run_scoped3A : memref<!tpu.dma_semaphore, #tpu.memory_space<semaphore_mem>>)
      %dma_wait3A_111 = arith.constant 0 : i32
      %dma_wait3A_112 = arith.constant 0 : i32
      %dma_wait3A_113 = tpu.memref_slice %arg4[%arg1, %dma_wait3A_111, %dma_wait3A_112] : memref<16x160x128xi32, #tpu.memory_space<hbm>> -> memref<1x160x128xi32, #tpu.memory_space<hbm>>
      %dma_wait3A_114 = tpu.memref_squeeze %dma_wait3A_113 : memref<1x160x128xi32, #tpu.memory_space<hbm>> -> memref<160x128xi32, #tpu.memory_space<hbm>>
      %dma_wait3A_115 = arith.constant 0 : i32
      %dma_wait3A_116 = arith.constant 0 : i32
      %dma_wait3A_117 = tpu.memref_slice %arg4[%arg1, %dma_wait3A_115, %dma_wait3A_116] : memref<16x160x128xi32, #tpu.memory_space<hbm>> -> memref<1x160x128xi32, #tpu.memory_space<hbm>>
      %dma_wait3A_118 = tpu.memref_squeeze %dma_wait3A_117 : memref<1x160x128xi32, #tpu.memory_space<hbm>> -> memref<160x128xi32, #tpu.memory_space<hbm>>
      tpu.wait_dma2 semaphore(%run_scoped3A : memref<!tpu.dma_semaphore, #tpu.memory_space<semaphore_mem>>) src(%dma_wait3A_118 : memref<160x128xi32, #tpu.memory_space<hbm>>) dst(%arg8 : memref<160x128xi32, #tpu.memory_space<vmem>>)
      tpu.yield
    }) : () -> ()
    "tpu.region"() ({
      %run_scoped3A = tpu.sem_alloc : memref<!tpu.dma_semaphore, #tpu.memory_space<semaphore_mem>>
      tpu.enqueue_dma source(%arg5 : memref<128x32xf32, #tpu.memory_space<hbm>>) target(%arg9 : memref<128x32xf32, #tpu.memory_space<vmem>>) target_semaphore(%run_scoped3A : memref<!tpu.dma_semaphore, #tpu.memory_space<semaphore_mem>>)
      tpu.wait_dma2 semaphore(%run_scoped3A : memref<!tpu.dma_semaphore, #tpu.memory_space<semaphore_mem>>) src(%arg5 : memref<128x32xf32, #tpu.memory_space<hbm>>) dst(%arg9 : memref<128x32xf32, #tpu.memory_space<vmem>>)
      tpu.yield
    }) : () -> ()
    %scan3A = arith.constant 0 : i32
    %scan3A_0 = arith.constant 0 : i32
    %scan3A_1 = arith.constant 5 : i32
    %scan3A_2 = arith.addi %scan3A_0, %scan3A_1 : i32
    %scan3A_3 = arith.constant 1 : i32
    %scan3A_4 = scf.for %scan3A_103 = %scan3A_0 to %scan3A_2 step %scan3A_3 iter_args(%scan3A_104 = %scan3A) -> (i32)  : i32 {
      %mul3A_105 = arith.constant 640 : i32
      %mul3A_106 = arith.muli %arg1, %mul3A_105 : i32
      %mul3A_107 = arith.constant 128 : i32
      %mul3A_108 = arith.muli %scan3A_103, %mul3A_107 : i32
      %add3A = arith.addi %mul3A_106, %mul3A_108 : i32
      "tpu.region"() ({
        %run_scoped3A = tpu.sem_alloc : memref<!tpu.dma_semaphore, #tpu.memory_space<semaphore_mem>>
        %dma_start3A_110 = arith.constant 0 : i32
        %dma_start3A_111 = tpu.memref_slice %arg13[%add3A, %dma_start3A_110] : memref<10240x32xf32, #tpu.memory_space<vmem_shared>> -> memref<128x32xf32, #tpu.memory_space<vmem_shared>>
        %dma_start3A_112 = arith.constant 0 : i32
        %dma_start3A_113 = tpu.memref_slice %arg13[%add3A, %dma_start3A_112] : memref<10240x32xf32, #tpu.memory_space<vmem_shared>> -> memref<128x32xf32, #tpu.memory_space<vmem_shared>>
        tpu.enqueue_dma source(%arg9 : memref<128x32xf32, #tpu.memory_space<vmem>>) target(%dma_start3A_113 : memref<128x32xf32, #tpu.memory_space<vmem_shared>>) target_semaphore(%run_scoped3A : memref<!tpu.dma_semaphore, #tpu.memory_space<semaphore_mem>>)
        %dma_wait3A_114 = arith.constant 0 : i32
        %dma_wait3A_115 = tpu.memref_slice %arg13[%add3A, %dma_wait3A_114] : memref<10240x32xf32, #tpu.memory_space<vmem_shared>> -> memref<128x32xf32, #tpu.memory_space<vmem_shared>>
        %dma_wait3A_116 = arith.constant 0 : i32
        %dma_wait3A_117 = tpu.memref_slice %arg13[%add3A, %dma_wait3A_116] : memref<10240x32xf32, #tpu.memory_space<vmem_shared>> -> memref<128x32xf32, #tpu.memory_space<vmem_shared>>
        tpu.wait_dma2 semaphore(%run_scoped3A : memref<!tpu.dma_semaphore, #tpu.memory_space<semaphore_mem>>) src(%arg9 : memref<128x32xf32, #tpu.memory_space<vmem>>) dst(%dma_wait3A_117 : memref<128x32xf32, #tpu.memory_space<vmem_shared>>)
        tpu.yield
      }) : () -> ()
      %scan3A_109 = arith.constant 0 : i32
      scf.yield %scan3A_109 : i32
    }
    %scan3A_5 = arith.constant 5 : i32
    %barrier3A = arith.constant 0 : index
    tpu.barrier barrier_id(%barrier3A)
    %dma_start3A = arith.constant 0 : i32
    %dma_start3A_6 = arith.constant 0 : i32
    %dma_start3A_7 = tpu.memref_slice %arg7[%dma_start3A, %dma_start3A_6] : memref<160x128xi32, #tpu.memory_space<vmem>> -> memref<1x128xi32, #tpu.memory_space<vmem>>
    %dma_start3A_8 = tpu.memref_squeeze %dma_start3A_7 : memref<1x128xi32, #tpu.memory_space<vmem>> -> memref<128xi32, #tpu.memory_space<vmem>>
    %dma_start3A_9 = arith.constant 0 : i32
    %dma_start3A_10 = arith.constant 0 : i32
    %dma_start3A_11 = tpu.memref_slice %arg2[%arg0, %dma_start3A_9, %dma_start3A_10] : memref<2x10000x32xf32, #tpu.memory_space<hbm>> -> memref<1x10000x32xf32, #tpu.memory_space<hbm>>
    %dma_start3A_12 = tpu.memref_squeeze %dma_start3A_11 : memref<1x10000x32xf32, #tpu.memory_space<hbm>> -> memref<10000x32xf32, #tpu.memory_space<hbm>>
    %dma_start3A_13 = arith.constant 0 : i32
    %dma_start3A_14 = arith.constant 0 : i32
    %dma_start3A_15 = tpu.memref_slice %dma_start3A_12[%dma_start3A_13, %dma_start3A_14] : memref<10000x32xf32, #tpu.memory_space<hbm>> -> memref<10000x32xf32, #tpu.memory_space<hbm>>
    tpu.enqueue_indirect_dma source(%dma_start3A_15 : memref<10000x32xf32, #tpu.memory_space<hbm>>) target(%arg9 : memref<128x32xf32, #tpu.memory_space<vmem>>) offsets(%dma_start3A_8 : memref<128xi32, #tpu.memory_space<vmem>>) semaphore(%arg14 : memref<!tpu.dma_semaphore, #tpu.memory_space<semaphore_mem>>)
    %dma_start3A_16 = arith.constant 1 : i32
    %dma_start3A_17 = arith.constant 0 : i32
    %dma_start3A_18 = tpu.memref_slice %arg7[%dma_start3A_16, %dma_start3A_17] : memref<160x128xi32, #tpu.memory_space<vmem>> -> memref<1x128xi32, #tpu.memory_space<vmem>>
    %dma_start3A_19 = tpu.memref_squeeze %dma_start3A_18 : memref<1x128xi32, #tpu.memory_space<vmem>> -> memref<128xi32, #tpu.memory_space<vmem>>
    %dma_start3A_20 = arith.constant 0 : i32
    %dma_start3A_21 = arith.constant 0 : i32
    %dma_start3A_22 = tpu.memref_slice %arg2[%arg0, %dma_start3A_20, %dma_start3A_21] : memref<2x10000x32xf32, #tpu.memory_space<hbm>> -> memref<1x10000x32xf32, #tpu.memory_space<hbm>>
    %dma_start3A_23 = tpu.memref_squeeze %dma_start3A_22 : memref<1x10000x32xf32, #tpu.memory_space<hbm>> -> memref<10000x32xf32, #tpu.memory_space<hbm>>
    %dma_start3A_24 = arith.constant 0 : i32
    %dma_start3A_25 = arith.constant 0 : i32
    %dma_start3A_26 = tpu.memref_slice %dma_start3A_23[%dma_start3A_24, %dma_start3A_25] : memref<10000x32xf32, #tpu.memory_space<hbm>> -> memref<10000x32xf32, #tpu.memory_space<hbm>>
    tpu.enqueue_indirect_dma source(%dma_start3A_26 : memref<10000x32xf32, #tpu.memory_space<hbm>>) target(%arg10 : memref<128x32xf32, #tpu.memory_space<vmem>>) offsets(%dma_start3A_19 : memref<128xi32, #tpu.memory_space<vmem>>) semaphore(%arg15 : memref<!tpu.dma_semaphore, #tpu.memory_space<semaphore_mem>>)
    %dma_start3A_27 = arith.constant 2 : i32
    %dma_start3A_28 = arith.constant 0 : i32
    %dma_start3A_29 = tpu.memref_slice %arg7[%dma_start3A_27, %dma_start3A_28] : memref<160x128xi32, #tpu.memory_space<vmem>> -> memref<1x128xi32, #tpu.memory_space<vmem>>
    %dma_start3A_30 = tpu.memref_squeeze %dma_start3A_29 : memref<1x128xi32, #tpu.memory_space<vmem>> -> memref<128xi32, #tpu.memory_space<vmem>>
    %dma_start3A_31 = arith.constant 0 : i32
    %dma_start3A_32 = arith.constant 0 : i32
    %dma_start3A_33 = tpu.memref_slice %arg2[%arg0, %dma_start3A_31, %dma_start3A_32] : memref<2x10000x32xf32, #tpu.memory_space<hbm>> -> memref<1x10000x32xf32, #tpu.memory_space<hbm>>
    %dma_start3A_34 = tpu.memref_squeeze %dma_start3A_33 : memref<1x10000x32xf32, #tpu.memory_space<hbm>> -> memref<10000x32xf32, #tpu.memory_space<hbm>>
    %dma_start3A_35 = arith.constant 0 : i32
    %dma_start3A_36 = arith.constant 0 : i32
    %dma_start3A_37 = tpu.memref_slice %dma_start3A_34[%dma_start3A_35, %dma_start3A_36] : memref<10000x32xf32, #tpu.memory_space<hbm>> -> memref<10000x32xf32, #tpu.memory_space<hbm>>
    tpu.enqueue_indirect_dma source(%dma_start3A_37 : memref<10000x32xf32, #tpu.memory_space<hbm>>) target(%arg11 : memref<128x32xf32, #tpu.memory_space<vmem>>) offsets(%dma_start3A_30 : memref<128xi32, #tpu.memory_space<vmem>>) semaphore(%arg16 : memref<!tpu.dma_semaphore, #tpu.memory_space<semaphore_mem>>)
    %dma_start3A_38 = arith.constant 3 : i32
    %dma_start3A_39 = arith.constant 0 : i32
    %dma_start3A_40 = tpu.memref_slice %arg7[%dma_start3A_38, %dma_start3A_39] : memref<160x128xi32, #tpu.memory_space<vmem>> -> memref<1x128xi32, #tpu.memory_space<vmem>>
    %dma_start3A_41 = tpu.memref_squeeze %dma_start3A_40 : memref<1x128xi32, #tpu.memory_space<vmem>> -> memref<128xi32, #tpu.memory_space<vmem>>
    %dma_start3A_42 = arith.constant 0 : i32
    %dma_start3A_43 = arith.constant 0 : i32
    %dma_start3A_44 = tpu.memref_slice %arg2[%arg0, %dma_start3A_42, %dma_start3A_43] : memref<2x10000x32xf32, #tpu.memory_space<hbm>> -> memref<1x10000x32xf32, #tpu.memory_space<hbm>>
    %dma_start3A_45 = tpu.memref_squeeze %dma_start3A_44 : memref<1x10000x32xf32, #tpu.memory_space<hbm>> -> memref<10000x32xf32, #tpu.memory_space<hbm>>
    %dma_start3A_46 = arith.constant 0 : i32
    %dma_start3A_47 = arith.constant 0 : i32
    %dma_start3A_48 = tpu.memref_slice %dma_start3A_45[%dma_start3A_46, %dma_start3A_47] : memref<10000x32xf32, #tpu.memory_space<hbm>> -> memref<10000x32xf32, #tpu.memory_space<hbm>>
    tpu.enqueue_indirect_dma source(%dma_start3A_48 : memref<10000x32xf32, #tpu.memory_space<hbm>>) target(%arg12 : memref<128x32xf32, #tpu.memory_space<vmem>>) offsets(%dma_start3A_41 : memref<128xi32, #tpu.memory_space<vmem>>) semaphore(%arg17 : memref<!tpu.dma_semaphore, #tpu.memory_space<semaphore_mem>>)
    %scan3A_49 = arith.constant 0 : i32
    %scan3A_50 = arith.constant 0 : i32
    %scan3A_51 = arith.constant 40 : i32
    %scan3A_52 = arith.addi %scan3A_50, %scan3A_51 : i32
    %scan3A_53 = arith.constant 1 : i32
    %scan3A_54 = scf.for %scan3A_103 = %scan3A_50 to %scan3A_52 step %scan3A_53 iter_args(%scan3A_104 = %scan3A_49) -> (i32)  : i32 {
      %mul3A_105 = arith.constant 4 : i32
      %mul3A_106 = arith.muli %mul3A_105, %scan3A_103 : i32
      %dma_wait3A_107 = arith.constant 0 : i32
      %dma_wait3A_108 = tpu.memref_slice %arg7[%mul3A_106, %dma_wait3A_107] : memref<160x128xi32, #tpu.memory_space<vmem>> -> memref<1x128xi32, #tpu.memory_space<vmem>>
      %dma_wait3A_109 = tpu.memref_squeeze %dma_wait3A_108 : memref<1x128xi32, #tpu.memory_space<vmem>> -> memref<128xi32, #tpu.memory_space<vmem>>
      %dma_wait3A_110 = arith.constant 0 : i32
      %dma_wait3A_111 = arith.constant 0 : i32
      %dma_wait3A_112 = tpu.memref_slice %arg2[%arg0, %dma_wait3A_110, %dma_wait3A_111] : memref<2x10000x32xf32, #tpu.memory_space<hbm>> -> memref<1x10000x32xf32, #tpu.memory_space<hbm>>
      %dma_wait3A_113 = tpu.memref_squeeze %dma_wait3A_112 : memref<1x10000x32xf32, #tpu.memory_space<hbm>> -> memref<10000x32xf32, #tpu.memory_space<hbm>>
      %dma_wait3A_114 = arith.constant 0 : i32
      %dma_wait3A_115 = arith.constant 0 : i32
      %dma_wait3A_116 = tpu.memref_slice %dma_wait3A_113[%dma_wait3A_114, %dma_wait3A_115] : memref<10000x32xf32, #tpu.memory_space<hbm>> -> memref<10000x32xf32, #tpu.memory_space<hbm>>
      tpu.wait_indirect_dma semaphore(%arg14 : memref<!tpu.dma_semaphore, #tpu.memory_space<semaphore_mem>>) src(%dma_wait3A_116 : memref<10000x32xf32, #tpu.memory_space<hbm>>) dst(%arg9 : memref<128x32xf32, #tpu.memory_space<vmem>>)
      %dma_start3A_117 = arith.constant 0 : i32
      %dma_start3A_118 = tpu.memref_slice %arg8[%mul3A_106, %dma_start3A_117] : memref<160x128xi32, #tpu.memory_space<vmem>> -> memref<1x128xi32, #tpu.memory_space<vmem>>
      %dma_start3A_119 = tpu.memref_squeeze %dma_start3A_118 : memref<1x128xi32, #tpu.memory_space<vmem>> -> memref<128xi32, #tpu.memory_space<vmem>>
      %dma_start3A_120 = arith.constant 0 : i32
      %dma_start3A_121 = arith.constant 0 : i32
      %dma_start3A_122 = tpu.memref_slice %arg13[%dma_start3A_120, %dma_start3A_121] : memref<10240x32xf32, #tpu.memory_space<vmem_shared>> -> memref<10240x32xf32, #tpu.memory_space<vmem_shared>>
      tpu.enqueue_indirect_dma source(%arg9 : memref<128x32xf32, #tpu.memory_space<vmem>>) target(%dma_start3A_122 : memref<10240x32xf32, #tpu.memory_space<vmem_shared>>) offsets(%dma_start3A_119 : memref<128xi32, #tpu.memory_space<vmem>>) semaphore(%arg18 : memref<!tpu.dma_semaphore, #tpu.memory_space<semaphore_mem>>) {add = true}
      %add3A = arith.constant 1 : i32
      %add3A_123 = arith.addi %mul3A_106, %add3A : i32
      %dma_wait3A_124 = arith.constant 0 : i32
      %dma_wait3A_125 = tpu.memref_slice %arg7[%add3A_123, %dma_wait3A_124] : memref<160x128xi32, #tpu.memory_space<vmem>> -> memref<1x128xi32, #tpu.memory_space<vmem>>
      %dma_wait3A_126 = tpu.memref_squeeze %dma_wait3A_125 : memref<1x128xi32, #tpu.memory_space<vmem>> -> memref<128xi32, #tpu.memory_space<vmem>>
      %dma_wait3A_127 = arith.constant 0 : i32
      %dma_wait3A_128 = arith.constant 0 : i32
      %dma_wait3A_129 = tpu.memref_slice %arg2[%arg0, %dma_wait3A_127, %dma_wait3A_128] : memref<2x10000x32xf32, #tpu.memory_space<hbm>> -> memref<1x10000x32xf32, #tpu.memory_space<hbm>>
      %dma_wait3A_130 = tpu.memref_squeeze %dma_wait3A_129 : memref<1x10000x32xf32, #tpu.memory_space<hbm>> -> memref<10000x32xf32, #tpu.memory_space<hbm>>
      %dma_wait3A_131 = arith.constant 0 : i32
      %dma_wait3A_132 = arith.constant 0 : i32
      %dma_wait3A_133 = tpu.memref_slice %dma_wait3A_130[%dma_wait3A_131, %dma_wait3A_132] : memref<10000x32xf32, #tpu.memory_space<hbm>> -> memref<10000x32xf32, #tpu.memory_space<hbm>>
      tpu.wait_indirect_dma semaphore(%arg15 : memref<!tpu.dma_semaphore, #tpu.memory_space<semaphore_mem>>) src(%dma_wait3A_133 : memref<10000x32xf32, #tpu.memory_space<hbm>>) dst(%arg10 : memref<128x32xf32, #tpu.memory_space<vmem>>)
      %add3A_134 = arith.constant 1 : i32
      %add3A_135 = arith.addi %mul3A_106, %add3A_134 : i32
      %dma_start3A_136 = arith.constant 0 : i32
      %dma_start3A_137 = tpu.memref_slice %arg8[%add3A_135, %dma_start3A_136] : memref<160x128xi32, #tpu.memory_space<vmem>> -> memref<1x128xi32, #tpu.memory_space<vmem>>
      %dma_start3A_138 = tpu.memref_squeeze %dma_start3A_137 : memref<1x128xi32, #tpu.memory_space<vmem>> -> memref<128xi32, #tpu.memory_space<vmem>>
      %dma_start3A_139 = arith.constant 0 : i32
      %dma_start3A_140 = arith.constant 0 : i32
      %dma_start3A_141 = tpu.memref_slice %arg13[%dma_start3A_139, %dma_start3A_140] : memref<10240x32xf32, #tpu.memory_space<vmem_shared>> -> memref<10240x32xf32, #tpu.memory_space<vmem_shared>>
      tpu.enqueue_indirect_dma source(%arg10 : memref<128x32xf32, #tpu.memory_space<vmem>>) target(%dma_start3A_141 : memref<10240x32xf32, #tpu.memory_space<vmem_shared>>) offsets(%dma_start3A_138 : memref<128xi32, #tpu.memory_space<vmem>>) semaphore(%arg18 : memref<!tpu.dma_semaphore, #tpu.memory_space<semaphore_mem>>) {add = true}
      %add3A_142 = arith.constant 2 : i32
      %add3A_143 = arith.addi %mul3A_106, %add3A_142 : i32
      %dma_wait3A_144 = arith.constant 0 : i32
      %dma_wait3A_145 = tpu.memref_slice %arg7[%add3A_143, %dma_wait3A_144] : memref<160x128xi32, #tpu.memory_space<vmem>> -> memref<1x128xi32, #tpu.memory_space<vmem>>
      %dma_wait3A_146 = tpu.memref_squeeze %dma_wait3A_145 : memref<1x128xi32, #tpu.memory_space<vmem>> -> memref<128xi32, #tpu.memory_space<vmem>>
      %dma_wait3A_147 = arith.constant 0 : i32
      %dma_wait3A_148 = arith.constant 0 : i32
      %dma_wait3A_149 = tpu.memref_slice %arg2[%arg0, %dma_wait3A_147, %dma_wait3A_148] : memref<2x10000x32xf32, #tpu.memory_space<hbm>> -> memref<1x10000x32xf32, #tpu.memory_space<hbm>>
      %dma_wait3A_150 = tpu.memref_squeeze %dma_wait3A_149 : memref<1x10000x32xf32, #tpu.memory_space<hbm>> -> memref<10000x32xf32, #tpu.memory_space<hbm>>
      %dma_wait3A_151 = arith.constant 0 : i32
      %dma_wait3A_152 = arith.constant 0 : i32
      %dma_wait3A_153 = tpu.memref_slice %dma_wait3A_150[%dma_wait3A_151, %dma_wait3A_152] : memref<10000x32xf32, #tpu.memory_space<hbm>> -> memref<10000x32xf32, #tpu.memory_space<hbm>>
      tpu.wait_indirect_dma semaphore(%arg16 : memref<!tpu.dma_semaphore, #tpu.memory_space<semaphore_mem>>) src(%dma_wait3A_153 : memref<10000x32xf32, #tpu.memory_space<hbm>>) dst(%arg11 : memref<128x32xf32, #tpu.memory_space<vmem>>)
      %add3A_154 = arith.constant 2 : i32
      %add3A_155 = arith.addi %mul3A_106, %add3A_154 : i32
      %dma_start3A_156 = arith.constant 0 : i32
      %dma_start3A_157 = tpu.memref_slice %arg8[%add3A_155, %dma_start3A_156] : memref<160x128xi32, #tpu.memory_space<vmem>> -> memref<1x128xi32, #tpu.memory_space<vmem>>
      %dma_start3A_158 = tpu.memref_squeeze %dma_start3A_157 : memref<1x128xi32, #tpu.memory_space<vmem>> -> memref<128xi32, #tpu.memory_space<vmem>>
      %dma_start3A_159 = arith.constant 0 : i32
      %dma_start3A_160 = arith.constant 0 : i32
      %dma_start3A_161 = tpu.memref_slice %arg13[%dma_start3A_159, %dma_start3A_160] : memref<10240x32xf32, #tpu.memory_space<vmem_shared>> -> memref<10240x32xf32, #tpu.memory_space<vmem_shared>>
      tpu.enqueue_indirect_dma source(%arg11 : memref<128x32xf32, #tpu.memory_space<vmem>>) target(%dma_start3A_161 : memref<10240x32xf32, #tpu.memory_space<vmem_shared>>) offsets(%dma_start3A_158 : memref<128xi32, #tpu.memory_space<vmem>>) semaphore(%arg19 : memref<!tpu.dma_semaphore, #tpu.memory_space<semaphore_mem>>) {add = true}
      %add3A_162 = arith.constant 3 : i32
      %add3A_163 = arith.addi %mul3A_106, %add3A_162 : i32
      %dma_wait3A_164 = arith.constant 0 : i32
      %dma_wait3A_165 = tpu.memref_slice %arg7[%add3A_163, %dma_wait3A_164] : memref<160x128xi32, #tpu.memory_space<vmem>> -> memref<1x128xi32, #tpu.memory_space<vmem>>
      %dma_wait3A_166 = tpu.memref_squeeze %dma_wait3A_165 : memref<1x128xi32, #tpu.memory_space<vmem>> -> memref<128xi32, #tpu.memory_space<vmem>>
      %dma_wait3A_167 = arith.constant 0 : i32
      %dma_wait3A_168 = arith.constant 0 : i32
      %dma_wait3A_169 = tpu.memref_slice %arg2[%arg0, %dma_wait3A_167, %dma_wait3A_168] : memref<2x10000x32xf32, #tpu.memory_space<hbm>> -> memref<1x10000x32xf32, #tpu.memory_space<hbm>>
      %dma_wait3A_170 = tpu.memref_squeeze %dma_wait3A_169 : memref<1x10000x32xf32, #tpu.memory_space<hbm>> -> memref<10000x32xf32, #tpu.memory_space<hbm>>
      %dma_wait3A_171 = arith.constant 0 : i32
      %dma_wait3A_172 = arith.constant 0 : i32
      %dma_wait3A_173 = tpu.memref_slice %dma_wait3A_170[%dma_wait3A_171, %dma_wait3A_172] : memref<10000x32xf32, #tpu.memory_space<hbm>> -> memref<10000x32xf32, #tpu.memory_space<hbm>>
      tpu.wait_indirect_dma semaphore(%arg17 : memref<!tpu.dma_semaphore, #tpu.memory_space<semaphore_mem>>) src(%dma_wait3A_173 : memref<10000x32xf32, #tpu.memory_space<hbm>>) dst(%arg12 : memref<128x32xf32, #tpu.memory_space<vmem>>)
      %add3A_174 = arith.constant 3 : i32
      %add3A_175 = arith.addi %mul3A_106, %add3A_174 : i32
      %dma_start3A_176 = arith.constant 0 : i32
      %dma_start3A_177 = tpu.memref_slice %arg8[%add3A_175, %dma_start3A_176] : memref<160x128xi32, #tpu.memory_space<vmem>> -> memref<1x128xi32, #tpu.memory_space<vmem>>
      %dma_start3A_178 = tpu.memref_squeeze %dma_start3A_177 : memref<1x128xi32, #tpu.memory_space<vmem>> -> memref<128xi32, #tpu.memory_space<vmem>>
      %dma_start3A_179 = arith.constant 0 : i32
      %dma_start3A_180 = arith.constant 0 : i32
      %dma_start3A_181 = tpu.memref_slice %arg13[%dma_start3A_179, %dma_start3A_180] : memref<10240x32xf32, #tpu.memory_space<vmem_shared>> -> memref<10240x32xf32, #tpu.memory_space<vmem_shared>>
      tpu.enqueue_indirect_dma source(%arg12 : memref<128x32xf32, #tpu.memory_space<vmem>>) target(%dma_start3A_181 : memref<10240x32xf32, #tpu.memory_space<vmem_shared>>) offsets(%dma_start3A_178 : memref<128xi32, #tpu.memory_space<vmem>>) semaphore(%arg19 : memref<!tpu.dma_semaphore, #tpu.memory_space<semaphore_mem>>) {add = true}
      %dma_wait3A_182 = arith.constant 0 : i32
      %dma_wait3A_183 = tpu.memref_slice %arg8[%mul3A_106, %dma_wait3A_182] : memref<160x128xi32, #tpu.memory_space<vmem>> -> memref<1x128xi32, #tpu.memory_space<vmem>>
      %dma_wait3A_184 = tpu.memref_squeeze %dma_wait3A_183 : memref<1x128xi32, #tpu.memory_space<vmem>> -> memref<128xi32, #tpu.memory_space<vmem>>
      %dma_wait3A_185 = arith.constant 0 : i32
      %dma_wait3A_186 = arith.constant 0 : i32
      %dma_wait3A_187 = tpu.memref_slice %arg13[%dma_wait3A_185, %dma_wait3A_186] : memref<10240x32xf32, #tpu.memory_space<vmem_shared>> -> memref<10240x32xf32, #tpu.memory_space<vmem_shared>>
      tpu.wait_indirect_dma semaphore(%arg18 : memref<!tpu.dma_semaphore, #tpu.memory_space<semaphore_mem>>) src(%arg9 : memref<128x32xf32, #tpu.memory_space<vmem>>) dst(%dma_wait3A_187 : memref<10240x32xf32, #tpu.memory_space<vmem_shared>>)
      %dma_wait3A_188 = arith.constant 0 : i32
      %dma_wait3A_189 = tpu.memref_slice %arg8[%add3A_135, %dma_wait3A_188] : memref<160x128xi32, #tpu.memory_space<vmem>> -> memref<1x128xi32, #tpu.memory_space<vmem>>
      %dma_wait3A_190 = tpu.memref_squeeze %dma_wait3A_189 : memref<1x128xi32, #tpu.memory_space<vmem>> -> memref<128xi32, #tpu.memory_space<vmem>>
      %dma_wait3A_191 = arith.constant 0 : i32
      %dma_wait3A_192 = arith.constant 0 : i32
      %dma_wait3A_193 = tpu.memref_slice %arg13[%dma_wait3A_191, %dma_wait3A_192] : memref<10240x32xf32, #tpu.memory_space<vmem_shared>> -> memref<10240x32xf32, #tpu.memory_space<vmem_shared>>
      tpu.wait_indirect_dma semaphore(%arg18 : memref<!tpu.dma_semaphore, #tpu.memory_space<semaphore_mem>>) src(%arg10 : memref<128x32xf32, #tpu.memory_space<vmem>>) dst(%dma_wait3A_193 : memref<10240x32xf32, #tpu.memory_space<vmem_shared>>)
      %add3A_194 = arith.constant 4 : i32
      %add3A_195 = arith.addi %mul3A_106, %add3A_194 : i32
      %jit3A = arith.constant 160 : i32
      %eq3A = arith.constant 0 : i32
      %eq3A_196 = arith.cmpi eq, %jit3A, %eq3A : i32
      %jit3A_197 = arith.constant 1 : i32
      %select_n3A = arith.select %eq3A_196, %jit3A_197, %jit3A : i32
      %rem3A = arith.remsi %add3A_195, %select_n3A : i32
      %ne3A = arith.constant 0 : i32
      %ne3A_198 = arith.cmpi ne, %rem3A, %ne3A : i32
      %lt3A = arith.constant 0 : i32
      %lt3A_199 = arith.cmpi slt, %rem3A, %lt3A : i32
      %lt3A_200 = arith.constant 0 : i32
      %lt3A_201 = arith.cmpi slt, %select_n3A, %lt3A_200 : i32
      %ne3A_202 = arith.xori %lt3A_199, %lt3A_201 : i1
      %and3A = arith.andi %ne3A_202, %ne3A_198 : i1
      %add3A_203 = arith.addi %rem3A, %select_n3A : i32
      %select_n3A_204 = arith.select %and3A, %add3A_203, %rem3A : i32
      %dma_start3A_205 = arith.constant 0 : i32
      %dma_start3A_206 = tpu.memref_slice %arg7[%select_n3A_204, %dma_start3A_205] : memref<160x128xi32, #tpu.memory_space<vmem>> -> memref<1x128xi32, #tpu.memory_space<vmem>>
      %dma_start3A_207 = tpu.memref_squeeze %dma_start3A_206 : memref<1x128xi32, #tpu.memory_space<vmem>> -> memref<128xi32, #tpu.memory_space<vmem>>
      %dma_start3A_208 = arith.constant 0 : i32
      %dma_start3A_209 = arith.constant 0 : i32
      %dma_start3A_210 = tpu.memref_slice %arg2[%arg0, %dma_start3A_208, %dma_start3A_209] : memref<2x10000x32xf32, #tpu.memory_space<hbm>> -> memref<1x10000x32xf32, #tpu.memory_space<hbm>>
      %dma_start3A_211 = tpu.memref_squeeze %dma_start3A_210 : memref<1x10000x32xf32, #tpu.memory_space<hbm>> -> memref<10000x32xf32, #tpu.memory_space<hbm>>
      %dma_start3A_212 = arith.constant 0 : i32
      %dma_start3A_213 = arith.constant 0 : i32
      %dma_start3A_214 = tpu.memref_slice %dma_start3A_211[%dma_start3A_212, %dma_start3A_213] : memref<10000x32xf32, #tpu.memory_space<hbm>> -> memref<10000x32xf32, #tpu.memory_space<hbm>>
      tpu.enqueue_indirect_dma source(%dma_start3A_214 : memref<10000x32xf32, #tpu.memory_space<hbm>>) target(%arg9 : memref<128x32xf32, #tpu.memory_space<vmem>>) offsets(%dma_start3A_207 : memref<128xi32, #tpu.memory_space<vmem>>) semaphore(%arg14 : memref<!tpu.dma_semaphore, #tpu.memory_space<semaphore_mem>>)
      %add3A_215 = arith.constant 5 : i32
      %add3A_216 = arith.addi %mul3A_106, %add3A_215 : i32
      %jit3A_217 = arith.constant 160 : i32
      %eq3A_218 = arith.constant 0 : i32
      %eq3A_219 = arith.cmpi eq, %jit3A_217, %eq3A_218 : i32
      %jit3A_220 = arith.constant 1 : i32
      %select_n3A_221 = arith.select %eq3A_219, %jit3A_220, %jit3A_217 : i32
      %rem3A_222 = arith.remsi %add3A_216, %select_n3A_221 : i32
      %ne3A_223 = arith.constant 0 : i32
      %ne3A_224 = arith.cmpi ne, %rem3A_222, %ne3A_223 : i32
      %lt3A_225 = arith.constant 0 : i32
      %lt3A_226 = arith.cmpi slt, %rem3A_222, %lt3A_225 : i32
      %lt3A_227 = arith.constant 0 : i32
      %lt3A_228 = arith.cmpi slt, %select_n3A_221, %lt3A_227 : i32
      %ne3A_229 = arith.xori %lt3A_226, %lt3A_228 : i1
      %and3A_230 = arith.andi %ne3A_229, %ne3A_224 : i1
      %add3A_231 = arith.addi %rem3A_222, %select_n3A_221 : i32
      %select_n3A_232 = arith.select %and3A_230, %add3A_231, %rem3A_222 : i32
      %dma_start3A_233 = arith.constant 0 : i32
      %dma_start3A_234 = tpu.memref_slice %arg7[%select_n3A_232, %dma_start3A_233] : memref<160x128xi32, #tpu.memory_space<vmem>> -> memref<1x128xi32, #tpu.memory_space<vmem>>
      %dma_start3A_235 = tpu.memref_squeeze %dma_start3A_234 : memref<1x128xi32, #tpu.memory_space<vmem>> -> memref<128xi32, #tpu.memory_space<vmem>>
      %dma_start3A_236 = arith.constant 0 : i32
      %dma_start3A_237 = arith.constant 0 : i32
      %dma_start3A_238 = tpu.memref_slice %arg2[%arg0, %dma_start3A_236, %dma_start3A_237] : memref<2x10000x32xf32, #tpu.memory_space<hbm>> -> memref<1x10000x32xf32, #tpu.memory_space<hbm>>
      %dma_start3A_239 = tpu.memref_squeeze %dma_start3A_238 : memref<1x10000x32xf32, #tpu.memory_space<hbm>> -> memref<10000x32xf32, #tpu.memory_space<hbm>>
      %dma_start3A_240 = arith.constant 0 : i32
      %dma_start3A_241 = arith.constant 0 : i32
      %dma_start3A_242 = tpu.memref_slice %dma_start3A_239[%dma_start3A_240, %dma_start3A_241] : memref<10000x32xf32, #tpu.memory_space<hbm>> -> memref<10000x32xf32, #tpu.memory_space<hbm>>
      tpu.enqueue_indirect_dma source(%dma_start3A_242 : memref<10000x32xf32, #tpu.memory_space<hbm>>) target(%arg10 : memref<128x32xf32, #tpu.memory_space<vmem>>) offsets(%dma_start3A_235 : memref<128xi32, #tpu.memory_space<vmem>>) semaphore(%arg15 : memref<!tpu.dma_semaphore, #tpu.memory_space<semaphore_mem>>)
      %dma_wait3A_243 = arith.constant 0 : i32
      %dma_wait3A_244 = tpu.memref_slice %arg8[%add3A_155, %dma_wait3A_243] : memref<160x128xi32, #tpu.memory_space<vmem>> -> memref<1x128xi32, #tpu.memory_space<vmem>>
      %dma_wait3A_245 = tpu.memref_squeeze %dma_wait3A_244 : memref<1x128xi32, #tpu.memory_space<vmem>> -> memref<128xi32, #tpu.memory_space<vmem>>
      %dma_wait3A_246 = arith.constant 0 : i32
      %dma_wait3A_247 = arith.constant 0 : i32
      %dma_wait3A_248 = tpu.memref_slice %arg13[%dma_wait3A_246, %dma_wait3A_247] : memref<10240x32xf32, #tpu.memory_space<vmem_shared>> -> memref<10240x32xf32, #tpu.memory_space<vmem_shared>>
      tpu.wait_indirect_dma semaphore(%arg19 : memref<!tpu.dma_semaphore, #tpu.memory_space<semaphore_mem>>) src(%arg11 : memref<128x32xf32, #tpu.memory_space<vmem>>) dst(%dma_wait3A_248 : memref<10240x32xf32, #tpu.memory_space<vmem_shared>>)
      %dma_wait3A_249 = arith.constant 0 : i32
      %dma_wait3A_250 = tpu.memref_slice %arg8[%add3A_175, %dma_wait3A_249] : memref<160x128xi32, #tpu.memory_space<vmem>> -> memref<1x128xi32, #tpu.memory_space<vmem>>
      %dma_wait3A_251 = tpu.memref_squeeze %dma_wait3A_250 : memref<1x128xi32, #tpu.memory_space<vmem>> -> memref<128xi32, #tpu.memory_space<vmem>>
      %dma_wait3A_252 = arith.constant 0 : i32
      %dma_wait3A_253 = arith.constant 0 : i32
      %dma_wait3A_254 = tpu.memref_slice %arg13[%dma_wait3A_252, %dma_wait3A_253] : memref<10240x32xf32, #tpu.memory_space<vmem_shared>> -> memref<10240x32xf32, #tpu.memory_space<vmem_shared>>
      tpu.wait_indirect_dma semaphore(%arg19 : memref<!tpu.dma_semaphore, #tpu.memory_space<semaphore_mem>>) src(%arg12 : memref<128x32xf32, #tpu.memory_space<vmem>>) dst(%dma_wait3A_254 : memref<10240x32xf32, #tpu.memory_space<vmem_shared>>)
      %add3A_255 = arith.constant 6 : i32
      %add3A_256 = arith.addi %mul3A_106, %add3A_255 : i32
      %jit3A_257 = arith.constant 160 : i32
      %eq3A_258 = arith.constant 0 : i32
      %eq3A_259 = arith.cmpi eq, %jit3A_257, %eq3A_258 : i32
      %jit3A_260 = arith.constant 1 : i32
      %select_n3A_261 = arith.select %eq3A_259, %jit3A_260, %jit3A_257 : i32
      %rem3A_262 = arith.remsi %add3A_256, %select_n3A_261 : i32
      %ne3A_263 = arith.constant 0 : i32
      %ne3A_264 = arith.cmpi ne, %rem3A_262, %ne3A_263 : i32
      %lt3A_265 = arith.constant 0 : i32
      %lt3A_266 = arith.cmpi slt, %rem3A_262, %lt3A_265 : i32
      %lt3A_267 = arith.constant 0 : i32
      %lt3A_268 = arith.cmpi slt, %select_n3A_261, %lt3A_267 : i32
      %ne3A_269 = arith.xori %lt3A_266, %lt3A_268 : i1
      %and3A_270 = arith.andi %ne3A_269, %ne3A_264 : i1
      %add3A_271 = arith.addi %rem3A_262, %select_n3A_261 : i32
      %select_n3A_272 = arith.select %and3A_270, %add3A_271, %rem3A_262 : i32
      %dma_start3A_273 = arith.constant 0 : i32
      %dma_start3A_274 = tpu.memref_slice %arg7[%select_n3A_272, %dma_start3A_273] : memref<160x128xi32, #tpu.memory_space<vmem>> -> memref<1x128xi32, #tpu.memory_space<vmem>>
      %dma_start3A_275 = tpu.memref_squeeze %dma_start3A_274 : memref<1x128xi32, #tpu.memory_space<vmem>> -> memref<128xi32, #tpu.memory_space<vmem>>
      %dma_start3A_276 = arith.constant 0 : i32
      %dma_start3A_277 = arith.constant 0 : i32
      %dma_start3A_278 = tpu.memref_slice %arg2[%arg0, %dma_start3A_276, %dma_start3A_277] : memref<2x10000x32xf32, #tpu.memory_space<hbm>> -> memref<1x10000x32xf32, #tpu.memory_space<hbm>>
      %dma_start3A_279 = tpu.memref_squeeze %dma_start3A_278 : memref<1x10000x32xf32, #tpu.memory_space<hbm>> -> memref<10000x32xf32, #tpu.memory_space<hbm>>
      %dma_start3A_280 = arith.constant 0 : i32
      %dma_start3A_281 = arith.constant 0 : i32
      %dma_start3A_282 = tpu.memref_slice %dma_start3A_279[%dma_start3A_280, %dma_start3A_281] : memref<10000x32xf32, #tpu.memory_space<hbm>> -> memref<10000x32xf32, #tpu.memory_space<hbm>>
      tpu.enqueue_indirect_dma source(%dma_start3A_282 : memref<10000x32xf32, #tpu.memory_space<hbm>>) target(%arg11 : memref<128x32xf32, #tpu.memory_space<vmem>>) offsets(%dma_start3A_275 : memref<128xi32, #tpu.memory_space<vmem>>) semaphore(%arg16 : memref<!tpu.dma_semaphore, #tpu.memory_space<semaphore_mem>>)
      %add3A_283 = arith.constant 7 : i32
      %add3A_284 = arith.addi %mul3A_106, %add3A_283 : i32
      %jit3A_285 = arith.constant 160 : i32
      %eq3A_286 = arith.constant 0 : i32
      %eq3A_287 = arith.cmpi eq, %jit3A_285, %eq3A_286 : i32
      %jit3A_288 = arith.constant 1 : i32
      %select_n3A_289 = arith.select %eq3A_287, %jit3A_288, %jit3A_285 : i32
      %rem3A_290 = arith.remsi %add3A_284, %select_n3A_289 : i32
      %ne3A_291 = arith.constant 0 : i32
      %ne3A_292 = arith.cmpi ne, %rem3A_290, %ne3A_291 : i32
      %lt3A_293 = arith.constant 0 : i32
      %lt3A_294 = arith.cmpi slt, %rem3A_290, %lt3A_293 : i32
      %lt3A_295 = arith.constant 0 : i32
      %lt3A_296 = arith.cmpi slt, %select_n3A_289, %lt3A_295 : i32
      %ne3A_297 = arith.xori %lt3A_294, %lt3A_296 : i1
      %and3A_298 = arith.andi %ne3A_297, %ne3A_292 : i1
      %add3A_299 = arith.addi %rem3A_290, %select_n3A_289 : i32
      %select_n3A_300 = arith.select %and3A_298, %add3A_299, %rem3A_290 : i32
      %dma_start3A_301 = arith.constant 0 : i32
      %dma_start3A_302 = tpu.memref_slice %arg7[%select_n3A_300, %dma_start3A_301] : memref<160x128xi32, #tpu.memory_space<vmem>> -> memref<1x128xi32, #tpu.memory_space<vmem>>
      %dma_start3A_303 = tpu.memref_squeeze %dma_start3A_302 : memref<1x128xi32, #tpu.memory_space<vmem>> -> memref<128xi32, #tpu.memory_space<vmem>>
      %dma_start3A_304 = arith.constant 0 : i32
      %dma_start3A_305 = arith.constant 0 : i32
      %dma_start3A_306 = tpu.memref_slice %arg2[%arg0, %dma_start3A_304, %dma_start3A_305] : memref<2x10000x32xf32, #tpu.memory_space<hbm>> -> memref<1x10000x32xf32, #tpu.memory_space<hbm>>
      %dma_start3A_307 = tpu.memref_squeeze %dma_start3A_306 : memref<1x10000x32xf32, #tpu.memory_space<hbm>> -> memref<10000x32xf32, #tpu.memory_space<hbm>>
      %dma_start3A_308 = arith.constant 0 : i32
      %dma_start3A_309 = arith.constant 0 : i32
      %dma_start3A_310 = tpu.memref_slice %dma_start3A_307[%dma_start3A_308, %dma_start3A_309] : memref<10000x32xf32, #tpu.memory_space<hbm>> -> memref<10000x32xf32, #tpu.memory_space<hbm>>
      tpu.enqueue_indirect_dma source(%dma_start3A_310 : memref<10000x32xf32, #tpu.memory_space<hbm>>) target(%arg12 : memref<128x32xf32, #tpu.memory_space<vmem>>) offsets(%dma_start3A_303 : memref<128xi32, #tpu.memory_space<vmem>>) semaphore(%arg17 : memref<!tpu.dma_semaphore, #tpu.memory_space<semaphore_mem>>)
      %scan3A_311 = arith.constant 0 : i32
      scf.yield %scan3A_311 : i32
    }
    %scan3A_55 = arith.constant 40 : i32
    %dma_wait3A = arith.constant 0 : i32
    %dma_wait3A_56 = arith.constant 0 : i32
    %dma_wait3A_57 = tpu.memref_slice %arg7[%dma_wait3A, %dma_wait3A_56] : memref<160x128xi32, #tpu.memory_space<vmem>> -> memref<1x128xi32, #tpu.memory_space<vmem>>
    %dma_wait3A_58 = tpu.memref_squeeze %dma_wait3A_57 : memref<1x128xi32, #tpu.memory_space<vmem>> -> memref<128xi32, #tpu.memory_space<vmem>>
    %dma_wait3A_59 = arith.constant 0 : i32
    %dma_wait3A_60 = arith.constant 0 : i32
    %dma_wait3A_61 = tpu.memref_slice %arg2[%arg0, %dma_wait3A_59, %dma_wait3A_60] : memref<2x10000x32xf32, #tpu.memory_space<hbm>> -> memref<1x10000x32xf32, #tpu.memory_space<hbm>>
    %dma_wait3A_62 = tpu.memref_squeeze %dma_wait3A_61 : memref<1x10000x32xf32, #tpu.memory_space<hbm>> -> memref<10000x32xf32, #tpu.memory_space<hbm>>
    %dma_wait3A_63 = arith.constant 0 : i32
    %dma_wait3A_64 = arith.constant 0 : i32
    %dma_wait3A_65 = tpu.memref_slice %dma_wait3A_62[%dma_wait3A_63, %dma_wait3A_64] : memref<10000x32xf32, #tpu.memory_space<hbm>> -> memref<10000x32xf32, #tpu.memory_space<hbm>>
    tpu.wait_indirect_dma semaphore(%arg14 : memref<!tpu.dma_semaphore, #tpu.memory_space<semaphore_mem>>) src(%dma_wait3A_65 : memref<10000x32xf32, #tpu.memory_space<hbm>>) dst(%arg9 : memref<128x32xf32, #tpu.memory_space<vmem>>)
    %dma_wait3A_66 = arith.constant 1 : i32
    %dma_wait3A_67 = arith.constant 0 : i32
    %dma_wait3A_68 = tpu.memref_slice %arg7[%dma_wait3A_66, %dma_wait3A_67] : memref<160x128xi32, #tpu.memory_space<vmem>> -> memref<1x128xi32, #tpu.memory_space<vmem>>
    %dma_wait3A_69 = tpu.memref_squeeze %dma_wait3A_68 : memref<1x128xi32, #tpu.memory_space<vmem>> -> memref<128xi32, #tpu.memory_space<vmem>>
    %dma_wait3A_70 = arith.constant 0 : i32
    %dma_wait3A_71 = arith.constant 0 : i32
    %dma_wait3A_72 = tpu.memref_slice %arg2[%arg0, %dma_wait3A_70, %dma_wait3A_71] : memref<2x10000x32xf32, #tpu.memory_space<hbm>> -> memref<1x10000x32xf32, #tpu.memory_space<hbm>>
    %dma_wait3A_73 = tpu.memref_squeeze %dma_wait3A_72 : memref<1x10000x32xf32, #tpu.memory_space<hbm>> -> memref<10000x32xf32, #tpu.memory_space<hbm>>
    %dma_wait3A_74 = arith.constant 0 : i32
    %dma_wait3A_75 = arith.constant 0 : i32
    %dma_wait3A_76 = tpu.memref_slice %dma_wait3A_73[%dma_wait3A_74, %dma_wait3A_75] : memref<10000x32xf32, #tpu.memory_space<hbm>> -> memref<10000x32xf32, #tpu.memory_space<hbm>>
    tpu.wait_indirect_dma semaphore(%arg15 : memref<!tpu.dma_semaphore, #tpu.memory_space<semaphore_mem>>) src(%dma_wait3A_76 : memref<10000x32xf32, #tpu.memory_space<hbm>>) dst(%arg10 : memref<128x32xf32, #tpu.memory_space<vmem>>)
    %dma_wait3A_77 = arith.constant 2 : i32
    %dma_wait3A_78 = arith.constant 0 : i32
    %dma_wait3A_79 = tpu.memref_slice %arg7[%dma_wait3A_77, %dma_wait3A_78] : memref<160x128xi32, #tpu.memory_space<vmem>> -> memref<1x128xi32, #tpu.memory_space<vmem>>
    %dma_wait3A_80 = tpu.memref_squeeze %dma_wait3A_79 : memref<1x128xi32, #tpu.memory_space<vmem>> -> memref<128xi32, #tpu.memory_space<vmem>>
    %dma_wait3A_81 = arith.constant 0 : i32
    %dma_wait3A_82 = arith.constant 0 : i32
    %dma_wait3A_83 = tpu.memref_slice %arg2[%arg0, %dma_wait3A_81, %dma_wait3A_82] : memref<2x10000x32xf32, #tpu.memory_space<hbm>> -> memref<1x10000x32xf32, #tpu.memory_space<hbm>>
    %dma_wait3A_84 = tpu.memref_squeeze %dma_wait3A_83 : memref<1x10000x32xf32, #tpu.memory_space<hbm>> -> memref<10000x32xf32, #tpu.memory_space<hbm>>
    %dma_wait3A_85 = arith.constant 0 : i32
    %dma_wait3A_86 = arith.constant 0 : i32
    %dma_wait3A_87 = tpu.memref_slice %dma_wait3A_84[%dma_wait3A_85, %dma_wait3A_86] : memref<10000x32xf32, #tpu.memory_space<hbm>> -> memref<10000x32xf32, #tpu.memory_space<hbm>>
    tpu.wait_indirect_dma semaphore(%arg16 : memref<!tpu.dma_semaphore, #tpu.memory_space<semaphore_mem>>) src(%dma_wait3A_87 : memref<10000x32xf32, #tpu.memory_space<hbm>>) dst(%arg11 : memref<128x32xf32, #tpu.memory_space<vmem>>)
    %dma_wait3A_88 = arith.constant 3 : i32
    %dma_wait3A_89 = arith.constant 0 : i32
    %dma_wait3A_90 = tpu.memref_slice %arg7[%dma_wait3A_88, %dma_wait3A_89] : memref<160x128xi32, #tpu.memory_space<vmem>> -> memref<1x128xi32, #tpu.memory_space<vmem>>
    %dma_wait3A_91 = tpu.memref_squeeze %dma_wait3A_90 : memref<1x128xi32, #tpu.memory_space<vmem>> -> memref<128xi32, #tpu.memory_space<vmem>>
    %dma_wait3A_92 = arith.constant 0 : i32
    %dma_wait3A_93 = arith.constant 0 : i32
    %dma_wait3A_94 = tpu.memref_slice %arg2[%arg0, %dma_wait3A_92, %dma_wait3A_93] : memref<2x10000x32xf32, #tpu.memory_space<hbm>> -> memref<1x10000x32xf32, #tpu.memory_space<hbm>>
    %dma_wait3A_95 = tpu.memref_squeeze %dma_wait3A_94 : memref<1x10000x32xf32, #tpu.memory_space<hbm>> -> memref<10000x32xf32, #tpu.memory_space<hbm>>
    %dma_wait3A_96 = arith.constant 0 : i32
    %dma_wait3A_97 = arith.constant 0 : i32
    %dma_wait3A_98 = tpu.memref_slice %dma_wait3A_95[%dma_wait3A_96, %dma_wait3A_97] : memref<10000x32xf32, #tpu.memory_space<hbm>> -> memref<10000x32xf32, #tpu.memory_space<hbm>>
    tpu.wait_indirect_dma semaphore(%arg17 : memref<!tpu.dma_semaphore, #tpu.memory_space<semaphore_mem>>) src(%dma_wait3A_98 : memref<10000x32xf32, #tpu.memory_space<hbm>>) dst(%arg12 : memref<128x32xf32, #tpu.memory_space<vmem>>)
    %barrier3A_99 = arith.constant 0 : index
    tpu.barrier barrier_id(%barrier3A_99)
    %mul3A = arith.constant 640 : i32
    %mul3A_100 = arith.muli %arg1, %mul3A : i32
    %mul3A_101 = arith.constant 640 : i32
    %mul3A_102 = arith.muli %arg1, %mul3A_101 : i32
    "tpu.region"() ({
      %run_scoped3A = tpu.sem_alloc : memref<!tpu.dma_semaphore, #tpu.memory_space<semaphore_mem>>
      %dma_start3A_103 = arith.constant 0 : i32
      %dma_start3A_104 = tpu.memref_slice %arg6[%arg0, %mul3A_102, %dma_start3A_103] : memref<2x10240x32xf32, #tpu.memory_space<hbm>> -> memref<1x640x32xf32, #tpu.memory_space<hbm>>
      %dma_start3A_105 = tpu.memref_squeeze %dma_start3A_104 : memref<1x640x32xf32, #tpu.memory_space<hbm>> -> memref<640x32xf32, #tpu.memory_space<hbm>>
      %dma_start3A_106 = arith.constant 0 : i32
      %dma_start3A_107 = tpu.memref_slice %arg13[%mul3A_100, %dma_start3A_106] : memref<10240x32xf32, #tpu.memory_space<vmem_shared>> -> memref<640x32xf32, #tpu.memory_space<vmem_shared>>
      tpu.enqueue_dma source(%dma_start3A_107 : memref<640x32xf32, #tpu.memory_space<vmem_shared>>) target(%dma_start3A_105 : memref<640x32xf32, #tpu.memory_space<hbm>>) target_semaphore(%run_scoped3A : memref<!tpu.dma_semaphore, #tpu.memory_space<semaphore_mem>>)
      %dma_wait3A_108 = arith.constant 0 : i32
      %dma_wait3A_109 = tpu.memref_slice %arg6[%arg0, %mul3A_102, %dma_wait3A_108] : memref<2x10240x32xf32, #tpu.memory_space<hbm>> -> memref<1x640x32xf32, #tpu.memory_space<hbm>>
      %dma_wait3A_110 = tpu.memref_squeeze %dma_wait3A_109 : memref<1x640x32xf32, #tpu.memory_space<hbm>> -> memref<640x32xf32, #tpu.memory_space<hbm>>
      %dma_wait3A_111 = arith.constant 0 : i32
      %dma_wait3A_112 = tpu.memref_slice %arg13[%mul3A_100, %dma_wait3A_111] : memref<10240x32xf32, #tpu.memory_space<vmem_shared>> -> memref<640x32xf32, #tpu.memory_space<vmem_shared>>
      tpu.wait_dma2 semaphore(%run_scoped3A : memref<!tpu.dma_semaphore, #tpu.memory_space<semaphore_mem>>) src(%dma_wait3A_112 : memref<640x32xf32, #tpu.memory_space<vmem_shared>>) dst(%dma_wait3A_110 : memref<640x32xf32, #tpu.memory_space<hbm>>)
      tpu.yield
    }) : () -> ()
    return
  }
}

#map = affine_map<(d0, d1) -> (0, 0, 0)>
module attributes {stable_mosaic.version = 14 : i64} {
  func.func @_sc_degree(%arg0: i32, %arg1: i32, %arg2: memref<16x160x128xi32, #tpu.memory_space<hbm>>, %arg3: memref<2x128x8xf32, #tpu.memory_space<hbm>>, %arg4: memref<2x10240x8xf32, #tpu.memory_space<hbm>>, %arg5: memref<80x128xi32, #tpu.memory_space<vmem>>, %arg6: memref<128x8xf32, #tpu.memory_space<vmem>>, %arg7: memref<10240x8xf32, #tpu.memory_space<vmem_shared>>, %arg8: memref<!tpu.dma_semaphore, #tpu.memory_space<semaphore_mem>>, %arg9: memref<!tpu.dma_semaphore, #tpu.memory_space<semaphore_mem>>) attributes {dimension_semantics = [#tpu.dimension_semantics<core_parallel>, #tpu.dimension_semantics<subcore_parallel>], iteration_bounds = array<i64: 2, 16>, scalar_prefetch = 0 : i64, scratch_operands = 5 : i64, tpu.core_type = #tpu.core_type<sc_vector_subcore>, window_params = [{transform_indices = #map}, {transform_indices = #map}, {transform_indices = #map}]} {
    %mul3A = arith.constant 80 : i32
    %mul3A_0 = arith.muli %arg0, %mul3A : i32
    "tpu.region"() ({
      %run_scoped3A_20 = tpu.sem_alloc : memref<!tpu.dma_semaphore, #tpu.memory_space<semaphore_mem>>
      %dma_start3A = arith.constant 0 : i32
      %dma_start3A_21 = tpu.memref_slice %arg2[%arg1, %mul3A_0, %dma_start3A] : memref<16x160x128xi32, #tpu.memory_space<hbm>> -> memref<1x80x128xi32, #tpu.memory_space<hbm>>
      %dma_start3A_22 = tpu.memref_squeeze %dma_start3A_21 : memref<1x80x128xi32, #tpu.memory_space<hbm>> -> memref<80x128xi32, #tpu.memory_space<hbm>>
      %dma_start3A_23 = arith.constant 0 : i32
      %dma_start3A_24 = tpu.memref_slice %arg2[%arg1, %mul3A_0, %dma_start3A_23] : memref<16x160x128xi32, #tpu.memory_space<hbm>> -> memref<1x80x128xi32, #tpu.memory_space<hbm>>
      %dma_start3A_25 = tpu.memref_squeeze %dma_start3A_24 : memref<1x80x128xi32, #tpu.memory_space<hbm>> -> memref<80x128xi32, #tpu.memory_space<hbm>>
      tpu.enqueue_dma source(%dma_start3A_25 : memref<80x128xi32, #tpu.memory_space<hbm>>) target(%arg5 : memref<80x128xi32, #tpu.memory_space<vmem>>) target_semaphore(%run_scoped3A_20 : memref<!tpu.dma_semaphore, #tpu.memory_space<semaphore_mem>>)
      %dma_wait3A = arith.constant 0 : i32
      %dma_wait3A_26 = tpu.memref_slice %arg2[%arg1, %mul3A_0, %dma_wait3A] : memref<16x160x128xi32, #tpu.memory_space<hbm>> -> memref<1x80x128xi32, #tpu.memory_space<hbm>>
      %dma_wait3A_27 = tpu.memref_squeeze %dma_wait3A_26 : memref<1x80x128xi32, #tpu.memory_space<hbm>> -> memref<80x128xi32, #tpu.memory_space<hbm>>
      %dma_wait3A_28 = arith.constant 0 : i32
      %dma_wait3A_29 = tpu.memref_slice %arg2[%arg1, %mul3A_0, %dma_wait3A_28] : memref<16x160x128xi32, #tpu.memory_space<hbm>> -> memref<1x80x128xi32, #tpu.memory_space<hbm>>
      %dma_wait3A_30 = tpu.memref_squeeze %dma_wait3A_29 : memref<1x80x128xi32, #tpu.memory_space<hbm>> -> memref<80x128xi32, #tpu.memory_space<hbm>>
      tpu.wait_dma2 semaphore(%run_scoped3A_20 : memref<!tpu.dma_semaphore, #tpu.memory_space<semaphore_mem>>) src(%dma_wait3A_30 : memref<80x128xi32, #tpu.memory_space<hbm>>) dst(%arg5 : memref<80x128xi32, #tpu.memory_space<vmem>>)
      tpu.yield
    }) : () -> ()
    %run_scoped3A = arith.constant 0 : i32
    "tpu.region"() ({
      %run_scoped3A_20 = tpu.sem_alloc : memref<!tpu.dma_semaphore, #tpu.memory_space<semaphore_mem>>
      %dma_start3A = arith.constant 0 : i32
      %dma_start3A_21 = arith.constant 0 : i32
      %dma_start3A_22 = tpu.memref_slice %arg3[%run_scoped3A, %dma_start3A, %dma_start3A_21] : memref<2x128x8xf32, #tpu.memory_space<hbm>> -> memref<1x128x8xf32, #tpu.memory_space<hbm>>
      %dma_start3A_23 = tpu.memref_squeeze %dma_start3A_22 : memref<1x128x8xf32, #tpu.memory_space<hbm>> -> memref<128x8xf32, #tpu.memory_space<hbm>>
      %dma_start3A_24 = arith.constant 0 : i32
      %dma_start3A_25 = arith.constant 0 : i32
      %dma_start3A_26 = tpu.memref_slice %arg3[%run_scoped3A, %dma_start3A_24, %dma_start3A_25] : memref<2x128x8xf32, #tpu.memory_space<hbm>> -> memref<1x128x8xf32, #tpu.memory_space<hbm>>
      %dma_start3A_27 = tpu.memref_squeeze %dma_start3A_26 : memref<1x128x8xf32, #tpu.memory_space<hbm>> -> memref<128x8xf32, #tpu.memory_space<hbm>>
      tpu.enqueue_dma source(%dma_start3A_27 : memref<128x8xf32, #tpu.memory_space<hbm>>) target(%arg6 : memref<128x8xf32, #tpu.memory_space<vmem>>) target_semaphore(%run_scoped3A_20 : memref<!tpu.dma_semaphore, #tpu.memory_space<semaphore_mem>>)
      %dma_wait3A = arith.constant 0 : i32
      %dma_wait3A_28 = arith.constant 0 : i32
      %dma_wait3A_29 = tpu.memref_slice %arg3[%run_scoped3A, %dma_wait3A, %dma_wait3A_28] : memref<2x128x8xf32, #tpu.memory_space<hbm>> -> memref<1x128x8xf32, #tpu.memory_space<hbm>>
      %dma_wait3A_30 = tpu.memref_squeeze %dma_wait3A_29 : memref<1x128x8xf32, #tpu.memory_space<hbm>> -> memref<128x8xf32, #tpu.memory_space<hbm>>
      %dma_wait3A_31 = arith.constant 0 : i32
      %dma_wait3A_32 = arith.constant 0 : i32
      %dma_wait3A_33 = tpu.memref_slice %arg3[%run_scoped3A, %dma_wait3A_31, %dma_wait3A_32] : memref<2x128x8xf32, #tpu.memory_space<hbm>> -> memref<1x128x8xf32, #tpu.memory_space<hbm>>
      %dma_wait3A_34 = tpu.memref_squeeze %dma_wait3A_33 : memref<1x128x8xf32, #tpu.memory_space<hbm>> -> memref<128x8xf32, #tpu.memory_space<hbm>>
      tpu.wait_dma2 semaphore(%run_scoped3A_20 : memref<!tpu.dma_semaphore, #tpu.memory_space<semaphore_mem>>) src(%dma_wait3A_34 : memref<128x8xf32, #tpu.memory_space<hbm>>) dst(%arg6 : memref<128x8xf32, #tpu.memory_space<vmem>>)
      tpu.yield
    }) : () -> ()
    %scan3A = arith.constant 0 : i32
    %scan3A_1 = arith.constant 0 : i32
    %scan3A_2 = arith.constant 5 : i32
    %scan3A_3 = arith.addi %scan3A_1, %scan3A_2 : i32
    %scan3A_4 = arith.constant 1 : i32
    %scan3A_5 = scf.for %scan3A_20 = %scan3A_1 to %scan3A_3 step %scan3A_4 iter_args(%scan3A_21 = %scan3A) -> (i32)  : i32 {
      %mul3A_22 = arith.constant 640 : i32
      %mul3A_23 = arith.muli %arg1, %mul3A_22 : i32
      %mul3A_24 = arith.constant 128 : i32
      %mul3A_25 = arith.muli %scan3A_20, %mul3A_24 : i32
      %add3A = arith.addi %mul3A_23, %mul3A_25 : i32
      "tpu.region"() ({
        %run_scoped3A_27 = tpu.sem_alloc : memref<!tpu.dma_semaphore, #tpu.memory_space<semaphore_mem>>
        %dma_start3A = arith.constant 0 : i32
        %dma_start3A_28 = tpu.memref_slice %arg7[%add3A, %dma_start3A] : memref<10240x8xf32, #tpu.memory_space<vmem_shared>> -> memref<128x8xf32, #tpu.memory_space<vmem_shared>>
        %dma_start3A_29 = arith.constant 0 : i32
        %dma_start3A_30 = tpu.memref_slice %arg7[%add3A, %dma_start3A_29] : memref<10240x8xf32, #tpu.memory_space<vmem_shared>> -> memref<128x8xf32, #tpu.memory_space<vmem_shared>>
        tpu.enqueue_dma source(%arg6 : memref<128x8xf32, #tpu.memory_space<vmem>>) target(%dma_start3A_30 : memref<128x8xf32, #tpu.memory_space<vmem_shared>>) target_semaphore(%run_scoped3A_27 : memref<!tpu.dma_semaphore, #tpu.memory_space<semaphore_mem>>)
        %dma_wait3A = arith.constant 0 : i32
        %dma_wait3A_31 = tpu.memref_slice %arg7[%add3A, %dma_wait3A] : memref<10240x8xf32, #tpu.memory_space<vmem_shared>> -> memref<128x8xf32, #tpu.memory_space<vmem_shared>>
        %dma_wait3A_32 = arith.constant 0 : i32
        %dma_wait3A_33 = tpu.memref_slice %arg7[%add3A, %dma_wait3A_32] : memref<10240x8xf32, #tpu.memory_space<vmem_shared>> -> memref<128x8xf32, #tpu.memory_space<vmem_shared>>
        tpu.wait_dma2 semaphore(%run_scoped3A_27 : memref<!tpu.dma_semaphore, #tpu.memory_space<semaphore_mem>>) src(%arg6 : memref<128x8xf32, #tpu.memory_space<vmem>>) dst(%dma_wait3A_33 : memref<128x8xf32, #tpu.memory_space<vmem_shared>>)
        tpu.yield
      }) : () -> ()
      %scan3A_26 = arith.constant 0 : i32
      scf.yield %scan3A_26 : i32
    }
    %scan3A_6 = arith.constant 5 : i32
    %barrier3A = arith.constant 0 : index
    tpu.barrier barrier_id(%barrier3A)
    %run_scoped3A_7 = arith.constant 1 : i32
    "tpu.region"() ({
      %run_scoped3A_20 = tpu.sem_alloc : memref<!tpu.dma_semaphore, #tpu.memory_space<semaphore_mem>>
      %dma_start3A = arith.constant 0 : i32
      %dma_start3A_21 = arith.constant 0 : i32
      %dma_start3A_22 = tpu.memref_slice %arg3[%run_scoped3A_7, %dma_start3A, %dma_start3A_21] : memref<2x128x8xf32, #tpu.memory_space<hbm>> -> memref<1x128x8xf32, #tpu.memory_space<hbm>>
      %dma_start3A_23 = tpu.memref_squeeze %dma_start3A_22 : memref<1x128x8xf32, #tpu.memory_space<hbm>> -> memref<128x8xf32, #tpu.memory_space<hbm>>
      %dma_start3A_24 = arith.constant 0 : i32
      %dma_start3A_25 = arith.constant 0 : i32
      %dma_start3A_26 = tpu.memref_slice %arg3[%run_scoped3A_7, %dma_start3A_24, %dma_start3A_25] : memref<2x128x8xf32, #tpu.memory_space<hbm>> -> memref<1x128x8xf32, #tpu.memory_space<hbm>>
      %dma_start3A_27 = tpu.memref_squeeze %dma_start3A_26 : memref<1x128x8xf32, #tpu.memory_space<hbm>> -> memref<128x8xf32, #tpu.memory_space<hbm>>
      tpu.enqueue_dma source(%dma_start3A_27 : memref<128x8xf32, #tpu.memory_space<hbm>>) target(%arg6 : memref<128x8xf32, #tpu.memory_space<vmem>>) target_semaphore(%run_scoped3A_20 : memref<!tpu.dma_semaphore, #tpu.memory_space<semaphore_mem>>)
      %dma_wait3A = arith.constant 0 : i32
      %dma_wait3A_28 = arith.constant 0 : i32
      %dma_wait3A_29 = tpu.memref_slice %arg3[%run_scoped3A_7, %dma_wait3A, %dma_wait3A_28] : memref<2x128x8xf32, #tpu.memory_space<hbm>> -> memref<1x128x8xf32, #tpu.memory_space<hbm>>
      %dma_wait3A_30 = tpu.memref_squeeze %dma_wait3A_29 : memref<1x128x8xf32, #tpu.memory_space<hbm>> -> memref<128x8xf32, #tpu.memory_space<hbm>>
      %dma_wait3A_31 = arith.constant 0 : i32
      %dma_wait3A_32 = arith.constant 0 : i32
      %dma_wait3A_33 = tpu.memref_slice %arg3[%run_scoped3A_7, %dma_wait3A_31, %dma_wait3A_32] : memref<2x128x8xf32, #tpu.memory_space<hbm>> -> memref<1x128x8xf32, #tpu.memory_space<hbm>>
      %dma_wait3A_34 = tpu.memref_squeeze %dma_wait3A_33 : memref<1x128x8xf32, #tpu.memory_space<hbm>> -> memref<128x8xf32, #tpu.memory_space<hbm>>
      tpu.wait_dma2 semaphore(%run_scoped3A_20 : memref<!tpu.dma_semaphore, #tpu.memory_space<semaphore_mem>>) src(%dma_wait3A_34 : memref<128x8xf32, #tpu.memory_space<hbm>>) dst(%arg6 : memref<128x8xf32, #tpu.memory_space<vmem>>)
      tpu.yield
    }) : () -> ()
    %scan3A_8 = arith.constant 0 : i32
    %scan3A_9 = arith.constant 0 : i32
    %scan3A_10 = arith.constant 40 : i32
    %scan3A_11 = arith.addi %scan3A_9, %scan3A_10 : i32
    %scan3A_12 = arith.constant 1 : i32
    %scan3A_13 = scf.for %scan3A_20 = %scan3A_9 to %scan3A_11 step %scan3A_12 iter_args(%scan3A_21 = %scan3A_8) -> (i32)  : i32 {
      %mul3A_22 = arith.constant 2 : i32
      %mul3A_23 = arith.muli %mul3A_22, %scan3A_20 : i32
      %dma_start3A = arith.constant 0 : i32
      %dma_start3A_24 = tpu.memref_slice %arg5[%mul3A_23, %dma_start3A] : memref<80x128xi32, #tpu.memory_space<vmem>> -> memref<1x128xi32, #tpu.memory_space<vmem>>
      %dma_start3A_25 = tpu.memref_squeeze %dma_start3A_24 : memref<1x128xi32, #tpu.memory_space<vmem>> -> memref<128xi32, #tpu.memory_space<vmem>>
      %dma_start3A_26 = arith.constant 0 : i32
      %dma_start3A_27 = arith.constant 0 : i32
      %dma_start3A_28 = tpu.memref_slice %arg7[%dma_start3A_26, %dma_start3A_27] : memref<10240x8xf32, #tpu.memory_space<vmem_shared>> -> memref<10240x8xf32, #tpu.memory_space<vmem_shared>>
      tpu.enqueue_indirect_dma source(%arg6 : memref<128x8xf32, #tpu.memory_space<vmem>>) target(%dma_start3A_28 : memref<10240x8xf32, #tpu.memory_space<vmem_shared>>) offsets(%dma_start3A_25 : memref<128xi32, #tpu.memory_space<vmem>>) semaphore(%arg8 : memref<!tpu.dma_semaphore, #tpu.memory_space<semaphore_mem>>) {add = true}
      %mul3A_29 = arith.constant 2 : i32
      %mul3A_30 = arith.muli %mul3A_29, %scan3A_20 : i32
      %add3A = arith.constant 1 : i32
      %add3A_31 = arith.addi %mul3A_30, %add3A : i32
      %dma_start3A_32 = arith.constant 0 : i32
      %dma_start3A_33 = tpu.memref_slice %arg5[%add3A_31, %dma_start3A_32] : memref<80x128xi32, #tpu.memory_space<vmem>> -> memref<1x128xi32, #tpu.memory_space<vmem>>
      %dma_start3A_34 = tpu.memref_squeeze %dma_start3A_33 : memref<1x128xi32, #tpu.memory_space<vmem>> -> memref<128xi32, #tpu.memory_space<vmem>>
      %dma_start3A_35 = arith.constant 0 : i32
      %dma_start3A_36 = arith.constant 0 : i32
      %dma_start3A_37 = tpu.memref_slice %arg7[%dma_start3A_35, %dma_start3A_36] : memref<10240x8xf32, #tpu.memory_space<vmem_shared>> -> memref<10240x8xf32, #tpu.memory_space<vmem_shared>>
      tpu.enqueue_indirect_dma source(%arg6 : memref<128x8xf32, #tpu.memory_space<vmem>>) target(%dma_start3A_37 : memref<10240x8xf32, #tpu.memory_space<vmem_shared>>) offsets(%dma_start3A_34 : memref<128xi32, #tpu.memory_space<vmem>>) semaphore(%arg9 : memref<!tpu.dma_semaphore, #tpu.memory_space<semaphore_mem>>) {add = true}
      %dma_wait3A = arith.constant 0 : i32
      %dma_wait3A_38 = tpu.memref_slice %arg5[%mul3A_23, %dma_wait3A] : memref<80x128xi32, #tpu.memory_space<vmem>> -> memref<1x128xi32, #tpu.memory_space<vmem>>
      %dma_wait3A_39 = tpu.memref_squeeze %dma_wait3A_38 : memref<1x128xi32, #tpu.memory_space<vmem>> -> memref<128xi32, #tpu.memory_space<vmem>>
      %dma_wait3A_40 = arith.constant 0 : i32
      %dma_wait3A_41 = arith.constant 0 : i32
      %dma_wait3A_42 = tpu.memref_slice %arg7[%dma_wait3A_40, %dma_wait3A_41] : memref<10240x8xf32, #tpu.memory_space<vmem_shared>> -> memref<10240x8xf32, #tpu.memory_space<vmem_shared>>
      tpu.wait_indirect_dma semaphore(%arg8 : memref<!tpu.dma_semaphore, #tpu.memory_space<semaphore_mem>>) src(%arg6 : memref<128x8xf32, #tpu.memory_space<vmem>>) dst(%dma_wait3A_42 : memref<10240x8xf32, #tpu.memory_space<vmem_shared>>)
      %dma_wait3A_43 = arith.constant 0 : i32
      %dma_wait3A_44 = tpu.memref_slice %arg5[%add3A_31, %dma_wait3A_43] : memref<80x128xi32, #tpu.memory_space<vmem>> -> memref<1x128xi32, #tpu.memory_space<vmem>>
      %dma_wait3A_45 = tpu.memref_squeeze %dma_wait3A_44 : memref<1x128xi32, #tpu.memory_space<vmem>> -> memref<128xi32, #tpu.memory_space<vmem>>
      %dma_wait3A_46 = arith.constant 0 : i32
      %dma_wait3A_47 = arith.constant 0 : i32
      %dma_wait3A_48 = tpu.memref_slice %arg7[%dma_wait3A_46, %dma_wait3A_47] : memref<10240x8xf32, #tpu.memory_space<vmem_shared>> -> memref<10240x8xf32, #tpu.memory_space<vmem_shared>>
      tpu.wait_indirect_dma semaphore(%arg9 : memref<!tpu.dma_semaphore, #tpu.memory_space<semaphore_mem>>) src(%arg6 : memref<128x8xf32, #tpu.memory_space<vmem>>) dst(%dma_wait3A_48 : memref<10240x8xf32, #tpu.memory_space<vmem_shared>>)
      %scan3A_49 = arith.constant 0 : i32
      scf.yield %scan3A_49 : i32
    }
    %scan3A_14 = arith.constant 40 : i32
    %barrier3A_15 = arith.constant 0 : index
    tpu.barrier barrier_id(%barrier3A_15)
    %mul3A_16 = arith.constant 640 : i32
    %mul3A_17 = arith.muli %arg1, %mul3A_16 : i32
    %mul3A_18 = arith.constant 640 : i32
    %mul3A_19 = arith.muli %arg1, %mul3A_18 : i32
    "tpu.region"() ({
      %run_scoped3A_20 = tpu.sem_alloc : memref<!tpu.dma_semaphore, #tpu.memory_space<semaphore_mem>>
      %dma_start3A = arith.constant 0 : i32
      %dma_start3A_21 = tpu.memref_slice %arg4[%arg0, %mul3A_19, %dma_start3A] : memref<2x10240x8xf32, #tpu.memory_space<hbm>> -> memref<1x640x8xf32, #tpu.memory_space<hbm>>
      %dma_start3A_22 = tpu.memref_squeeze %dma_start3A_21 : memref<1x640x8xf32, #tpu.memory_space<hbm>> -> memref<640x8xf32, #tpu.memory_space<hbm>>
      %dma_start3A_23 = arith.constant 0 : i32
      %dma_start3A_24 = tpu.memref_slice %arg7[%mul3A_17, %dma_start3A_23] : memref<10240x8xf32, #tpu.memory_space<vmem_shared>> -> memref<640x8xf32, #tpu.memory_space<vmem_shared>>
      tpu.enqueue_dma source(%dma_start3A_24 : memref<640x8xf32, #tpu.memory_space<vmem_shared>>) target(%dma_start3A_22 : memref<640x8xf32, #tpu.memory_space<hbm>>) target_semaphore(%run_scoped3A_20 : memref<!tpu.dma_semaphore, #tpu.memory_space<semaphore_mem>>)
      %dma_wait3A = arith.constant 0 : i32
      %dma_wait3A_25 = tpu.memref_slice %arg4[%arg0, %mul3A_19, %dma_wait3A] : memref<2x10240x8xf32, #tpu.memory_space<hbm>> -> memref<1x640x8xf32, #tpu.memory_space<hbm>>
      %dma_wait3A_26 = tpu.memref_squeeze %dma_wait3A_25 : memref<1x640x8xf32, #tpu.memory_space<hbm>> -> memref<640x8xf32, #tpu.memory_space<hbm>>
      %dma_wait3A_27 = arith.constant 0 : i32
      %dma_wait3A_28 = tpu.memref_slice %arg7[%mul3A_17, %dma_wait3A_27] : memref<10240x8xf32, #tpu.memory_space<vmem_shared>> -> memref<640x8xf32, #tpu.memory_space<vmem_shared>>
      tpu.wait_dma2 semaphore(%run_scoped3A_20 : memref<!tpu.dma_semaphore, #tpu.memory_space<semaphore_mem>>) src(%dma_wait3A_28 : memref<640x8xf32, #tpu.memory_space<vmem_shared>>) dst(%dma_wait3A_26 : memref<640x8xf32, #tpu.memory_space<hbm>>)
      tpu.yield
    }) : () -> ()
    return
  }
}

#map = affine_map<(d0, d1) -> (0, 0, 0)>
#map1 = affine_map<(d0, d1) -> (0, 0)>
module attributes {stable_mosaic.version = 14 : i64} {
  func.func @agg(%arg0: i32, %arg1: i32, %arg2: memref<2x10000x64xf32, #tpu.memory_space<hbm>>, %arg3: memref<16x160x128xi32, #tpu.memory_space<hbm>>, %arg4: memref<16x160x128xi32, #tpu.memory_space<hbm>>, %arg5: memref<128x64xf32, #tpu.memory_space<hbm>>, %arg6: memref<2x10240x64xf32, #tpu.memory_space<hbm>>, %arg7: memref<160x128xi32, #tpu.memory_space<vmem>>, %arg8: memref<160x128xi32, #tpu.memory_space<vmem>>, %arg9: memref<128x64xf32, #tpu.memory_space<vmem>>, %arg10: memref<128x64xf32, #tpu.memory_space<vmem>>, %arg11: memref<128x64xf32, #tpu.memory_space<vmem>>, %arg12: memref<128x64xf32, #tpu.memory_space<vmem>>, %arg13: memref<10240x64xf32, #tpu.memory_space<vmem_shared>>, %arg14: memref<!tpu.dma_semaphore, #tpu.memory_space<semaphore_mem>>, %arg15: memref<!tpu.dma_semaphore, #tpu.memory_space<semaphore_mem>>, %arg16: memref<!tpu.dma_semaphore, #tpu.memory_space<semaphore_mem>>, %arg17: memref<!tpu.dma_semaphore, #tpu.memory_space<semaphore_mem>>, %arg18: memref<!tpu.dma_semaphore, #tpu.memory_space<semaphore_mem>>, %arg19: memref<!tpu.dma_semaphore, #tpu.memory_space<semaphore_mem>>) attributes {dimension_semantics = [#tpu.dimension_semantics<core_parallel>, #tpu.dimension_semantics<subcore_parallel>], iteration_bounds = array<i64: 2, 16>, scalar_prefetch = 0 : i64, scratch_operands = 13 : i64, tpu.core_type = #tpu.core_type<sc_vector_subcore>, window_params = [{transform_indices = #map}, {transform_indices = #map}, {transform_indices = #map}, {transform_indices = #map1}, {transform_indices = #map}]} {
    "tpu.region"() ({
      %run_scoped3A = tpu.sem_alloc : memref<!tpu.dma_semaphore, #tpu.memory_space<semaphore_mem>>
      %dma_start3A_103 = arith.constant 0 : i32
      %dma_start3A_104 = arith.constant 0 : i32
      %dma_start3A_105 = tpu.memref_slice %arg3[%arg1, %dma_start3A_103, %dma_start3A_104] : memref<16x160x128xi32, #tpu.memory_space<hbm>> -> memref<1x160x128xi32, #tpu.memory_space<hbm>>
      %dma_start3A_106 = tpu.memref_squeeze %dma_start3A_105 : memref<1x160x128xi32, #tpu.memory_space<hbm>> -> memref<160x128xi32, #tpu.memory_space<hbm>>
      %dma_start3A_107 = arith.constant 0 : i32
      %dma_start3A_108 = arith.constant 0 : i32
      %dma_start3A_109 = tpu.memref_slice %arg3[%arg1, %dma_start3A_107, %dma_start3A_108] : memref<16x160x128xi32, #tpu.memory_space<hbm>> -> memref<1x160x128xi32, #tpu.memory_space<hbm>>
      %dma_start3A_110 = tpu.memref_squeeze %dma_start3A_109 : memref<1x160x128xi32, #tpu.memory_space<hbm>> -> memref<160x128xi32, #tpu.memory_space<hbm>>
      tpu.enqueue_dma source(%dma_start3A_110 : memref<160x128xi32, #tpu.memory_space<hbm>>) target(%arg7 : memref<160x128xi32, #tpu.memory_space<vmem>>) target_semaphore(%run_scoped3A : memref<!tpu.dma_semaphore, #tpu.memory_space<semaphore_mem>>)
      %dma_wait3A_111 = arith.constant 0 : i32
      %dma_wait3A_112 = arith.constant 0 : i32
      %dma_wait3A_113 = tpu.memref_slice %arg3[%arg1, %dma_wait3A_111, %dma_wait3A_112] : memref<16x160x128xi32, #tpu.memory_space<hbm>> -> memref<1x160x128xi32, #tpu.memory_space<hbm>>
      %dma_wait3A_114 = tpu.memref_squeeze %dma_wait3A_113 : memref<1x160x128xi32, #tpu.memory_space<hbm>> -> memref<160x128xi32, #tpu.memory_space<hbm>>
      %dma_wait3A_115 = arith.constant 0 : i32
      %dma_wait3A_116 = arith.constant 0 : i32
      %dma_wait3A_117 = tpu.memref_slice %arg3[%arg1, %dma_wait3A_115, %dma_wait3A_116] : memref<16x160x128xi32, #tpu.memory_space<hbm>> -> memref<1x160x128xi32, #tpu.memory_space<hbm>>
      %dma_wait3A_118 = tpu.memref_squeeze %dma_wait3A_117 : memref<1x160x128xi32, #tpu.memory_space<hbm>> -> memref<160x128xi32, #tpu.memory_space<hbm>>
      tpu.wait_dma2 semaphore(%run_scoped3A : memref<!tpu.dma_semaphore, #tpu.memory_space<semaphore_mem>>) src(%dma_wait3A_118 : memref<160x128xi32, #tpu.memory_space<hbm>>) dst(%arg7 : memref<160x128xi32, #tpu.memory_space<vmem>>)
      tpu.yield
    }) : () -> ()
    "tpu.region"() ({
      %run_scoped3A = tpu.sem_alloc : memref<!tpu.dma_semaphore, #tpu.memory_space<semaphore_mem>>
      %dma_start3A_103 = arith.constant 0 : i32
      %dma_start3A_104 = arith.constant 0 : i32
      %dma_start3A_105 = tpu.memref_slice %arg4[%arg1, %dma_start3A_103, %dma_start3A_104] : memref<16x160x128xi32, #tpu.memory_space<hbm>> -> memref<1x160x128xi32, #tpu.memory_space<hbm>>
      %dma_start3A_106 = tpu.memref_squeeze %dma_start3A_105 : memref<1x160x128xi32, #tpu.memory_space<hbm>> -> memref<160x128xi32, #tpu.memory_space<hbm>>
      %dma_start3A_107 = arith.constant 0 : i32
      %dma_start3A_108 = arith.constant 0 : i32
      %dma_start3A_109 = tpu.memref_slice %arg4[%arg1, %dma_start3A_107, %dma_start3A_108] : memref<16x160x128xi32, #tpu.memory_space<hbm>> -> memref<1x160x128xi32, #tpu.memory_space<hbm>>
      %dma_start3A_110 = tpu.memref_squeeze %dma_start3A_109 : memref<1x160x128xi32, #tpu.memory_space<hbm>> -> memref<160x128xi32, #tpu.memory_space<hbm>>
      tpu.enqueue_dma source(%dma_start3A_110 : memref<160x128xi32, #tpu.memory_space<hbm>>) target(%arg8 : memref<160x128xi32, #tpu.memory_space<vmem>>) target_semaphore(%run_scoped3A : memref<!tpu.dma_semaphore, #tpu.memory_space<semaphore_mem>>)
      %dma_wait3A_111 = arith.constant 0 : i32
      %dma_wait3A_112 = arith.constant 0 : i32
      %dma_wait3A_113 = tpu.memref_slice %arg4[%arg1, %dma_wait3A_111, %dma_wait3A_112] : memref<16x160x128xi32, #tpu.memory_space<hbm>> -> memref<1x160x128xi32, #tpu.memory_space<hbm>>
      %dma_wait3A_114 = tpu.memref_squeeze %dma_wait3A_113 : memref<1x160x128xi32, #tpu.memory_space<hbm>> -> memref<160x128xi32, #tpu.memory_space<hbm>>
      %dma_wait3A_115 = arith.constant 0 : i32
      %dma_wait3A_116 = arith.constant 0 : i32
      %dma_wait3A_117 = tpu.memref_slice %arg4[%arg1, %dma_wait3A_115, %dma_wait3A_116] : memref<16x160x128xi32, #tpu.memory_space<hbm>> -> memref<1x160x128xi32, #tpu.memory_space<hbm>>
      %dma_wait3A_118 = tpu.memref_squeeze %dma_wait3A_117 : memref<1x160x128xi32, #tpu.memory_space<hbm>> -> memref<160x128xi32, #tpu.memory_space<hbm>>
      tpu.wait_dma2 semaphore(%run_scoped3A : memref<!tpu.dma_semaphore, #tpu.memory_space<semaphore_mem>>) src(%dma_wait3A_118 : memref<160x128xi32, #tpu.memory_space<hbm>>) dst(%arg8 : memref<160x128xi32, #tpu.memory_space<vmem>>)
      tpu.yield
    }) : () -> ()
    "tpu.region"() ({
      %run_scoped3A = tpu.sem_alloc : memref<!tpu.dma_semaphore, #tpu.memory_space<semaphore_mem>>
      tpu.enqueue_dma source(%arg5 : memref<128x64xf32, #tpu.memory_space<hbm>>) target(%arg9 : memref<128x64xf32, #tpu.memory_space<vmem>>) target_semaphore(%run_scoped3A : memref<!tpu.dma_semaphore, #tpu.memory_space<semaphore_mem>>)
      tpu.wait_dma2 semaphore(%run_scoped3A : memref<!tpu.dma_semaphore, #tpu.memory_space<semaphore_mem>>) src(%arg5 : memref<128x64xf32, #tpu.memory_space<hbm>>) dst(%arg9 : memref<128x64xf32, #tpu.memory_space<vmem>>)
      tpu.yield
    }) : () -> ()
    %scan3A = arith.constant 0 : i32
    %scan3A_0 = arith.constant 0 : i32
    %scan3A_1 = arith.constant 5 : i32
    %scan3A_2 = arith.addi %scan3A_0, %scan3A_1 : i32
    %scan3A_3 = arith.constant 1 : i32
    %scan3A_4 = scf.for %scan3A_103 = %scan3A_0 to %scan3A_2 step %scan3A_3 iter_args(%scan3A_104 = %scan3A) -> (i32)  : i32 {
      %mul3A_105 = arith.constant 640 : i32
      %mul3A_106 = arith.muli %arg1, %mul3A_105 : i32
      %mul3A_107 = arith.constant 128 : i32
      %mul3A_108 = arith.muli %scan3A_103, %mul3A_107 : i32
      %add3A = arith.addi %mul3A_106, %mul3A_108 : i32
      "tpu.region"() ({
        %run_scoped3A = tpu.sem_alloc : memref<!tpu.dma_semaphore, #tpu.memory_space<semaphore_mem>>
        %dma_start3A_110 = arith.constant 0 : i32
        %dma_start3A_111 = tpu.memref_slice %arg13[%add3A, %dma_start3A_110] : memref<10240x64xf32, #tpu.memory_space<vmem_shared>> -> memref<128x64xf32, #tpu.memory_space<vmem_shared>>
        %dma_start3A_112 = arith.constant 0 : i32
        %dma_start3A_113 = tpu.memref_slice %arg13[%add3A, %dma_start3A_112] : memref<10240x64xf32, #tpu.memory_space<vmem_shared>> -> memref<128x64xf32, #tpu.memory_space<vmem_shared>>
        tpu.enqueue_dma source(%arg9 : memref<128x64xf32, #tpu.memory_space<vmem>>) target(%dma_start3A_113 : memref<128x64xf32, #tpu.memory_space<vmem_shared>>) target_semaphore(%run_scoped3A : memref<!tpu.dma_semaphore, #tpu.memory_space<semaphore_mem>>)
        %dma_wait3A_114 = arith.constant 0 : i32
        %dma_wait3A_115 = tpu.memref_slice %arg13[%add3A, %dma_wait3A_114] : memref<10240x64xf32, #tpu.memory_space<vmem_shared>> -> memref<128x64xf32, #tpu.memory_space<vmem_shared>>
        %dma_wait3A_116 = arith.constant 0 : i32
        %dma_wait3A_117 = tpu.memref_slice %arg13[%add3A, %dma_wait3A_116] : memref<10240x64xf32, #tpu.memory_space<vmem_shared>> -> memref<128x64xf32, #tpu.memory_space<vmem_shared>>
        tpu.wait_dma2 semaphore(%run_scoped3A : memref<!tpu.dma_semaphore, #tpu.memory_space<semaphore_mem>>) src(%arg9 : memref<128x64xf32, #tpu.memory_space<vmem>>) dst(%dma_wait3A_117 : memref<128x64xf32, #tpu.memory_space<vmem_shared>>)
        tpu.yield
      }) : () -> ()
      %scan3A_109 = arith.constant 0 : i32
      scf.yield %scan3A_109 : i32
    }
    %scan3A_5 = arith.constant 5 : i32
    %barrier3A = arith.constant 0 : index
    tpu.barrier barrier_id(%barrier3A)
    %dma_start3A = arith.constant 0 : i32
    %dma_start3A_6 = arith.constant 0 : i32
    %dma_start3A_7 = tpu.memref_slice %arg7[%dma_start3A, %dma_start3A_6] : memref<160x128xi32, #tpu.memory_space<vmem>> -> memref<1x128xi32, #tpu.memory_space<vmem>>
    %dma_start3A_8 = tpu.memref_squeeze %dma_start3A_7 : memref<1x128xi32, #tpu.memory_space<vmem>> -> memref<128xi32, #tpu.memory_space<vmem>>
    %dma_start3A_9 = arith.constant 0 : i32
    %dma_start3A_10 = arith.constant 0 : i32
    %dma_start3A_11 = tpu.memref_slice %arg2[%arg0, %dma_start3A_9, %dma_start3A_10] : memref<2x10000x64xf32, #tpu.memory_space<hbm>> -> memref<1x10000x64xf32, #tpu.memory_space<hbm>>
    %dma_start3A_12 = tpu.memref_squeeze %dma_start3A_11 : memref<1x10000x64xf32, #tpu.memory_space<hbm>> -> memref<10000x64xf32, #tpu.memory_space<hbm>>
    %dma_start3A_13 = arith.constant 0 : i32
    %dma_start3A_14 = arith.constant 0 : i32
    %dma_start3A_15 = tpu.memref_slice %dma_start3A_12[%dma_start3A_13, %dma_start3A_14] : memref<10000x64xf32, #tpu.memory_space<hbm>> -> memref<10000x64xf32, #tpu.memory_space<hbm>>
    tpu.enqueue_indirect_dma source(%dma_start3A_15 : memref<10000x64xf32, #tpu.memory_space<hbm>>) target(%arg9 : memref<128x64xf32, #tpu.memory_space<vmem>>) offsets(%dma_start3A_8 : memref<128xi32, #tpu.memory_space<vmem>>) semaphore(%arg14 : memref<!tpu.dma_semaphore, #tpu.memory_space<semaphore_mem>>)
    %dma_start3A_16 = arith.constant 1 : i32
    %dma_start3A_17 = arith.constant 0 : i32
    %dma_start3A_18 = tpu.memref_slice %arg7[%dma_start3A_16, %dma_start3A_17] : memref<160x128xi32, #tpu.memory_space<vmem>> -> memref<1x128xi32, #tpu.memory_space<vmem>>
    %dma_start3A_19 = tpu.memref_squeeze %dma_start3A_18 : memref<1x128xi32, #tpu.memory_space<vmem>> -> memref<128xi32, #tpu.memory_space<vmem>>
    %dma_start3A_20 = arith.constant 0 : i32
    %dma_start3A_21 = arith.constant 0 : i32
    %dma_start3A_22 = tpu.memref_slice %arg2[%arg0, %dma_start3A_20, %dma_start3A_21] : memref<2x10000x64xf32, #tpu.memory_space<hbm>> -> memref<1x10000x64xf32, #tpu.memory_space<hbm>>
    %dma_start3A_23 = tpu.memref_squeeze %dma_start3A_22 : memref<1x10000x64xf32, #tpu.memory_space<hbm>> -> memref<10000x64xf32, #tpu.memory_space<hbm>>
    %dma_start3A_24 = arith.constant 0 : i32
    %dma_start3A_25 = arith.constant 0 : i32
    %dma_start3A_26 = tpu.memref_slice %dma_start3A_23[%dma_start3A_24, %dma_start3A_25] : memref<10000x64xf32, #tpu.memory_space<hbm>> -> memref<10000x64xf32, #tpu.memory_space<hbm>>
    tpu.enqueue_indirect_dma source(%dma_start3A_26 : memref<10000x64xf32, #tpu.memory_space<hbm>>) target(%arg10 : memref<128x64xf32, #tpu.memory_space<vmem>>) offsets(%dma_start3A_19 : memref<128xi32, #tpu.memory_space<vmem>>) semaphore(%arg15 : memref<!tpu.dma_semaphore, #tpu.memory_space<semaphore_mem>>)
    %dma_start3A_27 = arith.constant 2 : i32
    %dma_start3A_28 = arith.constant 0 : i32
    %dma_start3A_29 = tpu.memref_slice %arg7[%dma_start3A_27, %dma_start3A_28] : memref<160x128xi32, #tpu.memory_space<vmem>> -> memref<1x128xi32, #tpu.memory_space<vmem>>
    %dma_start3A_30 = tpu.memref_squeeze %dma_start3A_29 : memref<1x128xi32, #tpu.memory_space<vmem>> -> memref<128xi32, #tpu.memory_space<vmem>>
    %dma_start3A_31 = arith.constant 0 : i32
    %dma_start3A_32 = arith.constant 0 : i32
    %dma_start3A_33 = tpu.memref_slice %arg2[%arg0, %dma_start3A_31, %dma_start3A_32] : memref<2x10000x64xf32, #tpu.memory_space<hbm>> -> memref<1x10000x64xf32, #tpu.memory_space<hbm>>
    %dma_start3A_34 = tpu.memref_squeeze %dma_start3A_33 : memref<1x10000x64xf32, #tpu.memory_space<hbm>> -> memref<10000x64xf32, #tpu.memory_space<hbm>>
    %dma_start3A_35 = arith.constant 0 : i32
    %dma_start3A_36 = arith.constant 0 : i32
    %dma_start3A_37 = tpu.memref_slice %dma_start3A_34[%dma_start3A_35, %dma_start3A_36] : memref<10000x64xf32, #tpu.memory_space<hbm>> -> memref<10000x64xf32, #tpu.memory_space<hbm>>
    tpu.enqueue_indirect_dma source(%dma_start3A_37 : memref<10000x64xf32, #tpu.memory_space<hbm>>) target(%arg11 : memref<128x64xf32, #tpu.memory_space<vmem>>) offsets(%dma_start3A_30 : memref<128xi32, #tpu.memory_space<vmem>>) semaphore(%arg16 : memref<!tpu.dma_semaphore, #tpu.memory_space<semaphore_mem>>)
    %dma_start3A_38 = arith.constant 3 : i32
    %dma_start3A_39 = arith.constant 0 : i32
    %dma_start3A_40 = tpu.memref_slice %arg7[%dma_start3A_38, %dma_start3A_39] : memref<160x128xi32, #tpu.memory_space<vmem>> -> memref<1x128xi32, #tpu.memory_space<vmem>>
    %dma_start3A_41 = tpu.memref_squeeze %dma_start3A_40 : memref<1x128xi32, #tpu.memory_space<vmem>> -> memref<128xi32, #tpu.memory_space<vmem>>
    %dma_start3A_42 = arith.constant 0 : i32
    %dma_start3A_43 = arith.constant 0 : i32
    %dma_start3A_44 = tpu.memref_slice %arg2[%arg0, %dma_start3A_42, %dma_start3A_43] : memref<2x10000x64xf32, #tpu.memory_space<hbm>> -> memref<1x10000x64xf32, #tpu.memory_space<hbm>>
    %dma_start3A_45 = tpu.memref_squeeze %dma_start3A_44 : memref<1x10000x64xf32, #tpu.memory_space<hbm>> -> memref<10000x64xf32, #tpu.memory_space<hbm>>
    %dma_start3A_46 = arith.constant 0 : i32
    %dma_start3A_47 = arith.constant 0 : i32
    %dma_start3A_48 = tpu.memref_slice %dma_start3A_45[%dma_start3A_46, %dma_start3A_47] : memref<10000x64xf32, #tpu.memory_space<hbm>> -> memref<10000x64xf32, #tpu.memory_space<hbm>>
    tpu.enqueue_indirect_dma source(%dma_start3A_48 : memref<10000x64xf32, #tpu.memory_space<hbm>>) target(%arg12 : memref<128x64xf32, #tpu.memory_space<vmem>>) offsets(%dma_start3A_41 : memref<128xi32, #tpu.memory_space<vmem>>) semaphore(%arg17 : memref<!tpu.dma_semaphore, #tpu.memory_space<semaphore_mem>>)
    %scan3A_49 = arith.constant 0 : i32
    %scan3A_50 = arith.constant 0 : i32
    %scan3A_51 = arith.constant 40 : i32
    %scan3A_52 = arith.addi %scan3A_50, %scan3A_51 : i32
    %scan3A_53 = arith.constant 1 : i32
    %scan3A_54 = scf.for %scan3A_103 = %scan3A_50 to %scan3A_52 step %scan3A_53 iter_args(%scan3A_104 = %scan3A_49) -> (i32)  : i32 {
      %mul3A_105 = arith.constant 4 : i32
      %mul3A_106 = arith.muli %mul3A_105, %scan3A_103 : i32
      %dma_wait3A_107 = arith.constant 0 : i32
      %dma_wait3A_108 = tpu.memref_slice %arg7[%mul3A_106, %dma_wait3A_107] : memref<160x128xi32, #tpu.memory_space<vmem>> -> memref<1x128xi32, #tpu.memory_space<vmem>>
      %dma_wait3A_109 = tpu.memref_squeeze %dma_wait3A_108 : memref<1x128xi32, #tpu.memory_space<vmem>> -> memref<128xi32, #tpu.memory_space<vmem>>
      %dma_wait3A_110 = arith.constant 0 : i32
      %dma_wait3A_111 = arith.constant 0 : i32
      %dma_wait3A_112 = tpu.memref_slice %arg2[%arg0, %dma_wait3A_110, %dma_wait3A_111] : memref<2x10000x64xf32, #tpu.memory_space<hbm>> -> memref<1x10000x64xf32, #tpu.memory_space<hbm>>
      %dma_wait3A_113 = tpu.memref_squeeze %dma_wait3A_112 : memref<1x10000x64xf32, #tpu.memory_space<hbm>> -> memref<10000x64xf32, #tpu.memory_space<hbm>>
      %dma_wait3A_114 = arith.constant 0 : i32
      %dma_wait3A_115 = arith.constant 0 : i32
      %dma_wait3A_116 = tpu.memref_slice %dma_wait3A_113[%dma_wait3A_114, %dma_wait3A_115] : memref<10000x64xf32, #tpu.memory_space<hbm>> -> memref<10000x64xf32, #tpu.memory_space<hbm>>
      tpu.wait_indirect_dma semaphore(%arg14 : memref<!tpu.dma_semaphore, #tpu.memory_space<semaphore_mem>>) src(%dma_wait3A_116 : memref<10000x64xf32, #tpu.memory_space<hbm>>) dst(%arg9 : memref<128x64xf32, #tpu.memory_space<vmem>>)
      %dma_start3A_117 = arith.constant 0 : i32
      %dma_start3A_118 = tpu.memref_slice %arg8[%mul3A_106, %dma_start3A_117] : memref<160x128xi32, #tpu.memory_space<vmem>> -> memref<1x128xi32, #tpu.memory_space<vmem>>
      %dma_start3A_119 = tpu.memref_squeeze %dma_start3A_118 : memref<1x128xi32, #tpu.memory_space<vmem>> -> memref<128xi32, #tpu.memory_space<vmem>>
      %dma_start3A_120 = arith.constant 0 : i32
      %dma_start3A_121 = arith.constant 0 : i32
      %dma_start3A_122 = tpu.memref_slice %arg13[%dma_start3A_120, %dma_start3A_121] : memref<10240x64xf32, #tpu.memory_space<vmem_shared>> -> memref<10240x64xf32, #tpu.memory_space<vmem_shared>>
      tpu.enqueue_indirect_dma source(%arg9 : memref<128x64xf32, #tpu.memory_space<vmem>>) target(%dma_start3A_122 : memref<10240x64xf32, #tpu.memory_space<vmem_shared>>) offsets(%dma_start3A_119 : memref<128xi32, #tpu.memory_space<vmem>>) semaphore(%arg18 : memref<!tpu.dma_semaphore, #tpu.memory_space<semaphore_mem>>) {add = true}
      %add3A = arith.constant 1 : i32
      %add3A_123 = arith.addi %mul3A_106, %add3A : i32
      %dma_wait3A_124 = arith.constant 0 : i32
      %dma_wait3A_125 = tpu.memref_slice %arg7[%add3A_123, %dma_wait3A_124] : memref<160x128xi32, #tpu.memory_space<vmem>> -> memref<1x128xi32, #tpu.memory_space<vmem>>
      %dma_wait3A_126 = tpu.memref_squeeze %dma_wait3A_125 : memref<1x128xi32, #tpu.memory_space<vmem>> -> memref<128xi32, #tpu.memory_space<vmem>>
      %dma_wait3A_127 = arith.constant 0 : i32
      %dma_wait3A_128 = arith.constant 0 : i32
      %dma_wait3A_129 = tpu.memref_slice %arg2[%arg0, %dma_wait3A_127, %dma_wait3A_128] : memref<2x10000x64xf32, #tpu.memory_space<hbm>> -> memref<1x10000x64xf32, #tpu.memory_space<hbm>>
      %dma_wait3A_130 = tpu.memref_squeeze %dma_wait3A_129 : memref<1x10000x64xf32, #tpu.memory_space<hbm>> -> memref<10000x64xf32, #tpu.memory_space<hbm>>
      %dma_wait3A_131 = arith.constant 0 : i32
      %dma_wait3A_132 = arith.constant 0 : i32
      %dma_wait3A_133 = tpu.memref_slice %dma_wait3A_130[%dma_wait3A_131, %dma_wait3A_132] : memref<10000x64xf32, #tpu.memory_space<hbm>> -> memref<10000x64xf32, #tpu.memory_space<hbm>>
      tpu.wait_indirect_dma semaphore(%arg15 : memref<!tpu.dma_semaphore, #tpu.memory_space<semaphore_mem>>) src(%dma_wait3A_133 : memref<10000x64xf32, #tpu.memory_space<hbm>>) dst(%arg10 : memref<128x64xf32, #tpu.memory_space<vmem>>)
      %add3A_134 = arith.constant 1 : i32
      %add3A_135 = arith.addi %mul3A_106, %add3A_134 : i32
      %dma_start3A_136 = arith.constant 0 : i32
      %dma_start3A_137 = tpu.memref_slice %arg8[%add3A_135, %dma_start3A_136] : memref<160x128xi32, #tpu.memory_space<vmem>> -> memref<1x128xi32, #tpu.memory_space<vmem>>
      %dma_start3A_138 = tpu.memref_squeeze %dma_start3A_137 : memref<1x128xi32, #tpu.memory_space<vmem>> -> memref<128xi32, #tpu.memory_space<vmem>>
      %dma_start3A_139 = arith.constant 0 : i32
      %dma_start3A_140 = arith.constant 0 : i32
      %dma_start3A_141 = tpu.memref_slice %arg13[%dma_start3A_139, %dma_start3A_140] : memref<10240x64xf32, #tpu.memory_space<vmem_shared>> -> memref<10240x64xf32, #tpu.memory_space<vmem_shared>>
      tpu.enqueue_indirect_dma source(%arg10 : memref<128x64xf32, #tpu.memory_space<vmem>>) target(%dma_start3A_141 : memref<10240x64xf32, #tpu.memory_space<vmem_shared>>) offsets(%dma_start3A_138 : memref<128xi32, #tpu.memory_space<vmem>>) semaphore(%arg18 : memref<!tpu.dma_semaphore, #tpu.memory_space<semaphore_mem>>) {add = true}
      %add3A_142 = arith.constant 2 : i32
      %add3A_143 = arith.addi %mul3A_106, %add3A_142 : i32
      %dma_wait3A_144 = arith.constant 0 : i32
      %dma_wait3A_145 = tpu.memref_slice %arg7[%add3A_143, %dma_wait3A_144] : memref<160x128xi32, #tpu.memory_space<vmem>> -> memref<1x128xi32, #tpu.memory_space<vmem>>
      %dma_wait3A_146 = tpu.memref_squeeze %dma_wait3A_145 : memref<1x128xi32, #tpu.memory_space<vmem>> -> memref<128xi32, #tpu.memory_space<vmem>>
      %dma_wait3A_147 = arith.constant 0 : i32
      %dma_wait3A_148 = arith.constant 0 : i32
      %dma_wait3A_149 = tpu.memref_slice %arg2[%arg0, %dma_wait3A_147, %dma_wait3A_148] : memref<2x10000x64xf32, #tpu.memory_space<hbm>> -> memref<1x10000x64xf32, #tpu.memory_space<hbm>>
      %dma_wait3A_150 = tpu.memref_squeeze %dma_wait3A_149 : memref<1x10000x64xf32, #tpu.memory_space<hbm>> -> memref<10000x64xf32, #tpu.memory_space<hbm>>
      %dma_wait3A_151 = arith.constant 0 : i32
      %dma_wait3A_152 = arith.constant 0 : i32
      %dma_wait3A_153 = tpu.memref_slice %dma_wait3A_150[%dma_wait3A_151, %dma_wait3A_152] : memref<10000x64xf32, #tpu.memory_space<hbm>> -> memref<10000x64xf32, #tpu.memory_space<hbm>>
      tpu.wait_indirect_dma semaphore(%arg16 : memref<!tpu.dma_semaphore, #tpu.memory_space<semaphore_mem>>) src(%dma_wait3A_153 : memref<10000x64xf32, #tpu.memory_space<hbm>>) dst(%arg11 : memref<128x64xf32, #tpu.memory_space<vmem>>)
      %add3A_154 = arith.constant 2 : i32
      %add3A_155 = arith.addi %mul3A_106, %add3A_154 : i32
      %dma_start3A_156 = arith.constant 0 : i32
      %dma_start3A_157 = tpu.memref_slice %arg8[%add3A_155, %dma_start3A_156] : memref<160x128xi32, #tpu.memory_space<vmem>> -> memref<1x128xi32, #tpu.memory_space<vmem>>
      %dma_start3A_158 = tpu.memref_squeeze %dma_start3A_157 : memref<1x128xi32, #tpu.memory_space<vmem>> -> memref<128xi32, #tpu.memory_space<vmem>>
      %dma_start3A_159 = arith.constant 0 : i32
      %dma_start3A_160 = arith.constant 0 : i32
      %dma_start3A_161 = tpu.memref_slice %arg13[%dma_start3A_159, %dma_start3A_160] : memref<10240x64xf32, #tpu.memory_space<vmem_shared>> -> memref<10240x64xf32, #tpu.memory_space<vmem_shared>>
      tpu.enqueue_indirect_dma source(%arg11 : memref<128x64xf32, #tpu.memory_space<vmem>>) target(%dma_start3A_161 : memref<10240x64xf32, #tpu.memory_space<vmem_shared>>) offsets(%dma_start3A_158 : memref<128xi32, #tpu.memory_space<vmem>>) semaphore(%arg19 : memref<!tpu.dma_semaphore, #tpu.memory_space<semaphore_mem>>) {add = true}
      %add3A_162 = arith.constant 3 : i32
      %add3A_163 = arith.addi %mul3A_106, %add3A_162 : i32
      %dma_wait3A_164 = arith.constant 0 : i32
      %dma_wait3A_165 = tpu.memref_slice %arg7[%add3A_163, %dma_wait3A_164] : memref<160x128xi32, #tpu.memory_space<vmem>> -> memref<1x128xi32, #tpu.memory_space<vmem>>
      %dma_wait3A_166 = tpu.memref_squeeze %dma_wait3A_165 : memref<1x128xi32, #tpu.memory_space<vmem>> -> memref<128xi32, #tpu.memory_space<vmem>>
      %dma_wait3A_167 = arith.constant 0 : i32
      %dma_wait3A_168 = arith.constant 0 : i32
      %dma_wait3A_169 = tpu.memref_slice %arg2[%arg0, %dma_wait3A_167, %dma_wait3A_168] : memref<2x10000x64xf32, #tpu.memory_space<hbm>> -> memref<1x10000x64xf32, #tpu.memory_space<hbm>>
      %dma_wait3A_170 = tpu.memref_squeeze %dma_wait3A_169 : memref<1x10000x64xf32, #tpu.memory_space<hbm>> -> memref<10000x64xf32, #tpu.memory_space<hbm>>
      %dma_wait3A_171 = arith.constant 0 : i32
      %dma_wait3A_172 = arith.constant 0 : i32
      %dma_wait3A_173 = tpu.memref_slice %dma_wait3A_170[%dma_wait3A_171, %dma_wait3A_172] : memref<10000x64xf32, #tpu.memory_space<hbm>> -> memref<10000x64xf32, #tpu.memory_space<hbm>>
      tpu.wait_indirect_dma semaphore(%arg17 : memref<!tpu.dma_semaphore, #tpu.memory_space<semaphore_mem>>) src(%dma_wait3A_173 : memref<10000x64xf32, #tpu.memory_space<hbm>>) dst(%arg12 : memref<128x64xf32, #tpu.memory_space<vmem>>)
      %add3A_174 = arith.constant 3 : i32
      %add3A_175 = arith.addi %mul3A_106, %add3A_174 : i32
      %dma_start3A_176 = arith.constant 0 : i32
      %dma_start3A_177 = tpu.memref_slice %arg8[%add3A_175, %dma_start3A_176] : memref<160x128xi32, #tpu.memory_space<vmem>> -> memref<1x128xi32, #tpu.memory_space<vmem>>
      %dma_start3A_178 = tpu.memref_squeeze %dma_start3A_177 : memref<1x128xi32, #tpu.memory_space<vmem>> -> memref<128xi32, #tpu.memory_space<vmem>>
      %dma_start3A_179 = arith.constant 0 : i32
      %dma_start3A_180 = arith.constant 0 : i32
      %dma_start3A_181 = tpu.memref_slice %arg13[%dma_start3A_179, %dma_start3A_180] : memref<10240x64xf32, #tpu.memory_space<vmem_shared>> -> memref<10240x64xf32, #tpu.memory_space<vmem_shared>>
      tpu.enqueue_indirect_dma source(%arg12 : memref<128x64xf32, #tpu.memory_space<vmem>>) target(%dma_start3A_181 : memref<10240x64xf32, #tpu.memory_space<vmem_shared>>) offsets(%dma_start3A_178 : memref<128xi32, #tpu.memory_space<vmem>>) semaphore(%arg19 : memref<!tpu.dma_semaphore, #tpu.memory_space<semaphore_mem>>) {add = true}
      %dma_wait3A_182 = arith.constant 0 : i32
      %dma_wait3A_183 = tpu.memref_slice %arg8[%mul3A_106, %dma_wait3A_182] : memref<160x128xi32, #tpu.memory_space<vmem>> -> memref<1x128xi32, #tpu.memory_space<vmem>>
      %dma_wait3A_184 = tpu.memref_squeeze %dma_wait3A_183 : memref<1x128xi32, #tpu.memory_space<vmem>> -> memref<128xi32, #tpu.memory_space<vmem>>
      %dma_wait3A_185 = arith.constant 0 : i32
      %dma_wait3A_186 = arith.constant 0 : i32
      %dma_wait3A_187 = tpu.memref_slice %arg13[%dma_wait3A_185, %dma_wait3A_186] : memref<10240x64xf32, #tpu.memory_space<vmem_shared>> -> memref<10240x64xf32, #tpu.memory_space<vmem_shared>>
      tpu.wait_indirect_dma semaphore(%arg18 : memref<!tpu.dma_semaphore, #tpu.memory_space<semaphore_mem>>) src(%arg9 : memref<128x64xf32, #tpu.memory_space<vmem>>) dst(%dma_wait3A_187 : memref<10240x64xf32, #tpu.memory_space<vmem_shared>>)
      %dma_wait3A_188 = arith.constant 0 : i32
      %dma_wait3A_189 = tpu.memref_slice %arg8[%add3A_135, %dma_wait3A_188] : memref<160x128xi32, #tpu.memory_space<vmem>> -> memref<1x128xi32, #tpu.memory_space<vmem>>
      %dma_wait3A_190 = tpu.memref_squeeze %dma_wait3A_189 : memref<1x128xi32, #tpu.memory_space<vmem>> -> memref<128xi32, #tpu.memory_space<vmem>>
      %dma_wait3A_191 = arith.constant 0 : i32
      %dma_wait3A_192 = arith.constant 0 : i32
      %dma_wait3A_193 = tpu.memref_slice %arg13[%dma_wait3A_191, %dma_wait3A_192] : memref<10240x64xf32, #tpu.memory_space<vmem_shared>> -> memref<10240x64xf32, #tpu.memory_space<vmem_shared>>
      tpu.wait_indirect_dma semaphore(%arg18 : memref<!tpu.dma_semaphore, #tpu.memory_space<semaphore_mem>>) src(%arg10 : memref<128x64xf32, #tpu.memory_space<vmem>>) dst(%dma_wait3A_193 : memref<10240x64xf32, #tpu.memory_space<vmem_shared>>)
      %add3A_194 = arith.constant 4 : i32
      %add3A_195 = arith.addi %mul3A_106, %add3A_194 : i32
      %jit3A = arith.constant 160 : i32
      %eq3A = arith.constant 0 : i32
      %eq3A_196 = arith.cmpi eq, %jit3A, %eq3A : i32
      %jit3A_197 = arith.constant 1 : i32
      %select_n3A = arith.select %eq3A_196, %jit3A_197, %jit3A : i32
      %rem3A = arith.remsi %add3A_195, %select_n3A : i32
      %ne3A = arith.constant 0 : i32
      %ne3A_198 = arith.cmpi ne, %rem3A, %ne3A : i32
      %lt3A = arith.constant 0 : i32
      %lt3A_199 = arith.cmpi slt, %rem3A, %lt3A : i32
      %lt3A_200 = arith.constant 0 : i32
      %lt3A_201 = arith.cmpi slt, %select_n3A, %lt3A_200 : i32
      %ne3A_202 = arith.xori %lt3A_199, %lt3A_201 : i1
      %and3A = arith.andi %ne3A_202, %ne3A_198 : i1
      %add3A_203 = arith.addi %rem3A, %select_n3A : i32
      %select_n3A_204 = arith.select %and3A, %add3A_203, %rem3A : i32
      %dma_start3A_205 = arith.constant 0 : i32
      %dma_start3A_206 = tpu.memref_slice %arg7[%select_n3A_204, %dma_start3A_205] : memref<160x128xi32, #tpu.memory_space<vmem>> -> memref<1x128xi32, #tpu.memory_space<vmem>>
      %dma_start3A_207 = tpu.memref_squeeze %dma_start3A_206 : memref<1x128xi32, #tpu.memory_space<vmem>> -> memref<128xi32, #tpu.memory_space<vmem>>
      %dma_start3A_208 = arith.constant 0 : i32
      %dma_start3A_209 = arith.constant 0 : i32
      %dma_start3A_210 = tpu.memref_slice %arg2[%arg0, %dma_start3A_208, %dma_start3A_209] : memref<2x10000x64xf32, #tpu.memory_space<hbm>> -> memref<1x10000x64xf32, #tpu.memory_space<hbm>>
      %dma_start3A_211 = tpu.memref_squeeze %dma_start3A_210 : memref<1x10000x64xf32, #tpu.memory_space<hbm>> -> memref<10000x64xf32, #tpu.memory_space<hbm>>
      %dma_start3A_212 = arith.constant 0 : i32
      %dma_start3A_213 = arith.constant 0 : i32
      %dma_start3A_214 = tpu.memref_slice %dma_start3A_211[%dma_start3A_212, %dma_start3A_213] : memref<10000x64xf32, #tpu.memory_space<hbm>> -> memref<10000x64xf32, #tpu.memory_space<hbm>>
      tpu.enqueue_indirect_dma source(%dma_start3A_214 : memref<10000x64xf32, #tpu.memory_space<hbm>>) target(%arg9 : memref<128x64xf32, #tpu.memory_space<vmem>>) offsets(%dma_start3A_207 : memref<128xi32, #tpu.memory_space<vmem>>) semaphore(%arg14 : memref<!tpu.dma_semaphore, #tpu.memory_space<semaphore_mem>>)
      %add3A_215 = arith.constant 5 : i32
      %add3A_216 = arith.addi %mul3A_106, %add3A_215 : i32
      %jit3A_217 = arith.constant 160 : i32
      %eq3A_218 = arith.constant 0 : i32
      %eq3A_219 = arith.cmpi eq, %jit3A_217, %eq3A_218 : i32
      %jit3A_220 = arith.constant 1 : i32
      %select_n3A_221 = arith.select %eq3A_219, %jit3A_220, %jit3A_217 : i32
      %rem3A_222 = arith.remsi %add3A_216, %select_n3A_221 : i32
      %ne3A_223 = arith.constant 0 : i32
      %ne3A_224 = arith.cmpi ne, %rem3A_222, %ne3A_223 : i32
      %lt3A_225 = arith.constant 0 : i32
      %lt3A_226 = arith.cmpi slt, %rem3A_222, %lt3A_225 : i32
      %lt3A_227 = arith.constant 0 : i32
      %lt3A_228 = arith.cmpi slt, %select_n3A_221, %lt3A_227 : i32
      %ne3A_229 = arith.xori %lt3A_226, %lt3A_228 : i1
      %and3A_230 = arith.andi %ne3A_229, %ne3A_224 : i1
      %add3A_231 = arith.addi %rem3A_222, %select_n3A_221 : i32
      %select_n3A_232 = arith.select %and3A_230, %add3A_231, %rem3A_222 : i32
      %dma_start3A_233 = arith.constant 0 : i32
      %dma_start3A_234 = tpu.memref_slice %arg7[%select_n3A_232, %dma_start3A_233] : memref<160x128xi32, #tpu.memory_space<vmem>> -> memref<1x128xi32, #tpu.memory_space<vmem>>
      %dma_start3A_235 = tpu.memref_squeeze %dma_start3A_234 : memref<1x128xi32, #tpu.memory_space<vmem>> -> memref<128xi32, #tpu.memory_space<vmem>>
      %dma_start3A_236 = arith.constant 0 : i32
      %dma_start3A_237 = arith.constant 0 : i32
      %dma_start3A_238 = tpu.memref_slice %arg2[%arg0, %dma_start3A_236, %dma_start3A_237] : memref<2x10000x64xf32, #tpu.memory_space<hbm>> -> memref<1x10000x64xf32, #tpu.memory_space<hbm>>
      %dma_start3A_239 = tpu.memref_squeeze %dma_start3A_238 : memref<1x10000x64xf32, #tpu.memory_space<hbm>> -> memref<10000x64xf32, #tpu.memory_space<hbm>>
      %dma_start3A_240 = arith.constant 0 : i32
      %dma_start3A_241 = arith.constant 0 : i32
      %dma_start3A_242 = tpu.memref_slice %dma_start3A_239[%dma_start3A_240, %dma_start3A_241] : memref<10000x64xf32, #tpu.memory_space<hbm>> -> memref<10000x64xf32, #tpu.memory_space<hbm>>
      tpu.enqueue_indirect_dma source(%dma_start3A_242 : memref<10000x64xf32, #tpu.memory_space<hbm>>) target(%arg10 : memref<128x64xf32, #tpu.memory_space<vmem>>) offsets(%dma_start3A_235 : memref<128xi32, #tpu.memory_space<vmem>>) semaphore(%arg15 : memref<!tpu.dma_semaphore, #tpu.memory_space<semaphore_mem>>)
      %dma_wait3A_243 = arith.constant 0 : i32
      %dma_wait3A_244 = tpu.memref_slice %arg8[%add3A_155, %dma_wait3A_243] : memref<160x128xi32, #tpu.memory_space<vmem>> -> memref<1x128xi32, #tpu.memory_space<vmem>>
      %dma_wait3A_245 = tpu.memref_squeeze %dma_wait3A_244 : memref<1x128xi32, #tpu.memory_space<vmem>> -> memref<128xi32, #tpu.memory_space<vmem>>
      %dma_wait3A_246 = arith.constant 0 : i32
      %dma_wait3A_247 = arith.constant 0 : i32
      %dma_wait3A_248 = tpu.memref_slice %arg13[%dma_wait3A_246, %dma_wait3A_247] : memref<10240x64xf32, #tpu.memory_space<vmem_shared>> -> memref<10240x64xf32, #tpu.memory_space<vmem_shared>>
      tpu.wait_indirect_dma semaphore(%arg19 : memref<!tpu.dma_semaphore, #tpu.memory_space<semaphore_mem>>) src(%arg11 : memref<128x64xf32, #tpu.memory_space<vmem>>) dst(%dma_wait3A_248 : memref<10240x64xf32, #tpu.memory_space<vmem_shared>>)
      %dma_wait3A_249 = arith.constant 0 : i32
      %dma_wait3A_250 = tpu.memref_slice %arg8[%add3A_175, %dma_wait3A_249] : memref<160x128xi32, #tpu.memory_space<vmem>> -> memref<1x128xi32, #tpu.memory_space<vmem>>
      %dma_wait3A_251 = tpu.memref_squeeze %dma_wait3A_250 : memref<1x128xi32, #tpu.memory_space<vmem>> -> memref<128xi32, #tpu.memory_space<vmem>>
      %dma_wait3A_252 = arith.constant 0 : i32
      %dma_wait3A_253 = arith.constant 0 : i32
      %dma_wait3A_254 = tpu.memref_slice %arg13[%dma_wait3A_252, %dma_wait3A_253] : memref<10240x64xf32, #tpu.memory_space<vmem_shared>> -> memref<10240x64xf32, #tpu.memory_space<vmem_shared>>
      tpu.wait_indirect_dma semaphore(%arg19 : memref<!tpu.dma_semaphore, #tpu.memory_space<semaphore_mem>>) src(%arg12 : memref<128x64xf32, #tpu.memory_space<vmem>>) dst(%dma_wait3A_254 : memref<10240x64xf32, #tpu.memory_space<vmem_shared>>)
      %add3A_255 = arith.constant 6 : i32
      %add3A_256 = arith.addi %mul3A_106, %add3A_255 : i32
      %jit3A_257 = arith.constant 160 : i32
      %eq3A_258 = arith.constant 0 : i32
      %eq3A_259 = arith.cmpi eq, %jit3A_257, %eq3A_258 : i32
      %jit3A_260 = arith.constant 1 : i32
      %select_n3A_261 = arith.select %eq3A_259, %jit3A_260, %jit3A_257 : i32
      %rem3A_262 = arith.remsi %add3A_256, %select_n3A_261 : i32
      %ne3A_263 = arith.constant 0 : i32
      %ne3A_264 = arith.cmpi ne, %rem3A_262, %ne3A_263 : i32
      %lt3A_265 = arith.constant 0 : i32
      %lt3A_266 = arith.cmpi slt, %rem3A_262, %lt3A_265 : i32
      %lt3A_267 = arith.constant 0 : i32
      %lt3A_268 = arith.cmpi slt, %select_n3A_261, %lt3A_267 : i32
      %ne3A_269 = arith.xori %lt3A_266, %lt3A_268 : i1
      %and3A_270 = arith.andi %ne3A_269, %ne3A_264 : i1
      %add3A_271 = arith.addi %rem3A_262, %select_n3A_261 : i32
      %select_n3A_272 = arith.select %and3A_270, %add3A_271, %rem3A_262 : i32
      %dma_start3A_273 = arith.constant 0 : i32
      %dma_start3A_274 = tpu.memref_slice %arg7[%select_n3A_272, %dma_start3A_273] : memref<160x128xi32, #tpu.memory_space<vmem>> -> memref<1x128xi32, #tpu.memory_space<vmem>>
      %dma_start3A_275 = tpu.memref_squeeze %dma_start3A_274 : memref<1x128xi32, #tpu.memory_space<vmem>> -> memref<128xi32, #tpu.memory_space<vmem>>
      %dma_start3A_276 = arith.constant 0 : i32
      %dma_start3A_277 = arith.constant 0 : i32
      %dma_start3A_278 = tpu.memref_slice %arg2[%arg0, %dma_start3A_276, %dma_start3A_277] : memref<2x10000x64xf32, #tpu.memory_space<hbm>> -> memref<1x10000x64xf32, #tpu.memory_space<hbm>>
      %dma_start3A_279 = tpu.memref_squeeze %dma_start3A_278 : memref<1x10000x64xf32, #tpu.memory_space<hbm>> -> memref<10000x64xf32, #tpu.memory_space<hbm>>
      %dma_start3A_280 = arith.constant 0 : i32
      %dma_start3A_281 = arith.constant 0 : i32
      %dma_start3A_282 = tpu.memref_slice %dma_start3A_279[%dma_start3A_280, %dma_start3A_281] : memref<10000x64xf32, #tpu.memory_space<hbm>> -> memref<10000x64xf32, #tpu.memory_space<hbm>>
      tpu.enqueue_indirect_dma source(%dma_start3A_282 : memref<10000x64xf32, #tpu.memory_space<hbm>>) target(%arg11 : memref<128x64xf32, #tpu.memory_space<vmem>>) offsets(%dma_start3A_275 : memref<128xi32, #tpu.memory_space<vmem>>) semaphore(%arg16 : memref<!tpu.dma_semaphore, #tpu.memory_space<semaphore_mem>>)
      %add3A_283 = arith.constant 7 : i32
      %add3A_284 = arith.addi %mul3A_106, %add3A_283 : i32
      %jit3A_285 = arith.constant 160 : i32
      %eq3A_286 = arith.constant 0 : i32
      %eq3A_287 = arith.cmpi eq, %jit3A_285, %eq3A_286 : i32
      %jit3A_288 = arith.constant 1 : i32
      %select_n3A_289 = arith.select %eq3A_287, %jit3A_288, %jit3A_285 : i32
      %rem3A_290 = arith.remsi %add3A_284, %select_n3A_289 : i32
      %ne3A_291 = arith.constant 0 : i32
      %ne3A_292 = arith.cmpi ne, %rem3A_290, %ne3A_291 : i32
      %lt3A_293 = arith.constant 0 : i32
      %lt3A_294 = arith.cmpi slt, %rem3A_290, %lt3A_293 : i32
      %lt3A_295 = arith.constant 0 : i32
      %lt3A_296 = arith.cmpi slt, %select_n3A_289, %lt3A_295 : i32
      %ne3A_297 = arith.xori %lt3A_294, %lt3A_296 : i1
      %and3A_298 = arith.andi %ne3A_297, %ne3A_292 : i1
      %add3A_299 = arith.addi %rem3A_290, %select_n3A_289 : i32
      %select_n3A_300 = arith.select %and3A_298, %add3A_299, %rem3A_290 : i32
      %dma_start3A_301 = arith.constant 0 : i32
      %dma_start3A_302 = tpu.memref_slice %arg7[%select_n3A_300, %dma_start3A_301] : memref<160x128xi32, #tpu.memory_space<vmem>> -> memref<1x128xi32, #tpu.memory_space<vmem>>
      %dma_start3A_303 = tpu.memref_squeeze %dma_start3A_302 : memref<1x128xi32, #tpu.memory_space<vmem>> -> memref<128xi32, #tpu.memory_space<vmem>>
      %dma_start3A_304 = arith.constant 0 : i32
      %dma_start3A_305 = arith.constant 0 : i32
      %dma_start3A_306 = tpu.memref_slice %arg2[%arg0, %dma_start3A_304, %dma_start3A_305] : memref<2x10000x64xf32, #tpu.memory_space<hbm>> -> memref<1x10000x64xf32, #tpu.memory_space<hbm>>
      %dma_start3A_307 = tpu.memref_squeeze %dma_start3A_306 : memref<1x10000x64xf32, #tpu.memory_space<hbm>> -> memref<10000x64xf32, #tpu.memory_space<hbm>>
      %dma_start3A_308 = arith.constant 0 : i32
      %dma_start3A_309 = arith.constant 0 : i32
      %dma_start3A_310 = tpu.memref_slice %dma_start3A_307[%dma_start3A_308, %dma_start3A_309] : memref<10000x64xf32, #tpu.memory_space<hbm>> -> memref<10000x64xf32, #tpu.memory_space<hbm>>
      tpu.enqueue_indirect_dma source(%dma_start3A_310 : memref<10000x64xf32, #tpu.memory_space<hbm>>) target(%arg12 : memref<128x64xf32, #tpu.memory_space<vmem>>) offsets(%dma_start3A_303 : memref<128xi32, #tpu.memory_space<vmem>>) semaphore(%arg17 : memref<!tpu.dma_semaphore, #tpu.memory_space<semaphore_mem>>)
      %scan3A_311 = arith.constant 0 : i32
      scf.yield %scan3A_311 : i32
    }
    %scan3A_55 = arith.constant 40 : i32
    %dma_wait3A = arith.constant 0 : i32
    %dma_wait3A_56 = arith.constant 0 : i32
    %dma_wait3A_57 = tpu.memref_slice %arg7[%dma_wait3A, %dma_wait3A_56] : memref<160x128xi32, #tpu.memory_space<vmem>> -> memref<1x128xi32, #tpu.memory_space<vmem>>
    %dma_wait3A_58 = tpu.memref_squeeze %dma_wait3A_57 : memref<1x128xi32, #tpu.memory_space<vmem>> -> memref<128xi32, #tpu.memory_space<vmem>>
    %dma_wait3A_59 = arith.constant 0 : i32
    %dma_wait3A_60 = arith.constant 0 : i32
    %dma_wait3A_61 = tpu.memref_slice %arg2[%arg0, %dma_wait3A_59, %dma_wait3A_60] : memref<2x10000x64xf32, #tpu.memory_space<hbm>> -> memref<1x10000x64xf32, #tpu.memory_space<hbm>>
    %dma_wait3A_62 = tpu.memref_squeeze %dma_wait3A_61 : memref<1x10000x64xf32, #tpu.memory_space<hbm>> -> memref<10000x64xf32, #tpu.memory_space<hbm>>
    %dma_wait3A_63 = arith.constant 0 : i32
    %dma_wait3A_64 = arith.constant 0 : i32
    %dma_wait3A_65 = tpu.memref_slice %dma_wait3A_62[%dma_wait3A_63, %dma_wait3A_64] : memref<10000x64xf32, #tpu.memory_space<hbm>> -> memref<10000x64xf32, #tpu.memory_space<hbm>>
    tpu.wait_indirect_dma semaphore(%arg14 : memref<!tpu.dma_semaphore, #tpu.memory_space<semaphore_mem>>) src(%dma_wait3A_65 : memref<10000x64xf32, #tpu.memory_space<hbm>>) dst(%arg9 : memref<128x64xf32, #tpu.memory_space<vmem>>)
    %dma_wait3A_66 = arith.constant 1 : i32
    %dma_wait3A_67 = arith.constant 0 : i32
    %dma_wait3A_68 = tpu.memref_slice %arg7[%dma_wait3A_66, %dma_wait3A_67] : memref<160x128xi32, #tpu.memory_space<vmem>> -> memref<1x128xi32, #tpu.memory_space<vmem>>
    %dma_wait3A_69 = tpu.memref_squeeze %dma_wait3A_68 : memref<1x128xi32, #tpu.memory_space<vmem>> -> memref<128xi32, #tpu.memory_space<vmem>>
    %dma_wait3A_70 = arith.constant 0 : i32
    %dma_wait3A_71 = arith.constant 0 : i32
    %dma_wait3A_72 = tpu.memref_slice %arg2[%arg0, %dma_wait3A_70, %dma_wait3A_71] : memref<2x10000x64xf32, #tpu.memory_space<hbm>> -> memref<1x10000x64xf32, #tpu.memory_space<hbm>>
    %dma_wait3A_73 = tpu.memref_squeeze %dma_wait3A_72 : memref<1x10000x64xf32, #tpu.memory_space<hbm>> -> memref<10000x64xf32, #tpu.memory_space<hbm>>
    %dma_wait3A_74 = arith.constant 0 : i32
    %dma_wait3A_75 = arith.constant 0 : i32
    %dma_wait3A_76 = tpu.memref_slice %dma_wait3A_73[%dma_wait3A_74, %dma_wait3A_75] : memref<10000x64xf32, #tpu.memory_space<hbm>> -> memref<10000x64xf32, #tpu.memory_space<hbm>>
    tpu.wait_indirect_dma semaphore(%arg15 : memref<!tpu.dma_semaphore, #tpu.memory_space<semaphore_mem>>) src(%dma_wait3A_76 : memref<10000x64xf32, #tpu.memory_space<hbm>>) dst(%arg10 : memref<128x64xf32, #tpu.memory_space<vmem>>)
    %dma_wait3A_77 = arith.constant 2 : i32
    %dma_wait3A_78 = arith.constant 0 : i32
    %dma_wait3A_79 = tpu.memref_slice %arg7[%dma_wait3A_77, %dma_wait3A_78] : memref<160x128xi32, #tpu.memory_space<vmem>> -> memref<1x128xi32, #tpu.memory_space<vmem>>
    %dma_wait3A_80 = tpu.memref_squeeze %dma_wait3A_79 : memref<1x128xi32, #tpu.memory_space<vmem>> -> memref<128xi32, #tpu.memory_space<vmem>>
    %dma_wait3A_81 = arith.constant 0 : i32
    %dma_wait3A_82 = arith.constant 0 : i32
    %dma_wait3A_83 = tpu.memref_slice %arg2[%arg0, %dma_wait3A_81, %dma_wait3A_82] : memref<2x10000x64xf32, #tpu.memory_space<hbm>> -> memref<1x10000x64xf32, #tpu.memory_space<hbm>>
    %dma_wait3A_84 = tpu.memref_squeeze %dma_wait3A_83 : memref<1x10000x64xf32, #tpu.memory_space<hbm>> -> memref<10000x64xf32, #tpu.memory_space<hbm>>
    %dma_wait3A_85 = arith.constant 0 : i32
    %dma_wait3A_86 = arith.constant 0 : i32
    %dma_wait3A_87 = tpu.memref_slice %dma_wait3A_84[%dma_wait3A_85, %dma_wait3A_86] : memref<10000x64xf32, #tpu.memory_space<hbm>> -> memref<10000x64xf32, #tpu.memory_space<hbm>>
    tpu.wait_indirect_dma semaphore(%arg16 : memref<!tpu.dma_semaphore, #tpu.memory_space<semaphore_mem>>) src(%dma_wait3A_87 : memref<10000x64xf32, #tpu.memory_space<hbm>>) dst(%arg11 : memref<128x64xf32, #tpu.memory_space<vmem>>)
    %dma_wait3A_88 = arith.constant 3 : i32
    %dma_wait3A_89 = arith.constant 0 : i32
    %dma_wait3A_90 = tpu.memref_slice %arg7[%dma_wait3A_88, %dma_wait3A_89] : memref<160x128xi32, #tpu.memory_space<vmem>> -> memref<1x128xi32, #tpu.memory_space<vmem>>
    %dma_wait3A_91 = tpu.memref_squeeze %dma_wait3A_90 : memref<1x128xi32, #tpu.memory_space<vmem>> -> memref<128xi32, #tpu.memory_space<vmem>>
    %dma_wait3A_92 = arith.constant 0 : i32
    %dma_wait3A_93 = arith.constant 0 : i32
    %dma_wait3A_94 = tpu.memref_slice %arg2[%arg0, %dma_wait3A_92, %dma_wait3A_93] : memref<2x10000x64xf32, #tpu.memory_space<hbm>> -> memref<1x10000x64xf32, #tpu.memory_space<hbm>>
    %dma_wait3A_95 = tpu.memref_squeeze %dma_wait3A_94 : memref<1x10000x64xf32, #tpu.memory_space<hbm>> -> memref<10000x64xf32, #tpu.memory_space<hbm>>
    %dma_wait3A_96 = arith.constant 0 : i32
    %dma_wait3A_97 = arith.constant 0 : i32
    %dma_wait3A_98 = tpu.memref_slice %dma_wait3A_95[%dma_wait3A_96, %dma_wait3A_97] : memref<10000x64xf32, #tpu.memory_space<hbm>> -> memref<10000x64xf32, #tpu.memory_space<hbm>>
    tpu.wait_indirect_dma semaphore(%arg17 : memref<!tpu.dma_semaphore, #tpu.memory_space<semaphore_mem>>) src(%dma_wait3A_98 : memref<10000x64xf32, #tpu.memory_space<hbm>>) dst(%arg12 : memref<128x64xf32, #tpu.memory_space<vmem>>)
    %barrier3A_99 = arith.constant 0 : index
    tpu.barrier barrier_id(%barrier3A_99)
    %mul3A = arith.constant 640 : i32
    %mul3A_100 = arith.muli %arg1, %mul3A : i32
    %mul3A_101 = arith.constant 640 : i32
    %mul3A_102 = arith.muli %arg1, %mul3A_101 : i32
    "tpu.region"() ({
      %run_scoped3A = tpu.sem_alloc : memref<!tpu.dma_semaphore, #tpu.memory_space<semaphore_mem>>
      %dma_start3A_103 = arith.constant 0 : i32
      %dma_start3A_104 = tpu.memref_slice %arg6[%arg0, %mul3A_102, %dma_start3A_103] : memref<2x10240x64xf32, #tpu.memory_space<hbm>> -> memref<1x640x64xf32, #tpu.memory_space<hbm>>
      %dma_start3A_105 = tpu.memref_squeeze %dma_start3A_104 : memref<1x640x64xf32, #tpu.memory_space<hbm>> -> memref<640x64xf32, #tpu.memory_space<hbm>>
      %dma_start3A_106 = arith.constant 0 : i32
      %dma_start3A_107 = tpu.memref_slice %arg13[%mul3A_100, %dma_start3A_106] : memref<10240x64xf32, #tpu.memory_space<vmem_shared>> -> memref<640x64xf32, #tpu.memory_space<vmem_shared>>
      tpu.enqueue_dma source(%dma_start3A_107 : memref<640x64xf32, #tpu.memory_space<vmem_shared>>) target(%dma_start3A_105 : memref<640x64xf32, #tpu.memory_space<hbm>>) target_semaphore(%run_scoped3A : memref<!tpu.dma_semaphore, #tpu.memory_space<semaphore_mem>>)
      %dma_wait3A_108 = arith.constant 0 : i32
      %dma_wait3A_109 = tpu.memref_slice %arg6[%arg0, %mul3A_102, %dma_wait3A_108] : memref<2x10240x64xf32, #tpu.memory_space<hbm>> -> memref<1x640x64xf32, #tpu.memory_space<hbm>>
      %dma_wait3A_110 = tpu.memref_squeeze %dma_wait3A_109 : memref<1x640x64xf32, #tpu.memory_space<hbm>> -> memref<640x64xf32, #tpu.memory_space<hbm>>
      %dma_wait3A_111 = arith.constant 0 : i32
      %dma_wait3A_112 = tpu.memref_slice %arg13[%mul3A_100, %dma_wait3A_111] : memref<10240x64xf32, #tpu.memory_space<vmem_shared>> -> memref<640x64xf32, #tpu.memory_space<vmem_shared>>
      tpu.wait_dma2 semaphore(%run_scoped3A : memref<!tpu.dma_semaphore, #tpu.memory_space<semaphore_mem>>) src(%dma_wait3A_112 : memref<640x64xf32, #tpu.memory_space<vmem_shared>>) dst(%dma_wait3A_110 : memref<640x64xf32, #tpu.memory_space<hbm>>)
      tpu.yield
    }) : () -> ()
    return
  }
}

module attributes {stable_mosaic.version = 14 : i64} {
  func.func @_tc1_body(%arg0: i32, %arg1: memref<1000x128xf32, #tpu.memory_space<vmem>>, %arg2: memref<128x128xf32, #tpu.memory_space<vmem>>, %arg3: memref<2x1000x8xf32, #tpu.memory_space<vmem>>, %arg4: memref<2x1000x64xf32, #tpu.memory_space<vmem>>, %arg5: memref<1000x128xf32, #tpu.memory_space<vmem>>, %arg6: memref<1000x8xf32, #tpu.memory_space<vmem>>) attributes {dimension_semantics = [#tpu.dimension_semantics<arbitrary>], iteration_bounds = array<i64: 10>, scalar_prefetch = 0 : i64, scratch_operands = 0 : i64, tpu.core_type = #tpu.core_type<tc>, window_params = [{transform_indices = @transform_0, window_bounds = array<i64: 1000, 128>}, {pipeline_mode = #tpu.pipeline_mode<synchronous>, transform_indices = @transform_1, window_bounds = array<i64: 128, 128>}, {transform_indices = @transform_2, window_bounds = array<i64: 2, 1000, 8>}, {transform_indices = @transform_3, window_bounds = array<i64: 2, 1000, 64>}, {transform_indices = @transform_4, window_bounds = array<i64: 1000, 128>}, {transform_indices = @transform_5, window_bounds = array<i64: 1000, 8>}]} {
    %get3A = arith.constant 0 : index
    %get3A_0 = arith.constant 0 : index
    %get3A_1 = arith.constant 0 : index
    %get3A_2 = vector.load %arg3[%get3A, %get3A_0, %get3A_1] : memref<2x1000x8xf32, #tpu.memory_space<vmem>>, vector<1x1000x1xf32>
    %get3A_3 = vector.shape_cast %get3A_2 : vector<1x1000x1xf32> to vector<1000xf32>
    %get3A_4 = arith.constant 1 : index
    %get3A_5 = arith.constant 0 : index
    %get3A_6 = arith.constant 0 : index
    %get3A_7 = vector.load %arg3[%get3A_4, %get3A_5, %get3A_6] : memref<2x1000x8xf32, #tpu.memory_space<vmem>>, vector<1x1000x1xf32>
    %get3A_8 = vector.shape_cast %get3A_7 : vector<1x1000x1xf32> to vector<1000xf32>
    %add3A = arith.addf %get3A_3, %get3A_8 : vector<1000xf32>
    %add3A_9 = arith.constant 1.000000e+00 : f32
    %add3A_10 = vector.broadcast %add3A_9 : f32 to vector<1000xf32>
    %add3A_11 = arith.addf %add3A, %add3A_10 : vector<1000xf32>
    %rsqrt3A = math.rsqrt %add3A_11 : vector<1000xf32>
    %broadcast_in_dim3A = vector.shape_cast %rsqrt3A : vector<1000xf32> to vector<1000x1xf32>
    %get3A_12 = arith.constant 0 : index
    %get3A_13 = arith.constant 0 : index
    %get3A_14 = vector.load %arg1[%get3A_12, %get3A_13] : memref<1000x128xf32, #tpu.memory_space<vmem>>, vector<1000x128xf32>
    %get3A_15 = arith.constant 0 : index
    %get3A_16 = arith.constant 0 : index
    %get3A_17 = vector.load %arg2[%get3A_15, %get3A_16] : memref<128x128xf32, #tpu.memory_space<vmem>>, vector<128x128xf32>
    %dot_general3A = arith.constant dense<0.000000e+00> : vector<1000x128xf32>
    %dot_general3A_18 = tpu.matmul %get3A_14, %get3A_17, %dot_general3A {dimension_numbers = #tpu.dot_dimension_numbers<[1], [0], [0], [1], [0, 0, 1, 1], [], []>, transpose_lhs_hint = false} : vector<1000x128xf32>, vector<128x128xf32>, vector<1000x128xf32> -> vector<1000x128xf32>
    %mul3A = vector.broadcast %broadcast_in_dim3A : vector<1000x1xf32> to vector<1000x128xf32>
    %mul3A_19 = arith.mulf %dot_general3A_18, %mul3A : vector<1000x128xf32>
    %slice3A = vector.extract_strided_slice %mul3A_19 {offsets = [0, 0], sizes = [1000, 64], strides = [1, 1]} : vector<1000x128xf32> to vector<1000x64xf32>
    %swap3A = arith.constant 0 : index
    %swap3A_20 = arith.constant 0 : index
    %swap3A_21 = arith.constant 0 : index
    %swap3A_22 = vector.load %arg4[%swap3A, %swap3A_20, %swap3A_21] : memref<2x1000x64xf32, #tpu.memory_space<vmem>>, vector<1x1000x64xf32>
    %swap3A_23 = vector.shape_cast %swap3A_22 : vector<1x1000x64xf32> to vector<1000x64xf32>
    %swap3A_24 = vector.shape_cast %slice3A : vector<1000x64xf32> to vector<1x1000x64xf32>
    tpu.vector_store %arg4[%swap3A, %swap3A_20, %swap3A_21], %swap3A_24 {strides = array<i32>} : memref<2x1000x64xf32, #tpu.memory_space<vmem>>, vector<1x1000x64xf32>,
    %slice3A_25 = vector.extract_strided_slice %mul3A_19 {offsets = [0, 64], sizes = [1000, 64], strides = [1, 1]} : vector<1000x128xf32> to vector<1000x64xf32>
    %swap3A_26 = arith.constant 1 : index
    %swap3A_27 = arith.constant 0 : index
    %swap3A_28 = arith.constant 0 : index
    %swap3A_29 = vector.load %arg4[%swap3A_26, %swap3A_27, %swap3A_28] : memref<2x1000x64xf32, #tpu.memory_space<vmem>>, vector<1x1000x64xf32>
    %swap3A_30 = vector.shape_cast %swap3A_29 : vector<1x1000x64xf32> to vector<1000x64xf32>
    %swap3A_31 = vector.shape_cast %slice3A_25 : vector<1000x64xf32> to vector<1x1000x64xf32>
    tpu.vector_store %arg4[%swap3A_26, %swap3A_27, %swap3A_28], %swap3A_31 {strides = array<i32>} : memref<2x1000x64xf32, #tpu.memory_space<vmem>>, vector<1x1000x64xf32>,
    %mul3A_32 = arith.mulf %broadcast_in_dim3A, %broadcast_in_dim3A : vector<1000x1xf32>
    %mul3A_33 = vector.broadcast %mul3A_32 : vector<1000x1xf32> to vector<1000x128xf32>
    %mul3A_34 = arith.mulf %dot_general3A_18, %mul3A_33 : vector<1000x128xf32>
    %swap3A_35 = arith.constant 0 : index
    %swap3A_36 = arith.constant 0 : index
    %swap3A_37 = vector.load %arg5[%swap3A_35, %swap3A_36] : memref<1000x128xf32, #tpu.memory_space<vmem>>, vector<1000x128xf32>
    tpu.vector_store %arg5[%swap3A_35, %swap3A_36], %mul3A_34 {strides = array<i32>} : memref<1000x128xf32, #tpu.memory_space<vmem>>, vector<1000x128xf32>,
    %broadcast_in_dim3A_38 = vector.shape_cast %broadcast_in_dim3A : vector<1000x1xf32> to vector<1000x1xf32>
    %broadcast_in_dim3A_39 = vector.broadcast %broadcast_in_dim3A_38 : vector<1000x1xf32> to vector<1000x8xf32>
    %swap3A_40 = arith.constant 0 : index
    %swap3A_41 = arith.constant 0 : index
    %swap3A_42 = vector.load %arg6[%swap3A_40, %swap3A_41] : memref<1000x8xf32, #tpu.memory_space<vmem>>, vector<1000x8xf32>
    tpu.vector_store %arg6[%swap3A_40, %swap3A_41], %broadcast_in_dim3A_39 {strides = array<i32>} : memref<1000x8xf32, #tpu.memory_space<vmem>>, vector<1000x8xf32>,
    return
  }
  func.func @transform_0(%arg0: i32) -> (i32, i32) {
    %c0_i32 = arith.constant 0 : i32
    %c0_i32_0 = arith.constant 0 : i32
    return %arg0, %c0_i32 : i32, i32
  }
  func.func @transform_1(%arg0: i32) -> (i32, i32) {
    %c0_i32 = arith.constant 0 : i32
    %c0_i32_0 = arith.constant 0 : i32
    %c0_i32_1 = arith.constant 0 : i32
    return %c0_i32, %c0_i32_0 : i32, i32
  }
  func.func @transform_2(%arg0: i32) -> (i32, i32, i32) {
    %c0_i32 = arith.constant 0 : i32
    %c0_i32_0 = arith.constant 0 : i32
    %c0_i32_1 = arith.constant 0 : i32
    return %c0_i32, %arg0, %c0_i32_0 : i32, i32, i32
  }
  func.func @transform_3(%arg0: i32) -> (i32, i32, i32) {
    %c0_i32 = arith.constant 0 : i32
    %c0_i32_0 = arith.constant 0 : i32
    %c0_i32_1 = arith.constant 0 : i32
    return %c0_i32, %arg0, %c0_i32_0 : i32, i32, i32
  }
  func.func @transform_4(%arg0: i32) -> (i32, i32) {
    %c0_i32 = arith.constant 0 : i32
    %c0_i32_0 = arith.constant 0 : i32
    return %arg0, %c0_i32 : i32, i32
  }
  func.func @transform_5(%arg0: i32) -> (i32, i32) {
    %c0_i32 = arith.constant 0 : i32
    %c0_i32_0 = arith.constant 0 : i32
    return %arg0, %c0_i32 : i32, i32
  }
}

module attributes {stable_mosaic.version = 14 : i64} {
  func.func @_tc2_body(%arg0: i32, %arg1: memref<2x1000x64xf32, #tpu.memory_space<vmem>>, %arg2: memref<1000x8xf32, #tpu.memory_space<vmem>>, %arg3: memref<1000x128xf32, #tpu.memory_space<vmem>>, %arg4: memref<1x128xf32, #tpu.memory_space<vmem>>, %arg5: memref<128x64xf32, #tpu.memory_space<vmem>>, %arg6: memref<2x1000x32xf32, #tpu.memory_space<vmem>>, %arg7: memref<1000x64xf32, #tpu.memory_space<vmem>>) attributes {dimension_semantics = [#tpu.dimension_semantics<arbitrary>], iteration_bounds = array<i64: 10>, scalar_prefetch = 0 : i64, scratch_operands = 0 : i64, tpu.core_type = #tpu.core_type<tc>, window_params = [{transform_indices = @transform_0, window_bounds = array<i64: 2, 1000, 64>}, {transform_indices = @transform_1, window_bounds = array<i64: 1000, 8>}, {transform_indices = @transform_2, window_bounds = array<i64: 1000, 128>}, {pipeline_mode = #tpu.pipeline_mode<synchronous>, transform_indices = @transform_3, window_bounds = array<i64: 1, 128>}, {pipeline_mode = #tpu.pipeline_mode<synchronous>, transform_indices = @transform_4, window_bounds = array<i64: 128, 64>}, {transform_indices = @transform_5, window_bounds = array<i64: 2, 1000, 32>}, {transform_indices = @transform_6, window_bounds = array<i64: 1000, 64>}]} {
    %get3A = arith.constant 0 : index
    %get3A_0 = arith.constant 0 : index
    %get3A_1 = vector.load %arg2[%get3A, %get3A_0] : memref<1000x8xf32, #tpu.memory_space<vmem>>, vector<1000x1xf32>
    %get3A_2 = arith.constant 0 : index
    %get3A_3 = arith.constant 0 : index
    %get3A_4 = arith.constant 0 : index
    %get3A_5 = vector.load %arg1[%get3A_2, %get3A_3, %get3A_4] : memref<2x1000x64xf32, #tpu.memory_space<vmem>>, vector<1x1000x64xf32>
    %get3A_6 = vector.shape_cast %get3A_5 : vector<1x1000x64xf32> to vector<1000x64xf32>
    %get3A_7 = arith.constant 1 : index
    %get3A_8 = arith.constant 0 : index
    %get3A_9 = arith.constant 0 : index
    %get3A_10 = vector.load %arg1[%get3A_7, %get3A_8, %get3A_9] : memref<2x1000x64xf32, #tpu.memory_space<vmem>>, vector<1x1000x64xf32>
    %get3A_11 = vector.shape_cast %get3A_10 : vector<1x1000x64xf32> to vector<1000x64xf32>
    %concatenate3A = tpu.concatenate %get3A_6, %get3A_11 in 1 : vector<1000x64xf32>, vector<1000x64xf32> -> vector<1000x128xf32>
    %mul3A = vector.broadcast %get3A_1 : vector<1000x1xf32> to vector<1000x128xf32>
    %mul3A_12 = arith.mulf %concatenate3A, %mul3A : vector<1000x128xf32>
    %get3A_13 = arith.constant 0 : index
    %get3A_14 = arith.constant 0 : index
    %get3A_15 = vector.load %arg3[%get3A_13, %get3A_14] : memref<1000x128xf32, #tpu.memory_space<vmem>>, vector<1000x128xf32>
    %add3A = arith.addf %mul3A_12, %get3A_15 : vector<1000x128xf32>
    %get3A_16 = arith.constant 0 : index
    %get3A_17 = arith.constant 0 : index
    %get3A_18 = vector.load %arg4[%get3A_16, %get3A_17] : memref<1x128xf32, #tpu.memory_space<vmem>>, vector<1x128xf32>
    %add3A_19 = vector.broadcast %get3A_18 : vector<1x128xf32> to vector<1000x128xf32>
    %add3A_20 = arith.addf %add3A, %add3A_19 : vector<1000x128xf32>
    %max3A = arith.constant 0.000000e+00 : f32
    %max3A_21 = vector.broadcast %max3A : f32 to vector<1000x128xf32>
    %max3A_22 = arith.maximumf %add3A_20, %max3A_21 : vector<1000x128xf32>
    %get3A_23 = arith.constant 0 : index
    %get3A_24 = arith.constant 0 : index
    %get3A_25 = vector.load %arg5[%get3A_23, %get3A_24] : memref<128x64xf32, #tpu.memory_space<vmem>>, vector<128x64xf32>
    %dot_general3A = arith.constant dense<0.000000e+00> : vector<1000x64xf32>
    %dot_general3A_26 = tpu.matmul %max3A_22, %get3A_25, %dot_general3A {dimension_numbers = #tpu.dot_dimension_numbers<[1], [0], [0], [1], [0, 0, 1, 1], [], []>, transpose_lhs_hint = false} : vector<1000x128xf32>, vector<128x64xf32>, vector<1000x64xf32> -> vector<1000x64xf32>
    %mul3A_27 = vector.broadcast %get3A_1 : vector<1000x1xf32> to vector<1000x64xf32>
    %mul3A_28 = arith.mulf %dot_general3A_26, %mul3A_27 : vector<1000x64xf32>
    %slice3A = vector.extract_strided_slice %mul3A_28 {offsets = [0, 0], sizes = [1000, 32], strides = [1, 1]} : vector<1000x64xf32> to vector<1000x32xf32>
    %swap3A = arith.constant 0 : index
    %swap3A_29 = arith.constant 0 : index
    %swap3A_30 = arith.constant 0 : index
    %swap3A_31 = vector.load %arg6[%swap3A, %swap3A_29, %swap3A_30] : memref<2x1000x32xf32, #tpu.memory_space<vmem>>, vector<1x1000x32xf32>
    %swap3A_32 = vector.shape_cast %swap3A_31 : vector<1x1000x32xf32> to vector<1000x32xf32>
    %swap3A_33 = vector.shape_cast %slice3A : vector<1000x32xf32> to vector<1x1000x32xf32>
    tpu.vector_store %arg6[%swap3A, %swap3A_29, %swap3A_30], %swap3A_33 {strides = array<i32>} : memref<2x1000x32xf32, #tpu.memory_space<vmem>>, vector<1x1000x32xf32>,
    %slice3A_34 = vector.extract_strided_slice %mul3A_28 {offsets = [0, 32], sizes = [1000, 32], strides = [1, 1]} : vector<1000x64xf32> to vector<1000x32xf32>
    %swap3A_35 = arith.constant 1 : index
    %swap3A_36 = arith.constant 0 : index
    %swap3A_37 = arith.constant 0 : index
    %swap3A_38 = vector.load %arg6[%swap3A_35, %swap3A_36, %swap3A_37] : memref<2x1000x32xf32, #tpu.memory_space<vmem>>, vector<1x1000x32xf32>
    %swap3A_39 = vector.shape_cast %swap3A_38 : vector<1x1000x32xf32> to vector<1000x32xf32>
    %swap3A_40 = vector.shape_cast %slice3A_34 : vector<1000x32xf32> to vector<1x1000x32xf32>
    tpu.vector_store %arg6[%swap3A_35, %swap3A_36, %swap3A_37], %swap3A_40 {strides = array<i32>} : memref<2x1000x32xf32, #tpu.memory_space<vmem>>, vector<1x1000x32xf32>,
    %mul3A_41 = arith.mulf %get3A_1, %get3A_1 : vector<1000x1xf32>
    %mul3A_42 = vector.broadcast %mul3A_41 : vector<1000x1xf32> to vector<1000x64xf32>
    %mul3A_43 = arith.mulf %dot_general3A_26, %mul3A_42 : vector<1000x64xf32>
    %swap3A_44 = arith.constant 0 : index
    %swap3A_45 = arith.constant 0 : index
    %swap3A_46 = vector.load %arg7[%swap3A_44, %swap3A_45] : memref<1000x64xf32, #tpu.memory_space<vmem>>, vector<1000x64xf32>
    tpu.vector_store %arg7[%swap3A_44, %swap3A_45], %mul3A_43 {strides = array<i32>} : memref<1000x64xf32, #tpu.memory_space<vmem>>, vector<1000x64xf32>,
    return
  }
  func.func @transform_0(%arg0: i32) -> (i32, i32, i32) {
    %c0_i32 = arith.constant 0 : i32
    %c0_i32_0 = arith.constant 0 : i32
    %c0_i32_1 = arith.constant 0 : i32
    return %c0_i32, %arg0, %c0_i32_0 : i32, i32, i32
  }
  func.func @transform_1(%arg0: i32) -> (i32, i32) {
    %c0_i32 = arith.constant 0 : i32
    %c0_i32_0 = arith.constant 0 : i32
    return %arg0, %c0_i32 : i32, i32
  }
  func.func @transform_2(%arg0: i32) -> (i32, i32) {
    %c0_i32 = arith.constant 0 : i32
    %c0_i32_0 = arith.constant 0 : i32
    return %arg0, %c0_i32 : i32, i32
  }
  func.func @transform_3(%arg0: i32) -> (i32, i32) {
    %c0_i32 = arith.constant 0 : i32
    %c0_i32_0 = arith.constant 0 : i32
    %c0_i32_1 = arith.constant 0 : i32
    return %c0_i32, %c0_i32_0 : i32, i32
  }
  func.func @transform_4(%arg0: i32) -> (i32, i32) {
    %c0_i32 = arith.constant 0 : i32
    %c0_i32_0 = arith.constant 0 : i32
    %c0_i32_1 = arith.constant 0 : i32
    return %c0_i32, %c0_i32_0 : i32, i32
  }
  func.func @transform_5(%arg0: i32) -> (i32, i32, i32) {
    %c0_i32 = arith.constant 0 : i32
    %c0_i32_0 = arith.constant 0 : i32
    %c0_i32_1 = arith.constant 0 : i32
    return %c0_i32, %arg0, %c0_i32_0 : i32, i32, i32
  }
  func.func @transform_6(%arg0: i32) -> (i32, i32) {
    %c0_i32 = arith.constant 0 : i32
    %c0_i32_0 = arith.constant 0 : i32
    return %arg0, %c0_i32 : i32, i32
  }
}

module attributes {stable_mosaic.version = 14 : i64} {
  func.func @_tc3_body(%arg0: i32, %arg1: memref<2x1000x32xf32, #tpu.memory_space<vmem>>, %arg2: memref<1000x8xf32, #tpu.memory_space<vmem>>, %arg3: memref<1000x64xf32, #tpu.memory_space<vmem>>, %arg4: memref<1x64xf32, #tpu.memory_space<vmem>>, %arg5: memref<1000x64xf32, #tpu.memory_space<vmem>>) attributes {dimension_semantics = [#tpu.dimension_semantics<arbitrary>], iteration_bounds = array<i64: 10>, scalar_prefetch = 0 : i64, scratch_operands = 0 : i64, tpu.core_type = #tpu.core_type<tc>, window_params = [{transform_indices = @transform_0, window_bounds = array<i64: 2, 1000, 32>}, {transform_indices = @transform_1, window_bounds = array<i64: 1000, 8>}, {transform_indices = @transform_2, window_bounds = array<i64: 1000, 64>}, {pipeline_mode = #tpu.pipeline_mode<synchronous>, transform_indices = @transform_3, window_bounds = array<i64: 1, 64>}, {transform_indices = @transform_4, window_bounds = array<i64: 1000, 64>}]} {
    %get3A = arith.constant 0 : index
    %get3A_0 = arith.constant 0 : index
    %get3A_1 = vector.load %arg2[%get3A, %get3A_0] : memref<1000x8xf32, #tpu.memory_space<vmem>>, vector<1000x1xf32>
    %get3A_2 = arith.constant 0 : index
    %get3A_3 = arith.constant 0 : index
    %get3A_4 = arith.constant 0 : index
    %get3A_5 = vector.load %arg1[%get3A_2, %get3A_3, %get3A_4] : memref<2x1000x32xf32, #tpu.memory_space<vmem>>, vector<1x1000x32xf32>
    %get3A_6 = vector.shape_cast %get3A_5 : vector<1x1000x32xf32> to vector<1000x32xf32>
    %get3A_7 = arith.constant 1 : index
    %get3A_8 = arith.constant 0 : index
    %get3A_9 = arith.constant 0 : index
    %get3A_10 = vector.load %arg1[%get3A_7, %get3A_8, %get3A_9] : memref<2x1000x32xf32, #tpu.memory_space<vmem>>, vector<1x1000x32xf32>
    %get3A_11 = vector.shape_cast %get3A_10 : vector<1x1000x32xf32> to vector<1000x32xf32>
    %concatenate3A = tpu.concatenate %get3A_6, %get3A_11 in 1 : vector<1000x32xf32>, vector<1000x32xf32> -> vector<1000x64xf32>
    %mul3A = vector.broadcast %get3A_1 : vector<1000x1xf32> to vector<1000x64xf32>
    %mul3A_12 = arith.mulf %concatenate3A, %mul3A : vector<1000x64xf32>
    %get3A_13 = arith.constant 0 : index
    %get3A_14 = arith.constant 0 : index
    %get3A_15 = vector.load %arg3[%get3A_13, %get3A_14] : memref<1000x64xf32, #tpu.memory_space<vmem>>, vector<1000x64xf32>
    %add3A = arith.addf %mul3A_12, %get3A_15 : vector<1000x64xf32>
    %get3A_16 = arith.constant 0 : index
    %get3A_17 = arith.constant 0 : index
    %get3A_18 = vector.load %arg4[%get3A_16, %get3A_17] : memref<1x64xf32, #tpu.memory_space<vmem>>, vector<1x64xf32>
    %add3A_19 = vector.broadcast %get3A_18 : vector<1x64xf32> to vector<1000x64xf32>
    %add3A_20 = arith.addf %add3A, %add3A_19 : vector<1000x64xf32>
    %swap3A = arith.constant 0 : index
    %swap3A_21 = arith.constant 0 : index
    %swap3A_22 = vector.load %arg5[%swap3A, %swap3A_21] : memref<1000x64xf32, #tpu.memory_space<vmem>>, vector<1000x64xf32>
    tpu.vector_store %arg5[%swap3A, %swap3A_21], %add3A_20 {strides = array<i32>} : memref<1000x64xf32, #tpu.memory_space<vmem>>, vector<1000x64xf32>,
    return
  }
  func.func @transform_0(%arg0: i32) -> (i32, i32, i32) {
    %c0_i32 = arith.constant 0 : i32
    %c0_i32_0 = arith.constant 0 : i32
    %c0_i32_1 = arith.constant 0 : i32
    return %c0_i32, %arg0, %c0_i32_0 : i32, i32, i32
  }
  func.func @transform_1(%arg0: i32) -> (i32, i32) {
    %c0_i32 = arith.constant 0 : i32
    %c0_i32_0 = arith.constant 0 : i32
    return %arg0, %c0_i32 : i32, i32
  }
  func.func @transform_2(%arg0: i32) -> (i32, i32) {
    %c0_i32 = arith.constant 0 : i32
    %c0_i32_0 = arith.constant 0 : i32
    return %arg0, %c0_i32 : i32, i32
  }
  func.func @transform_3(%arg0: i32) -> (i32, i32) {
    %c0_i32 = arith.constant 0 : i32
    %c0_i32_0 = arith.constant 0 : i32
    %c0_i32_1 = arith.constant 0 : i32
    return %c0_i32, %c0_i32_0 : i32, i32
  }
  func.func @transform_4(%arg0: i32) -> (i32, i32) {
    %c0_i32 = arith.constant 0 : i32
    %c0_i32_0 = arith.constant 0 : i32
    return %arg0, %c0_i32 : i32, i32
  }
}

</mosaic_0001>

<sc_bundles>
// kernel: kernel.11.cloned.1.call-start
scs
__scs_entry_jumppad:
0x0: {  	(pc) =	sbr.rel $0x88, $3  }
0x1: {  	(tag) =	ssettag $0x0;
	lr =	simm.s32 $0x1  }
0x2: {  	[smem:$0x3F9B] =	sst lr;
	_ =	strace $0xD0000000  }
0x3: {  	_ = 	snop  }
0x4: {  	_ = 	snop  }
0x5: {  	_ = 	snop  }
0x6: {  	_ = 	snop  }
0x7: {  	_ = 	snop  }
__scs_overlays_trampoline_lowered:
0x8: {  	[smem:$0x3FAA] =	sst s0  }
0x9: {  	[smem:$0x3FAB] =	sst s1  }
0xa: {  	[smem:$0x3FAC] =	sst s2  }
0xb: {  	[smem:$0x3FAD] =	sst s3  }
0xc: {  	[smem:$0x3FAE] =	sst s4  }
0xd: {  	[smem:$0x3FAF] =	sst s5  }
0xe: {  	[smem:$0x3FB0] =	sst s6  }
0xf: {  	[smem:$0x3FB1] =	sst s7  }
0x10: {  	[smem:$0x3FB2] =	sst s8  }
0x11: {  	[smem:$0x3FB3] =	sst s9;
	s0 =	simm.s32 @!p0 $0x0  }
0x12: {  	s1 =	sld [smem:$0x3F99];
	s0 =	simm.s32 @p0 $0x1  }
0x13: {  	[smem:$0x3FB4] =	sst s0;
	s0 =	simm.s32 @!p1 $0x0  }
0x14: {  	s2 =	sld [smem:$0x3F98];
	s0 =	simm.s32 @p1 $0x1  }
0x15: {  	[smem:$0x3FB5] =	sst s0;
	s0 =	simm.s32 @!p2 $0x0  }
0x16: {  	s3 =	sld [smem:$0x3FDB];
	s0 =	simm.s32 @p2 $0x1  }
0x17: {  	s4 =	simm.s32 $0x1BF5;
	[smem:$0x3FB7] =	sst s0  }
0x18: {  	s0 =	sld [smem:$0x3F9A];
	_ =	swait.ge [sflag:s4], $0x0  }
0x19: {  	s7 =	sld [smem:$0x3F9B]  }
0x1a: {  	s8 =	sadd.s32 $0xFFFFE003, lr  }
0x1b: {  	s9 =	sadd.s32 $0xFFFFFEF7, lr;
	s5 =	simm.s32 $0xFFFFFFFF;
	p2 =	slt.u32 s8, $0xFFFFF086  }
0x1c: {  	p1 =	slt.u32 s9, $0xF7A;
	s5 =	simm.s32 @!p2 $0x0  }
0x1d: {  	s5 =	simm.s32 @p1 $0x1;
	p0 =	seq.s32 s7, s2  }
0x1e: {  	s7 =	smul.u32 @!p0 $0xF7A, s2;
	p2 =	seq.s32 @!p0 s5, $0x0  }
0x1f: {  	s9 =	smul.u32 $0xF7A, s1;
	s8 =	simm.s32 @!p0 $0x1BF5;
	p2 =	por !p2, p0  }
0x20: {  	[sflag:s8] =	ssyncset.s32 @!p0 $0xFFFFF086;
	s6 =	sadd.s32 @!p0 s3, s7;
	s7 =	simm.s32 @!p0 $0x108  }
0x21: {  	s3 =	sadd.s32 s3, s9;
	s6 =	sadd.s32 @!p0 $0x88, s6;
	s7 =	simm.s32 @p2 $0x1082  }
0x22: {  	[simem:s7], [sflag:s8] =	dma.local @!p0 [hbm:s6], $0xF7A  }
0x23: {  	s9 =	sor.u32 $0xD0000000, s2;
	s6 =	simm.s32 $0x108;
	_ =	swait.ge @!p0 [sflag:s8], $0x0  }
0x24: {  	s3 =	sadd.s32 $0x88, s3;
	s6 =	simm.s32 @!p1 $0x1082;
	[sflag:s4] =	ssyncset.s32 $0xFFFFF086  }
0x25: {  	[simem:s6], [sflag:s4] =	dma.local [hbm:s3], $0xF7A  }
0x26: {  	[smem:$0x3F9B] =	sst s1;
	(tag) =	ssettag s2;
	_ =	strace s9  }
0x27: {  	s1 =	sld [smem:$0x3FAB]  }
0x28: {  	s2 =	sld [smem:$0x3FAC]  }
0x29: {  	s4 =	sld [smem:$0x3FAE]  }
0x2a: {  	p0 =	seq.s32 s5, $0x0;
	s5 =	sld [smem:$0x3FAF]  }
0x2b: {  	s6 =	sld [smem:$0x3FB0]  }
0x2c: {  	s7 =	sld [smem:$0x3FB1]  }
0x2d: {  	s3 =	simm.s32 $0x108;
	s8 =	sld [smem:$0x3FB2]  }
0x2e: {  	s3 =	simm.s32 @!p0 $0x1082;
	s9 =	sld [smem:$0x3FB3]  }
0x2f: {  	lr =	sadd.s32 s0, s3;
	s0 =	sld [smem:$0x3FAA]  }
0x30: {  	s3 =	sld [smem:$0x3FAD]  }
0x31: {  	[smem:$0x3FB6] =	sst s10  }
0x32: {  	s10 =	sld [smem:$0x3FB4];
	_ =	sdelay $0x3  }
0x33: {  	p0 =	seq.s32 s10, $0x1;
	s10 =	sld [smem:$0x3FB6];
	_ =	sdelay $0x3  }
0x34: {  	[smem:$0x3FB6] =	sst s10  }
0x35: {  	s10 =	sld [smem:$0x3FB5];
	_ =	sdelay $0x3  }
0x36: {  	p1 =	seq.s32 s10, $0x1;
	s10 =	sld [smem:$0x3FB6];
	_ =	sdelay $0x3  }
0x37: {  	[smem:$0x3FB6] =	sst s10  }
0x38: {  	s10 =	sld [smem:$0x3FB7]  }
0x39: {  	_ = 	snop;
	(pc) =	sbr.ind lr, $3  }
0x3a: {  	_ = 	snop  }
0x3b: {  	_ = 	snop  }
0x3c: {  	p2 =	seq.s32 s10, $0x1;
	s10 =	sld [smem:$0x3FB6]  }
0x3d: {  	_ =	shalt  }
0x3e: {  	_ =	shalt  }
0x3f: {  	_ =	shalt  }
0x40: {  	_ =	shalt  }
0x41: {  	_ =	shalt  }
0x42: {  	_ =	shalt  }
0x43: {  	_ =	shalt  }
0x44: {  	_ =	shalt  }
0x45: {  	_ =	shalt  }
0x46: {  	_ =	shalt  }
0x47: {  	_ =	shalt  }
0x48: {  	_ =	shalt  }
0x49: {  	_ =	shalt  }
0x4a: {  	_ =	shalt  }
0x4b: {  	_ =	shalt  }
0x4c: {  	_ =	shalt  }
0x4d: {  	_ =	shalt  }
0x4e: {  	_ =	shalt  }
0x4f: {  	_ =	shalt  }
0x50: {  	_ =	shalt  }
0x51: {  	_ =	shalt  }
0x52: {  	_ =	shalt  }
0x53: {  	_ =	shalt  }
0x54: {  	_ =	shalt  }
0x55: {  	_ =	shalt  }
0x56: {  	_ =	shalt  }
0x57: {  	_ =	shalt  }
0x58: {  	_ =	shalt  }
0x59: {  	_ =	shalt  }
0x5a: {  	_ =	shalt  }
0x5b: {  	_ =	shalt  }
0x5c: {  	_ =	shalt  }
0x5d: {  	_ =	shalt  }
0x5e: {  	_ =	shalt  }
0x5f: {  	_ =	shalt  }
0x60: {  	_ =	shalt  }
0x61: {  	_ =	shalt  }
0x62: {  	_ =	shalt  }
0x63: {  	_ =	shalt  }
0x64: {  	_ =	shalt  }
0x65: {  	_ =	shalt  }
0x66: {  	_ =	shalt  }
0x67: {  	_ =	shalt  }
0x68: {  	_ =	shalt  }
0x69: {  	_ =	shalt  }
0x6a: {  	_ =	shalt  }
0x6b: {  	_ =	shalt  }
0x6c: {  	_ =	shalt  }
0x6d: {  	_ =	shalt  }
0x6e: {  	_ =	shalt  }
0x6f: {  	_ =	shalt  }
0x70: {  	_ =	shalt  }
0x71: {  	_ =	shalt  }
0x72: {  	_ =	shalt  }
0x73: {  	_ =	shalt  }
0x74: {  	_ =	shalt  }
0x75: {  	_ =	shalt  }
0x76: {  	_ =	shalt  }
0x77: {  	_ =	shalt  }
0x78: {  	_ =	shalt  }
0x79: {  	_ =	shalt  }
0x7a: {  	_ =	shalt  }
0x7b: {  	_ =	shalt  }
0x7c: {  	_ =	shalt  }
0x7d: {  	_ =	shalt  }
0x7e: {  	_ =	shalt  }
0x7f: {  	_ =	shalt  }
0x80: {  	_ =	shalt  }
0x81: {  	_ =	shalt  }
0x82: {  	_ =	shalt  }
0x83: {  	_ =	shalt  }
0x84: {  	_ =	shalt  }
0x85: {  	_ =	shalt  }
0x86: {  	_ =	shalt  }
0x87: {  	_ =	shalt  }
.Lfunc_end0:
.L_simem_size_0:
called_computation.1_lowered:
.L_overlay_start_0:
0x88: {  	s2 =	sld [smem:$0x3FD9]  }
0x89: {  	s3 =	sld [smem:$0x3FFE];
	_ =	sdelay $0x1  }
0x8a: {  	s1 =	srdreg.scid  }
0x8b: {  	s0 =	sand.u32 $0x1, s1  }
0x8c: {  	s17 =	sshll.u32 s0, $0xA;
	s2 =	sadd.s32 s3, s2  }
0x8d: {  	s2 =	sadd.s32 s2, s17  }
0x8e: {  	[smem:$0x3FC2] =	sst s2  }
0x8f: {  	_ = 	snop  }
0x90: {  	s2 =	sld [smem:$0x3FD0];
	(tm) =	ssettm $0x1  }
0x91: {  	s18 =	sld [smem:$0x3FFB];
	_ =	sdelay $0x3  }
0x92: {  	_ =	strace s18  }
0x93: {  	s3 =	sld [smem:$0x3FFC];
	_ =	sdelay $0x3  }
0x94: {  	_ =	strace s3  }
0x95: {  	s3 =	sld [smem:$0x3FFD];
	_ =	sdelay $0x3  }
0x96: {  	_ =	strace s3  }
0x97: {  	_ =	strace $0x8FFFFFFF  }
0x98: {  	s19 =	sld [smem:$0x3FDB];
	_ =	sdelay $0x1  }
0x99: {  	s4 =	simm.s32 $_scs_section_size  }
0x9a: {  	s5 =	simm.s32 $_size__tile_overlayer_lowered;
	s6 =	simm.s32 $_tile_overlayer_lowered  }
0x9b: {  	s22 =	simm.s32 $0x1BFF;
	s21 =	sshll.u32 s6, $0x1;
	s3 =	sadd.s32 s4, s19  }
0x9c: {  	s7 =	simm.s32 $0x0;
	s20 =	sshll.u32 s5, $0x1;
	s5 =	sadd.s32 s21, s3  }
0x9d: {  	[timem:s7], [sflag:s22] =	dma.local [hbm:s5], s20  }
0x9e: {  	_ =	swait.ge [sflag:s22], s20  }
0x9f: {  	s4 =	ssub.s32 $0x0, s20;
	[sflag:s22] =	ssyncset.done $0x0  }
0xa0: {  	[sflag:s22] =	ssyncadd.s32 s4;
	_ =	sdelay $0x1  }
0xa1: {  	s23 =	simm.s32 $0x1B8B  }
0xa2: {  	_ =	swait.ge [sflag:s23], $0x1  }
0xa3: {  	[sflag:s23] =	ssyncset.done $0x0  }
0xa4: {  	s25 =	simm.s32 $0x1B8E;
	s24 =	sld [smem:$0x3FFE];
	[sflag:s23] =	ssyncadd.s32 $0xFFFFFFFF  }
0xa5: {  	s26 =	simm.s32 $execute0_lowered;
	[smem:$0x3FD2] =	sst s25  }
0xa6: {  	s5 =	sshll.u32 s26, $0x1;
	_ =	strace $0x80000049;
	[dreg:$0x1] =	wrdreg $0xFFFFFFFF  }
0xa7: {  	s28 =	simm.s32 $_size_execute0_lowered;
	s3 =	sadd.s32 s3, s5;
	[dreg:$0x0] =	wrdreg $0x0  }
0xa8: {  	s5 =	sshll.u32 s28, $0x1;
	[dreg:$0x2] =	wrdreg s3  }
0xa9: {  	[dreg:$0x3] =	wrdreg s5  }
0xaa: {  	[dreg:$0x4] =	wrdreg $0xC0  }
0xab: {  	_ =	task [dreg:s7], $0x5FFFF  }
0xac: {  	[dreg:$0x1] =	wrdreg $0xFFFFFFFF  }
0xad: {  	[dreg:$0x0] =	wrdreg $0x60  }
0xae: {  	[dreg:$0x2] =	wrdreg s24  }
0xaf: {  	[dreg:$0x3] =	wrdreg s2  }
0xb0: {  	[dreg:$0x4] =	wrdreg $0x120000  }
0xb1: {  	[dreg:$0x5] =	wrdreg $0x9  }
0xb2: {  	_ =	task.clear_ibuf [dreg:s7], $0x6FFFF;
	_ =	strace $0x90000049  }
0xb3: {  	s29 =	simm.s32 $0x9;
	_ =	strace $0x8000004B  }
0xb4: {  	_ =	swait.ge [sflag:s29], $0x1  }
0xb5: {  	[sflag:s29] =	ssyncadd.s32 $0xFFFFFFFF  }
0xb6: {  	_ =	strace $0x9000004B  }
0xb7: {  	_ =	sfence  }
0xb8: {  	s30 =	sld [smem:$0x0];
	_ =	sdelay $0x2  }
0xb9: {  	s31 =	sshll.u32 s1, $0xD;
	s1 =	sshrl.u32 s1, $0x2  }
0xba: {  	s3 =	sand.u32 $0x4000, s31;
	s1 =	sadd.s32 s1, s30  }
0xbb: {  	s0 =	sor.u32 s3, s0;
	s1 =	sshll.u32 s1, $0x11  }
0xbc: {  	s0 =	sor.u32 s1, s0  }
0xbd: {  	s0 =	sadd.s32 $0x8F2B, s0  }
0xbe: {  	[sflag:s0] =	ssyncadd.remote.s32 $0x1  }
0xbf: {  	_ =	sfence.sel $0xFFFF  }
0xc0: {  	[dreg:$0x0] =	wrdreg $0xFFFFFFFF;
	(pc) =	sbr.abs _section_cstart, $3  }
0xc1: {  	[dreg:$0x1] =	wrdreg $0xFFFFFFFF  }
0xc2: {  	_ =	task.clear_ibuf [dreg:s7], $0x2FFFF;
	_ =	strace $0x9FFFFFFF  }
0xc3: {  	(tm) =	ssettm $0x7FFFFFFF  }
tec
execute0_lowered:
.L_overlay_start_1:
0x0: {  	(tag) =	ssettag $0x1  }
0x1: {  	s0 =	rddreg [dreg:$0x0]  }
0x2: {  	s1 =	srdreg.scid;
	s2 =	rddreg [dreg:$0x2];
	s4 =	simm.s32 $0x0  }
0x3: {  	s8 =	stileid.u32;
	s15 =	simm.s32 $0x7;
	s17 =	simm.s32 $0xA000  }
0x4: {  	s18 =	simm.s32 $0x80;
	s19 =	simm.s32 $0xC000;
	s20 =	simm.s32 $0x100  }
0x5: {  	s21 =	simm.s32 $0xE000;
	s22 =	simm.s32 $0x180;
	s10 =	smul.u32 $0xA000, s8  }
0x6: {  	s23 =	simm.s32 $0x10000;
	s24 =	simm.s32 $0x1;
	s6 =	smul.u32 $0xA00, s8  }
0x7: {  	s28 =	simm.s32 $0x3;
	s1 =	sand.u32 $0x1, s1;
	s8 =	smul.u32 $0x28000, s8  }
0x8: {  	s29 =	simm.s32 $0x4;
	s30 =	simm.s32 $0x5;
	s3 =	smul.u32 $0x13880, s1  }
0x9: {  	[smem:$0x7FF] =	sst s4;
	s5 =	smul.u32 $0xA0000, s1;
	s1 =	ssub.s32 $0x2, s1  }
0xa: {  	s31 =	simm.s32 $0x6;
	_ =	strace $0x8000004A;
	s7 =	sshrl.u32 s1, $0x1  }
0xb: {  	s6 =	sadd.s32 s6, s0;
	s25 =	sshrl.u32 s8, $0x2;
	s26 =	sadd.s32 s10, s2  }
0xc: {  	s3 =	sadd.s32 s3, s0;
	s5 =	sadd.s32 s10, s5;
	s1 =	ssub.s32 s1, s7  }
0xd: {  	s7 =	sadd.s32 s25, s2;
	s25 =	sshrl.u32 s26, $0x3;
	s26 =	simm.s32 $0x2  }
0xe: {  	s5 =	sshrl.u32 s5, $0x3;
	s8 =	sadd.s32 $0x15C00, s3;
	s10 =	smax.u32 s1, $0x1  }
0xf: {  	s11 =	sadd.s32 $0x2000, s7;
	s12 =	sadd.s32 $0x4000, s7;
	s13 =	sadd.s32 $0x6000, s7  }
0x10: {  	s14 =	sadd.s32 $0x8000, s7;
	s0 =	sadd.s32 s5, s0;
	s5 =	sadd.s32 $0xBC00, s6  }
0x11: {  	s6 =	sadd.s32 $0x1C00, s6;
	s9 =	sadd.s32 $0x3CE00, s0;
	s0 =	simm.s32 $0x0  }
.LBB2_1:
0x12: {  	[tilespmem:s4], [sflag:$0x7] =	stream.linear.gather [hbm4b:s5+s4], $0x5000, $0x38;
	[tilespmem:$0x1C000] =	vst v63  }
0x13: {  	_ =	swait.ge [sflag:s15], $0x5000  }
0x14: {  	[sflag:s15] =	ssyncset.done $0x0  }
0x15: {  	s1 =	simm.s32 $0x5000;
	[sflag:s15] =	ssyncadd.s32 $0xFFFFB000  }
0x16: {  	[tilespmem:s1], [sflag:$0x7] =	stream.linear.gather [hbm4b:s6+s4], $0x5000, $0x38;
	[tilespmem:$0x1C000] =	vst v63  }
0x17: {  	_ =	swait.ge [sflag:s15], $0x5000  }
0x18: {  	[sflag:s15] =	ssyncset.done $0x0  }
0x19: {  	[sflag:s15] =	ssyncadd.s32 $0xFFFFB000  }
0x1a: {  	s3 =	rddreg [dreg:$0x1]  }
0x1b: {  	[tilespmem:s17], [sflag:$0x7] =	stream.linear.gather [hbm4b:s3+s4], $0x2000, $0x38;
	[tilespmem:$0x1C000] =	vst v63  }
0x1c: {  	_ =	swait.ge [sflag:s15], $0x2000  }
0x1d: {  	[sflag:s15] =	ssyncset.done $0x0  }
0x1e: {  	[sflag:s15] =	ssyncadd.s32 $0xFFFFE000  }
0x1f: {  	[spmem:s7] =	stream.linear.scatter [tilespmem:s17], [sflag:$0x7], $0x2000, $0x38;
	[tilespmem:$0x1C000] =	vst v63  }
0x20: {  	_ =	swait.ge [sflag:s15], $0x2000  }
0x21: {  	[sflag:s15] =	ssyncset.done $0x0  }
0x22: {  	[sflag:s15] =	ssyncadd.s32 $0xFFFFE000  }
0x23: {  	[spmem:s11] =	stream.linear.scatter [tilespmem:s17], [sflag:$0x7], $0x2000, $0x38;
	[tilespmem:$0x1C000] =	vst v63  }
0x24: {  	_ =	swait.ge [sflag:s15], $0x2000  }
0x25: {  	[sflag:s15] =	ssyncset.done $0x0  }
0x26: {  	[sflag:s15] =	ssyncadd.s32 $0xFFFFE000  }
0x27: {  	[spmem:s12] =	stream.linear.scatter [tilespmem:s17], [sflag:$0x7], $0x2000, $0x38;
	[tilespmem:$0x1C000] =	vst v63  }
0x28: {  	_ =	swait.ge [sflag:s15], $0x2000  }
0x29: {  	[sflag:s15] =	ssyncset.done $0x0  }
0x2a: {  	[sflag:s15] =	ssyncadd.s32 $0xFFFFE000  }
0x2b: {  	[spmem:s13] =	stream.linear.scatter [tilespmem:s17], [sflag:$0x7], $0x2000, $0x38;
	[tilespmem:$0x1C000] =	vst v63  }
0x2c: {  	_ =	swait.ge [sflag:s15], $0x2000  }
0x2d: {  	[sflag:s15] =	ssyncset.done $0x0  }
0x2e: {  	[sflag:s15] =	ssyncadd.s32 $0xFFFFE000  }
0x2f: {  	[spmem:s14] =	stream.linear.scatter [tilespmem:s17], [sflag:$0x7], $0x2000, $0x38;
	[tilespmem:$0x1C000] =	vst v63  }
0x30: {  	_ =	swait.ge [sflag:s15], $0x2000  }
0x31: {  	[sflag:s15] =	ssyncset.done $0x0  }
0x32: {  	[sflag:s15] =	ssyncadd.s32 $0xFFFFE000  }
0x33: {  	[bflag:$0x0] =	sbarrier.arrive $0xFFFF  }
0x34: {  	[tilespmem:s17], [sflag:$0x1] =	stream.indirect.gather [hbm4b:s8+s18], $0x40, s4, s18, $0xb8;
	[tilespmem:$0x1C000] =	vst v63  }
0x35: {  	_ = 	snop  }
0x36: {  	[tilespmem:s19], [sflag:$0x2] =	stream.indirect.gather [hbm4b:s8+s18], $0x40, s18, s18, $0xb8;
	[tilespmem:$0x1C000] =	vst v63  }
0x37: {  	_ = 	snop  }
0x38: {  	[tilespmem:s21], [sflag:$0x3] =	stream.indirect.gather [hbm4b:s8+s18], $0x40, s20, s18, $0xb8;
	[tilespmem:$0x1C000] =	vst v63  }
0x39: {  	_ = 	snop  }
0x3a: {  	[tilespmem:s23], [sflag:$0x4] =	stream.indirect.gather [hbm4b:s8+s18], $0x40, s22, s18, $0xb8;
	[tilespmem:$0x1C000] =	vst v63  }
0x3b: {  	_ =	swait.ge [sflag:s24], $0x2000  }
0x3c: {  	[sflag:s24] =	ssyncset.done $0x0  }
0x3d: {  	s16 =	simm.s32 $0x5000;
	[sflag:s24] =	ssyncadd.s32 $0xFFFFE000  }
0x3e: {  	[spmem:s2] =	stream.indirect.scatter.add.f32 [tilespmem:s17], [sflag:$0x5], $0x40, s16, s18, $0xb8;
	[tilespmem:$0x1C000] =	vst v63  }
0x3f: {  	_ =	swait.ge [sflag:s26], $0x2000  }
0x40: {  	[sflag:s26] =	ssyncset.done $0x0  }
0x41: {  	s3 =	simm.s32 $0x5080;
	[sflag:s26] =	ssyncadd.s32 $0xFFFFE000  }
0x42: {  	[spmem:s2] =	stream.indirect.scatter.add.f32 [tilespmem:s19], [sflag:$0x5], $0x40, s3, s18, $0xb8;
	[tilespmem:$0x1C000] =	vst v63  }
0x43: {  	_ =	swait.ge [sflag:s28], $0x2000  }
0x44: {  	[sflag:s28] =	ssyncset.done $0x0  }
0x45: {  	s16 =	simm.s32 $0x5100;
	[sflag:s28] =	ssyncadd.s32 $0xFFFFE000  }
0x46: {  	[spmem:s2] =	stream.indirect.scatter.add.f32 [tilespmem:s21], [sflag:$0x6], $0x40, s16, s18, $0xb8;
	[tilespmem:$0x1C000] =	vst v63  }
0x47: {  	_ =	swait.ge [sflag:s29], $0x2000  }
0x48: {  	[sflag:s29] =	ssyncset.done $0x0  }
0x49: {  	s3 =	simm.s32 $0x5180;
	[sflag:s29] =	ssyncadd.s32 $0xFFFFE000  }
0x4a: {  	[spmem:s2] =	stream.indirect.scatter.add.f32 [tilespmem:s23], [sflag:$0x6], $0x40, s3, s18, $0xb8;
	[tilespmem:$0x1C000] =	vst v63  }
0x4b: {  	_ =	swait.ge [sflag:s30], $0x2000  }
0x4c: {  	[sflag:s30] =	ssyncset.done $0x0  }
0x4d: {  	[sflag:s30] =	ssyncadd.s32 $0xFFFFE000  }
0x4e: {  	_ =	swait.ge [sflag:s30], $0x2000  }
0x4f: {  	[sflag:s30] =	ssyncset.done $0x0  }
0x50: {  	s16 =	simm.s32 $0x200;
	[sflag:s30] =	ssyncadd.s32 $0xFFFFE000  }
0x51: {  	[tilespmem:s17], [sflag:$0x1] =	stream.indirect.gather [hbm4b:s8+s18], $0x40, s16, s18, $0xb8;
	[tilespmem:$0x1C000] =	vst v63  }
0x52: {  	s3 =	simm.s32 $0x280  }
0x53: {  	[tilespmem:s19], [sflag:$0x2] =	stream.indirect.gather [hbm4b:s8+s18], $0x40, s3, s18, $0xb8;
	[tilespmem:$0x1C000] =	vst v63  }
0x54: {  	_ =	swait.ge [sflag:s31], $0x2000  }
0x55: {  	[sflag:s31] =	ssyncset.done $0x0  }
0x56: {  	[sflag:s31] =	ssyncadd.s32 $0xFFFFE000  }
0x57: {  	_ =	swait.ge [sflag:s31], $0x2000  }
0x58: {  	s1 =	simm.s32 $0x800;
	[sflag:s31] =	ssyncset.done $0x0  }
0x59: {  	s16 =	simm.s32 $0x300;
	s3 =	simm.s32 $0x380;
	[sflag:s31] =	ssyncadd.s32 $0xFFFFE000  }
0x5a: {  	[tilespmem:s21], [sflag:$0x3] =	stream.indirect.gather [hbm4b:s8+s18], $0x40, s16, s18, $0xb8;
	[tilespmem:$0x1C000] =	vst v63  }
.LBB2_2:
0x5b: {  	[tilespmem:s23], [sflag:$0x4] =	stream.indirect.gather [hbm4b:s8+s18], $0x40, s3, s18, $0xb8;
	[tilespmem:$0x1C000] =	vst v63  }
0x5c: {  	s3 =	smov.u32 s1  }
0x5d: {  	p0 =	sne.s32 s1, $0x13000;
	s1 =	sadd.s32 $0x800, s1;
	_ =	swait.ge [sflag:s24], $0x2000  }
0x5e: {  	s3 =	sshra.s32 s3, $0x2;
	[sflag:s24] =	ssyncset.done $0x0  }
0x5f: {  	s16 =	sadd.s32 $0x5000, s3;
	[sflag:s24] =	ssyncadd.s32 $0xFFFFE000  }
0x60: {  	[spmem:s2] =	stream.indirect.scatter.add.f32 [tilespmem:s17], [sflag:$0x5], $0x40, s16, s18, $0xb8;
	[tilespmem:$0x1C000] =	vst v63  }
0x61: {  	_ =	swait.ge [sflag:s26], $0x2000  }
0x62: {  	[sflag:s26] =	ssyncset.done $0x0  }
0x63: {  	s16 =	sadd.s32 $0x5080, s3;
	[sflag:s26] =	ssyncadd.s32 $0xFFFFE000  }
0x64: {  	[spmem:s2] =	stream.indirect.scatter.add.f32 [tilespmem:s19], [sflag:$0x5], $0x40, s16, s18, $0xb8;
	[tilespmem:$0x1C000] =	vst v63  }
0x65: {  	_ =	swait.ge [sflag:s28], $0x2000  }
0x66: {  	[sflag:s28] =	ssyncset.done $0x0  }
0x67: {  	s16 =	sadd.s32 $0x5100, s3;
	[sflag:s28] =	ssyncadd.s32 $0xFFFFE000  }
0x68: {  	[spmem:s2] =	stream.indirect.scatter.add.f32 [tilespmem:s21], [sflag:$0x6], $0x40, s16, s18, $0xb8;
	[tilespmem:$0x1C000] =	vst v63  }
0x69: {  	_ =	swait.ge [sflag:s29], $0x2000  }
0x6a: {  	[sflag:s29] =	ssyncset.done $0x0  }
0x6b: {  	s16 =	sadd.s32 $0x5180, s3;
	[sflag:s29] =	ssyncadd.s32 $0xFFFFE000  }
0x6c: {  	[spmem:s2] =	stream.indirect.scatter.add.f32 [tilespmem:s23], [sflag:$0x6], $0x40, s16, s18, $0xb8;
	[tilespmem:$0x1C000] =	vst v63  }
0x6d: {  	_ =	swait.ge [sflag:s30], $0x2000  }
0x6e: {  	[sflag:s30] =	ssyncset.done $0x0  }
0x6f: {  	[sflag:s30] =	ssyncadd.s32 $0xFFFFE000  }
0x70: {  	_ =	swait.ge [sflag:s30], $0x2000  }
0x71: {  	[sflag:s30] =	ssyncset.done $0x0  }
0x72: {  	s16 =	sadd.s32 $0x200, s3;
	[sflag:s30] =	ssyncadd.s32 $0xFFFFE000  }
0x73: {  	[tilespmem:s17], [sflag:$0x1] =	stream.indirect.gather [hbm4b:s8+s18], $0x40, s16, s18, $0xb8;
	[tilespmem:$0x1C000] =	vst v63  }
0x74: {  	s16 =	sadd.s32 $0x280, s3  }
0x75: {  	[tilespmem:s19], [sflag:$0x2] =	stream.indirect.gather [hbm4b:s8+s18], $0x40, s16, s18, $0xb8;
	[tilespmem:$0x1C000] =	vst v63  }
0x76: {  	_ =	swait.ge [sflag:s31], $0x2000  }
0x77: {  	[sflag:s31] =	ssyncset.done $0x0  }
0x78: {  	[sflag:s31] =	ssyncadd.s32 $0xFFFFE000  }
.Ltmp0:
0x79: {  	_ =	swait.ge [sflag:s31], $0x2000;
	(pc) =	sbr.rel @p0 .LBB2_2-.Ltmp0, $4  }
0x7a: {  	[sflag:s31] =	ssyncset.done $0x0  }
0x7b: {  	s16 =	sadd.s32 $0x300, s3;
	[sflag:s31] =	ssyncadd.s32 $0xFFFFE000  }
0x7c: {  	[tilespmem:s21], [sflag:$0x3] =	stream.indirect.gather [hbm4b:s8+s18], $0x40, s16, s18, $0xb8;
	[tilespmem:$0x1C000] =	vst v63  }
0x7d: {  	s3 =	sadd.s32 $0x380, s3  }
0x7e: {  	[tilespmem:s23], [sflag:$0x4] =	stream.indirect.gather [hbm4b:s8+s18], $0x40, s3, s18, $0xb8;
	[tilespmem:$0x1C000] =	vst v63  }
0x7f: {  	_ =	swait.ge [sflag:s24], $0x2000  }
0x80: {  	[sflag:s24] =	ssyncset.done $0x0  }
0x81: {  	s1 =	simm.s32 $0x9E00;
	[sflag:s24] =	ssyncadd.s32 $0xFFFFE000  }
0x82: {  	[spmem:s2] =	stream.indirect.scatter.add.f32 [tilespmem:s17], [sflag:$0x5], $0x40, s1, s18, $0xb8;
	[tilespmem:$0x1C000] =	vst v63  }
0x83: {  	_ =	swait.ge [sflag:s26], $0x2000  }
0x84: {  	[sflag:s26] =	ssyncset.done $0x0  }
0x85: {  	s3 =	simm.s32 $0x9E80;
	[sflag:s26] =	ssyncadd.s32 $0xFFFFE000  }
0x86: {  	[spmem:s2] =	stream.indirect.scatter.add.f32 [tilespmem:s19], [sflag:$0x5], $0x40, s3, s18, $0xb8;
	[tilespmem:$0x1C000] =	vst v63  }
0x87: {  	_ =	swait.ge [sflag:s28], $0x2000  }
0x88: {  	[sflag:s28] =	ssyncset.done $0x0  }
0x89: {  	s16 =	simm.s32 $0x9F00;
	[sflag:s28] =	ssyncadd.s32 $0xFFFFE000  }
0x8a: {  	[spmem:s2] =	stream.indirect.scatter.add.f32 [tilespmem:s21], [sflag:$0x6], $0x40, s16, s18, $0xb8;
	[tilespmem:$0x1C000] =	vst v63  }
0x8b: {  	_ =	swait.ge [sflag:s29], $0x2000  }
0x8c: {  	[sflag:s29] =	ssyncset.done $0x0  }
0x8d: {  	s3 =	simm.s32 $0x9F80;
	[sflag:s29] =	ssyncadd.s32 $0xFFFFE000  }
0x8e: {  	[spmem:s2] =	stream.indirect.scatter.add.f32 [tilespmem:s23], [sflag:$0x6], $0x40, s3, s18, $0xb8;
	[tilespmem:$0x1C000] =	vst v63  }
0x8f: {  	_ =	swait.ge [sflag:s30], $0x2000  }
0x90: {  	[sflag:s30] =	ssyncset.done $0x0  }
0x91: {  	[sflag:s30] =	ssyncadd.s32 $0xFFFFE000  }
0x92: {  	_ =	swait.ge [sflag:s30], $0x2000  }
0x93: {  	[sflag:s30] =	ssyncset.done $0x0  }
0x94: {  	[sflag:s30] =	ssyncadd.s32 $0xFFFFE000  }
0x95: {  	[tilespmem:s17], [sflag:$0x1] =	stream.indirect.gather [hbm4b:s8+s18], $0x40, s4, s18, $0xb8;
	[tilespmem:$0x1C000] =	vst v63  }
0x96: {  	_ = 	snop  }
0x97: {  	[tilespmem:s19], [sflag:$0x2] =	stream.indirect.gather [hbm4b:s8+s18], $0x40, s18, s18, $0xb8;
	[tilespmem:$0x1C000] =	vst v63  }
0x98: {  	_ =	swait.ge [sflag:s31], $0x2000  }
0x99: {  	[sflag:s31] =	ssyncset.done $0x0  }
0x9a: {  	[sflag:s31] =	ssyncadd.s32 $0xFFFFE000  }
0x9b: {  	_ =	swait.ge [sflag:s31], $0x2000  }
0x9c: {  	[sflag:s31] =	ssyncset.done $0x0  }
0x9d: {  	[sflag:s31] =	ssyncadd.s32 $0xFFFFE000  }
0x9e: {  	[tilespmem:s21], [sflag:$0x3] =	stream.indirect.gather [hbm4b:s8+s18], $0x40, s20, s18, $0xb8;
	[tilespmem:$0x1C000] =	vst v63  }
0x9f: {  	_ = 	snop  }
0xa0: {  	[tilespmem:s23], [sflag:$0x4] =	stream.indirect.gather [hbm4b:s8+s18], $0x40, s22, s18, $0xb8;
	[tilespmem:$0x1C000] =	vst v63  }
0xa1: {  	_ =	swait.ge [sflag:s24], $0x2000  }
0xa2: {  	[sflag:s24] =	ssyncset.done $0x0  }
0xa3: {  	[sflag:s24] =	ssyncadd.s32 $0xFFFFE000  }
0xa4: {  	_ =	swait.ge [sflag:s26], $0x2000  }
0xa5: {  	[sflag:s26] =	ssyncset.done $0x0  }
0xa6: {  	[sflag:s26] =	ssyncadd.s32 $0xFFFFE000  }
0xa7: {  	_ =	swait.ge [sflag:s28], $0x2000  }
0xa8: {  	[sflag:s28] =	ssyncset.done $0x0  }
0xa9: {  	[sflag:s28] =	ssyncadd.s32 $0xFFFFE000  }
0xaa: {  	_ =	swait.ge [sflag:s29], $0x2000  }
0xab: {  	s0 =	sadd.s32 $0x1, s0;
	s16 =	stileid.u32;
	[sflag:s29] =	ssyncset.done $0x0  }
0xac: {  	p0 =	sne.s32 s0, s10;
	s1 =	sshll.u32 s16, $0x6;
	[sflag:s29] =	ssyncadd.s32 $0xFFFFE000  }
.Ltmp1:
0xad: {  	s1 =	sor.u32 $0x1C07, s1;
	[bflag:$0x0] =	sbarrier.arrive $0xFFFF;
	(pc) =	sbr.rel @p0 .LBB2_1-.Ltmp1, $4  }
0xae: {  	[hbm:s9], [sflag:s1] =	dma.local [spmem:s25], $0x1400  }
0xaf: {  	_ =	swait.ge [sflag:s15], $0x1400  }
0xb0: {  	[sflag:s15] =	ssyncset.done $0x0  }
0xb1: {  	[sflag:s15] =	ssyncadd.s32 $0xFFFFEC00  }
0xb2: {  	_ =	sfence.sel $0x180000  }
0xb3: {  	[bflag:$0x0] =	sbarrier.arrive $0xFFFF  }
0xb4: {  	_ =	strace $0x9000004A  }
0xb5: {  	s0 =	stileid.u32;
	[bflag:$0x2] =	sbarrier.arrive $0xFFFF  }
0xb6: {  	p0 =	sne.s32 s0, $0x0;
	s0 =	rddreg [dreg:$0x3]  }
0xb7: {  	s0 =	sadd.s32 @!p0 $0x100000, s0  }
0xb8: {  	[sflag:s0] =	ssyncadd.tile.s32 @!p0 $0x1;
	_ =	shalt  }
.Lfunc_end2:
_tile_overlayer_lowered:
.L_overlay_start_2:
0xb9: {  	(tag) =	ssettag $0x2  }
0xba: {  	s0 =	rddreg [dreg:$0x0];
	s2 =	stileid.u32  }
0xbb: {  	s1 =	rddreg [dreg:$0x1];
	p0 =	sne.s32 s2, $0x0  }
0xbc: {  	s3 =	rddreg [dreg:$0x2];
	[bflag:$0x3] =	sbarrier.arrive $0xFFFF;
	s2 =	simm.s32 @!p0 $0x1C07  }
0xbd: {  	[timem:s3], [sflag:s2] =	dma.local @!p0 [hbm:s0], s1  }
0xbe: {  	s0 =	simm.s32 @!p0 $0x7  }
0xbf: {  	_ =	swait.ge @!p0 [sflag:s0], s1  }
0xc0: {  	s1 =	ssub.s32 @!p0 $0x0, s1;
	[sflag:s0] =	ssyncset.done @!p0 $0x0  }
0xc1: {  	[sflag:s0] =	ssyncadd.s32 @!p0 s1  }
0xc2: {  	[bflag:$0x3] =	sbarrier.arrive $0xFFFF  }
0xc3: {  	_ =	shalt  }

// kernel: kernel.14.cloned.1.call-start
scs
__scs_entry_jumppad:
0x0: {  	(pc) =	sbr.rel $0x88, $3  }
0x1: {  	(tag) =	ssettag $0x0;
	lr =	simm.s32 $0x1  }
0x2: {  	[smem:$0x3F9B] =	sst lr;
	_ =	strace $0xD0000000  }
0x3: {  	_ = 	snop  }
0x4: {  	_ = 	snop  }
0x5: {  	_ = 	snop  }
0x6: {  	_ = 	snop  }
0x7: {  	_ = 	snop  }
__scs_overlays_trampoline_lowered:
0x8: {  	[smem:$0x3FAA] =	sst s0  }
0x9: {  	[smem:$0x3FAB] =	sst s1  }
0xa: {  	[smem:$0x3FAC] =	sst s2  }
0xb: {  	[smem:$0x3FAD] =	sst s3  }
0xc: {  	[smem:$0x3FAE] =	sst s4  }
0xd: {  	[smem:$0x3FAF] =	sst s5  }
0xe: {  	[smem:$0x3FB0] =	sst s6  }
0xf: {  	[smem:$0x3FB1] =	sst s7  }
0x10: {  	[smem:$0x3FB2] =	sst s8  }
0x11: {  	[smem:$0x3FB3] =	sst s9;
	s0 =	simm.s32 @!p0 $0x0  }
0x12: {  	s1 =	sld [smem:$0x3F99];
	s0 =	simm.s32 @p0 $0x1  }
0x13: {  	[smem:$0x3FB4] =	sst s0;
	s0 =	simm.s32 @!p1 $0x0  }
0x14: {  	s2 =	sld [smem:$0x3F98];
	s0 =	simm.s32 @p1 $0x1  }
0x15: {  	[smem:$0x3FB5] =	sst s0;
	s0 =	simm.s32 @!p2 $0x0  }
0x16: {  	s3 =	sld [smem:$0x3FDB];
	s0 =	simm.s32 @p2 $0x1  }
0x17: {  	s4 =	simm.s32 $0x1BF5;
	[smem:$0x3FB7] =	sst s0  }
0x18: {  	s0 =	sld [smem:$0x3F9A];
	_ =	swait.ge [sflag:s4], $0x0  }
0x19: {  	s7 =	sld [smem:$0x3F9B]  }
0x1a: {  	s8 =	sadd.s32 $0xFFFFE003, lr  }
0x1b: {  	s9 =	sadd.s32 $0xFFFFFEF7, lr;
	s5 =	simm.s32 $0xFFFFFFFF;
	p2 =	slt.u32 s8, $0xFFFFF086  }
0x1c: {  	p1 =	slt.u32 s9, $0xF7A;
	s5 =	simm.s32 @!p2 $0x0  }
0x1d: {  	s5 =	simm.s32 @p1 $0x1;
	p0 =	seq.s32 s7, s2  }
0x1e: {  	s7 =	smul.u32 @!p0 $0xF7A, s2;
	p2 =	seq.s32 @!p0 s5, $0x0  }
0x1f: {  	s9 =	smul.u32 $0xF7A, s1;
	s8 =	simm.s32 @!p0 $0x1BF5;
	p2 =	por !p2, p0  }
0x20: {  	[sflag:s8] =	ssyncset.s32 @!p0 $0xFFFFF086;
	s6 =	sadd.s32 @!p0 s3, s7;
	s7 =	simm.s32 @!p0 $0x108  }
0x21: {  	s3 =	sadd.s32 s3, s9;
	s6 =	sadd.s32 @!p0 $0x88, s6;
	s7 =	simm.s32 @p2 $0x1082  }
0x22: {  	[simem:s7], [sflag:s8] =	dma.local @!p0 [hbm:s6], $0xF7A  }
0x23: {  	s9 =	sor.u32 $0xD0000000, s2;
	s6 =	simm.s32 $0x108;
	_ =	swait.ge @!p0 [sflag:s8], $0x0  }
0x24: {  	s3 =	sadd.s32 $0x88, s3;
	s6 =	simm.s32 @!p1 $0x1082;
	[sflag:s4] =	ssyncset.s32 $0xFFFFF086  }
0x25: {  	[simem:s6], [sflag:s4] =	dma.local [hbm:s3], $0xF7A  }
0x26: {  	[smem:$0x3F9B] =	sst s1;
	(tag) =	ssettag s2;
	_ =	strace s9  }
0x27: {  	s1 =	sld [smem:$0x3FAB]  }
0x28: {  	s2 =	sld [smem:$0x3FAC]  }
0x29: {  	s4 =	sld [smem:$0x3FAE]  }
0x2a: {  	p0 =	seq.s32 s5, $0x0;
	s5 =	sld [smem:$0x3FAF]  }
0x2b: {  	s6 =	sld [smem:$0x3FB0]  }
0x2c: {  	s7 =	sld [smem:$0x3FB1]  }
0x2d: {  	s3 =	simm.s32 $0x108;
	s8 =	sld [smem:$0x3FB2]  }
0x2e: {  	s3 =	simm.s32 @!p0 $0x1082;
	s9 =	sld [smem:$0x3FB3]  }
0x2f: {  	lr =	sadd.s32 s0, s3;
	s0 =	sld [smem:$0x3FAA]  }
0x30: {  	s3 =	sld [smem:$0x3FAD]  }
0x31: {  	[smem:$0x3FB6] =	sst s10  }
0x32: {  	s10 =	sld [smem:$0x3FB4];
	_ =	sdelay $0x3  }
0x33: {  	p0 =	seq.s32 s10, $0x1;
	s10 =	sld [smem:$0x3FB6];
	_ =	sdelay $0x3  }
0x34: {  	[smem:$0x3FB6] =	sst s10  }
0x35: {  	s10 =	sld [smem:$0x3FB5];
	_ =	sdelay $0x3  }
0x36: {  	p1 =	seq.s32 s10, $0x1;
	s10 =	sld [smem:$0x3FB6];
	_ =	sdelay $0x3  }
0x37: {  	[smem:$0x3FB6] =	sst s10  }
0x38: {  	s10 =	sld [smem:$0x3FB7]  }
0x39: {  	_ = 	snop;
	(pc) =	sbr.ind lr, $3  }
0x3a: {  	_ = 	snop  }
0x3b: {  	_ = 	snop  }
0x3c: {  	p2 =	seq.s32 s10, $0x1;
	s10 =	sld [smem:$0x3FB6]  }
0x3d: {  	_ =	shalt  }
0x3e: {  	_ =	shalt  }
0x3f: {  	_ =	shalt  }
0x40: {  	_ =	shalt  }
0x41: {  	_ =	shalt  }
0x42: {  	_ =	shalt  }
0x43: {  	_ =	shalt  }
0x44: {  	_ =	shalt  }
0x45: {  	_ =	shalt  }
0x46: {  	_ =	shalt  }
0x47: {  	_ =	shalt  }
0x48: {  	_ =	shalt  }
0x49: {  	_ =	shalt  }
0x4a: {  	_ =	shalt  }
0x4b: {  	_ =	shalt  }
0x4c: {  	_ =	shalt  }
0x4d: {  	_ =	shalt  }
0x4e: {  	_ =	shalt  }
0x4f: {  	_ =	shalt  }
0x50: {  	_ =	shalt  }
0x51: {  	_ =	shalt  }
0x52: {  	_ =	shalt  }
0x53: {  	_ =	shalt  }
0x54: {  	_ =	shalt  }
0x55: {  	_ =	shalt  }
0x56: {  	_ =	shalt  }
0x57: {  	_ =	shalt  }
0x58: {  	_ =	shalt  }
0x59: {  	_ =	shalt  }
0x5a: {  	_ =	shalt  }
0x5b: {  	_ =	shalt  }
0x5c: {  	_ =	shalt  }
0x5d: {  	_ =	shalt  }
0x5e: {  	_ =	shalt  }
0x5f: {  	_ =	shalt  }
0x60: {  	_ =	shalt  }
0x61: {  	_ =	shalt  }
0x62: {  	_ =	shalt  }
0x63: {  	_ =	shalt  }
0x64: {  	_ =	shalt  }
0x65: {  	_ =	shalt  }
0x66: {  	_ =	shalt  }
0x67: {  	_ =	shalt  }
0x68: {  	_ =	shalt  }
0x69: {  	_ =	shalt  }
0x6a: {  	_ =	shalt  }
0x6b: {  	_ =	shalt  }
0x6c: {  	_ =	shalt  }
0x6d: {  	_ =	shalt  }
0x6e: {  	_ =	shalt  }
0x6f: {  	_ =	shalt  }
0x70: {  	_ =	shalt  }
0x71: {  	_ =	shalt  }
0x72: {  	_ =	shalt  }
0x73: {  	_ =	shalt  }
0x74: {  	_ =	shalt  }
0x75: {  	_ =	shalt  }
0x76: {  	_ =	shalt  }
0x77: {  	_ =	shalt  }
0x78: {  	_ =	shalt  }
0x79: {  	_ =	shalt  }
0x7a: {  	_ =	shalt  }
0x7b: {  	_ =	shalt  }
0x7c: {  	_ =	shalt  }
0x7d: {  	_ =	shalt  }
0x7e: {  	_ =	shalt  }
0x7f: {  	_ =	shalt  }
0x80: {  	_ =	shalt  }
0x81: {  	_ =	shalt  }
0x82: {  	_ =	shalt  }
0x83: {  	_ =	shalt  }
0x84: {  	_ =	shalt  }
0x85: {  	_ =	shalt  }
0x86: {  	_ =	shalt  }
0x87: {  	_ =	shalt  }
.Lfunc_end0:
.L_simem_size_0:
called_computation.2_lowered:
.L_overlay_start_0:
0x88: {  	s2 =	sld [smem:$0x3FD9]  }
0x89: {  	s3 =	sld [smem:$0x3FFE];
	_ =	sdelay $0x1  }
0x8a: {  	s1 =	srdreg.scid  }
0x8b: {  	s0 =	sand.u32 $0x1, s1  }
0x8c: {  	s17 =	sshll.u32 s0, $0xA;
	s2 =	sadd.s32 s3, s2  }
0x8d: {  	s2 =	sadd.s32 s2, s17  }
0x8e: {  	[smem:$0x3FC2] =	sst s2  }
0x8f: {  	_ = 	snop  }
0x90: {  	s2 =	sld [smem:$0x3FD0];
	(tm) =	ssettm $0x1  }
0x91: {  	s18 =	sld [smem:$0x3FFB];
	_ =	sdelay $0x3  }
0x92: {  	_ =	strace s18  }
0x93: {  	s3 =	sld [smem:$0x3FFC];
	_ =	sdelay $0x3  }
0x94: {  	_ =	strace s3  }
0x95: {  	s3 =	sld [smem:$0x3FFD];
	_ =	sdelay $0x3  }
0x96: {  	_ =	strace s3  }
0x97: {  	_ =	strace $0x8FFFFFFF  }
0x98: {  	s19 =	sld [smem:$0x3FDB];
	_ =	sdelay $0x1  }
0x99: {  	s4 =	simm.s32 $_scs_section_size  }
0x9a: {  	s5 =	simm.s32 $_size__tile_overlayer_lowered;
	s6 =	simm.s32 $_tile_overlayer_lowered  }
0x9b: {  	s22 =	simm.s32 $0x1BFF;
	s21 =	sshll.u32 s6, $0x1;
	s3 =	sadd.s32 s4, s19  }
0x9c: {  	s7 =	simm.s32 $0x0;
	s20 =	sshll.u32 s5, $0x1;
	s5 =	sadd.s32 s21, s3  }
0x9d: {  	[timem:s7], [sflag:s22] =	dma.local [hbm:s5], s20  }
0x9e: {  	_ =	swait.ge [sflag:s22], s20  }
0x9f: {  	s4 =	ssub.s32 $0x0, s20;
	[sflag:s22] =	ssyncset.done $0x0  }
0xa0: {  	[sflag:s22] =	ssyncadd.s32 s4;
	_ =	sdelay $0x1  }
0xa1: {  	s23 =	simm.s32 $0x1B8B  }
0xa2: {  	_ =	swait.ge [sflag:s23], $0x1  }
0xa3: {  	[sflag:s23] =	ssyncset.done $0x0  }
0xa4: {  	s25 =	simm.s32 $0x1B8E;
	s24 =	sld [smem:$0x3FFE];
	[sflag:s23] =	ssyncadd.s32 $0xFFFFFFFF  }
0xa5: {  	s26 =	simm.s32 $execute0_lowered;
	[smem:$0x3FD2] =	sst s25  }
0xa6: {  	s5 =	sshll.u32 s26, $0x1;
	_ =	strace $0x8000004C;
	[dreg:$0x1] =	wrdreg $0xFFFFFFFF  }
0xa7: {  	s28 =	simm.s32 $_size_execute0_lowered;
	s3 =	sadd.s32 s3, s5;
	[dreg:$0x0] =	wrdreg $0x0  }
0xa8: {  	s5 =	sshll.u32 s28, $0x1;
	[dreg:$0x2] =	wrdreg s3  }
0xa9: {  	[dreg:$0x3] =	wrdreg s5  }
0xaa: {  	[dreg:$0x4] =	wrdreg $0xC0  }
0xab: {  	_ =	task [dreg:s7], $0x5FFFF  }
0xac: {  	[dreg:$0x1] =	wrdreg $0xFFFFFFFF  }
0xad: {  	[dreg:$0x0] =	wrdreg $0x60  }
0xae: {  	[dreg:$0x2] =	wrdreg s2  }
0xaf: {  	[dreg:$0x3] =	wrdreg s24  }
0xb0: {  	[dreg:$0x4] =	wrdreg $0xE0000  }
0xb1: {  	[dreg:$0x5] =	wrdreg $0x9  }
0xb2: {  	_ =	task.clear_ibuf [dreg:s7], $0x6FFFF;
	_ =	strace $0x9000004C  }
0xb3: {  	s29 =	simm.s32 $0x9;
	_ =	strace $0x8000004E  }
0xb4: {  	_ =	swait.ge [sflag:s29], $0x1  }
0xb5: {  	[sflag:s29] =	ssyncadd.s32 $0xFFFFFFFF  }
0xb6: {  	_ =	strace $0x9000004E  }
0xb7: {  	_ =	sfence  }
0xb8: {  	s30 =	sld [smem:$0x0];
	_ =	sdelay $0x2  }
0xb9: {  	s31 =	sshll.u32 s1, $0xD;
	s1 =	sshrl.u32 s1, $0x2  }
0xba: {  	s3 =	sand.u32 $0x4000, s31;
	s1 =	sadd.s32 s1, s30  }
0xbb: {  	s0 =	sor.u32 s3, s0;
	s1 =	sshll.u32 s1, $0x11  }
0xbc: {  	s0 =	sor.u32 s1, s0  }
0xbd: {  	s0 =	sadd.s32 $0x8F2B, s0  }
0xbe: {  	[sflag:s0] =	ssyncadd.remote.s32 $0x1  }
0xbf: {  	_ =	sfence.sel $0xFFFF  }
0xc0: {  	[dreg:$0x0] =	wrdreg $0xFFFFFFFF;
	(pc) =	sbr.abs _section_cstart, $3  }
0xc1: {  	[dreg:$0x1] =	wrdreg $0xFFFFFFFF  }
0xc2: {  	_ =	task.clear_ibuf [dreg:s7], $0x2FFFF;
	_ =	strace $0x9FFFFFFF  }
0xc3: {  	(tm) =	ssettm $0x7FFFFFFF  }
tec
execute0_lowered:
.L_overlay_start_1:
0x0: {  	(tag) =	ssettag $0x1  }
0x1: {  	s0 =	rddreg [dreg:$0x0]  }
0x2: {  	s1 =	rddreg [dreg:$0x1];
	s11 =	stileid.u32  }
0x3: {  	s3 =	srdreg.scid;
	s2 =	rddreg [dreg:$0x2];
	s15 =	simm.s32 $0x7  }
0x4: {  	s17 =	simm.s32 $0xA000;
	s18 =	simm.s32 $0x80;
	s19 =	simm.s32 $0xB000  }
0x5: {  	s20 =	simm.s32 $0x100;
	s21 =	simm.s32 $0xC000;
	s22 =	simm.s32 $0x180  }
0x6: {  	s28 =	simm.s32 $0x3;
	s29 =	simm.s32 $0x4;
	s4 =	smul.u32 $0xA00, s11  }
0x7: {  	s30 =	simm.s32 $0x5;
	s31 =	simm.s32 $0x6;
	s10 =	smul.u32 $0x5000, s11  }
0x8: {  	s5 =	sand.u32 $0x1, s3;
	s3 =	simm.s32 $0x0;
	s11 =	smul.u32 $0x14000, s11  }
0x9: {  	s23 =	sadd.s32 $0x15C00, s1;
	s6 =	smul.u32 $0x50000, s5;
	[smem:$0x7FF] =	sst s3  }
0xa: {  	s8 =	ssub.s32 $0x2, s5;
	s24 =	smul.u32 $0x9C40, s5;
	_ =	strace $0x8000004D  }
0xb: {  	s7 =	sadd.s32 s4, s1;
	[dreg:$0x4] =	wrdreg s23;
	s9 =	sshrl.u32 s8, $0x1  }
0xc: {  	s25 =	sshrl.u32 s11, $0x2;
	s26 =	sadd.s32 s10, s2;
	s23 =	simm.s32 $0xD000  }
0xd: {  	s6 =	sadd.s32 s10, s6;
	s12 =	ssub.s32 s8, s9;
	s5 =	sadd.s32 $0xBC00, s7  }
0xe: {  	s8 =	sadd.s32 s0, s24;
	s24 =	simm.s32 $0x1;
	s6 =	sshrl.u32 s6, $0x3  }
0xf: {  	s0 =	simm.s32 $0x0;
	s10 =	smax.u32 s12, $0x1;
	s1 =	sadd.s32 s6, s1  }
0x10: {  	s6 =	sadd.s32 $0x1C00, s7;
	s7 =	sadd.s32 s25, s2;
	s25 =	sshrl.u32 s26, $0x3  }
0x11: {  	s26 =	simm.s32 $0x2;
	s9 =	sadd.s32 $0x15E00, s1;
	s11 =	sadd.s32 $0x1000, s7  }
0x12: {  	s12 =	sadd.s32 $0x2000, s7;
	s13 =	sadd.s32 $0x3000, s7;
	s14 =	sadd.s32 $0x4000, s7  }
.LBB2_1:
0x13: {  	[tilespmem:s3], [sflag:$0x7] =	stream.linear.gather [hbm4b:s5+s3], $0x5000, $0x38;
	[tilespmem:$0x13000] =	vst v63  }
0x14: {  	_ =	swait.ge [sflag:s15], $0x5000  }
0x15: {  	[sflag:s15] =	ssyncset.done $0x0  }
0x16: {  	s1 =	simm.s32 $0x5000;
	[sflag:s15] =	ssyncadd.s32 $0xFFFFB000  }
0x17: {  	[tilespmem:s1], [sflag:$0x7] =	stream.linear.gather [hbm4b:s6+s3], $0x5000, $0x38;
	[tilespmem:$0x13000] =	vst v63  }
0x18: {  	_ =	swait.ge [sflag:s15], $0x5000  }
0x19: {  	[sflag:s15] =	ssyncset.done $0x0  }
0x1a: {  	s4 =	rddreg [dreg:$0x4];
	[sflag:s15] =	ssyncadd.s32 $0xFFFFB000  }
0x1b: {  	[tilespmem:s17], [sflag:$0x7] =	stream.linear.gather [hbm4b:s4+s3], $0x1000, $0x38;
	[tilespmem:$0x13000] =	vst v63  }
0x1c: {  	_ =	swait.ge [sflag:s15], $0x1000  }
0x1d: {  	[sflag:s15] =	ssyncset.done $0x0  }
0x1e: {  	[sflag:s15] =	ssyncadd.s32 $0xFFFFF000  }
0x1f: {  	[spmem:s7] =	stream.linear.scatter [tilespmem:s17], [sflag:$0x7], $0x1000, $0x38;
	[tilespmem:$0x13000] =	vst v63  }
0x20: {  	_ =	swait.ge [sflag:s15], $0x1000  }
0x21: {  	[sflag:s15] =	ssyncset.done $0x0  }
0x22: {  	[sflag:s15] =	ssyncadd.s32 $0xFFFFF000  }
0x23: {  	[spmem:s11] =	stream.linear.scatter [tilespmem:s17], [sflag:$0x7], $0x1000, $0x38;
	[tilespmem:$0x13000] =	vst v63  }
0x24: {  	_ =	swait.ge [sflag:s15], $0x1000  }
0x25: {  	[sflag:s15] =	ssyncset.done $0x0  }
0x26: {  	[sflag:s15] =	ssyncadd.s32 $0xFFFFF000  }
0x27: {  	[spmem:s12] =	stream.linear.scatter [tilespmem:s17], [sflag:$0x7], $0x1000, $0x38;
	[tilespmem:$0x13000] =	vst v63  }
0x28: {  	_ =	swait.ge [sflag:s15], $0x1000  }
0x29: {  	[sflag:s15] =	ssyncset.done $0x0  }
0x2a: {  	[sflag:s15] =	ssyncadd.s32 $0xFFFFF000  }
0x2b: {  	[spmem:s13] =	stream.linear.scatter [tilespmem:s17], [sflag:$0x7], $0x1000, $0x38;
	[tilespmem:$0x13000] =	vst v63  }
0x2c: {  	_ =	swait.ge [sflag:s15], $0x1000  }
0x2d: {  	[sflag:s15] =	ssyncset.done $0x0  }
0x2e: {  	[sflag:s15] =	ssyncadd.s32 $0xFFFFF000  }
0x2f: {  	[spmem:s14] =	stream.linear.scatter [tilespmem:s17], [sflag:$0x7], $0x1000, $0x38;
	[tilespmem:$0x13000] =	vst v63  }
0x30: {  	_ =	swait.ge [sflag:s15], $0x1000  }
0x31: {  	[sflag:s15] =	ssyncset.done $0x0  }
0x32: {  	[sflag:s15] =	ssyncadd.s32 $0xFFFFF000  }
0x33: {  	[bflag:$0x0] =	sbarrier.arrive $0xFFFF  }
0x34: {  	[tilespmem:s17], [sflag:$0x1] =	stream.indirect.gather [hbm4b:s8+s18], $0x20, s3, s18, $0xb8;
	[tilespmem:$0x13000] =	vst v63  }
0x35: {  	_ = 	snop  }
0x36: {  	[tilespmem:s19], [sflag:$0x2] =	stream.indirect.gather [hbm4b:s8+s18], $0x20, s18, s18, $0xb8;
	[tilespmem:$0x13000] =	vst v63  }
0x37: {  	_ = 	snop  }
0x38: {  	[tilespmem:s21], [sflag:$0x3] =	stream.indirect.gather [hbm4b:s8+s18], $0x20, s20, s18, $0xb8;
	[tilespmem:$0x13000] =	vst v63  }
0x39: {  	_ = 	snop  }
0x3a: {  	[tilespmem:s23], [sflag:$0x4] =	stream.indirect.gather [hbm4b:s8+s18], $0x20, s22, s18, $0xb8;
	[tilespmem:$0x13000] =	vst v63  }
0x3b: {  	_ =	swait.ge [sflag:s24], $0x1000  }
0x3c: {  	[sflag:s24] =	ssyncset.done $0x0  }
0x3d: {  	s16 =	simm.s32 $0x5000;
	[sflag:s24] =	ssyncadd.s32 $0xFFFFF000  }
0x3e: {  	[spmem:s2] =	stream.indirect.scatter.add.f32 [tilespmem:s17], [sflag:$0x5], $0x20, s16, s18, $0xb8;
	[tilespmem:$0x13000] =	vst v63  }
0x3f: {  	_ =	swait.ge [sflag:s26], $0x1000  }
0x40: {  	[sflag:s26] =	ssyncset.done $0x0  }
0x41: {  	s4 =	simm.s32 $0x5080;
	[sflag:s26] =	ssyncadd.s32 $0xFFFFF000  }
0x42: {  	[spmem:s2] =	stream.indirect.scatter.add.f32 [tilespmem:s19], [sflag:$0x5], $0x20, s4, s18, $0xb8;
	[tilespmem:$0x13000] =	vst v63  }
0x43: {  	_ =	swait.ge [sflag:s28], $0x1000  }
0x44: {  	[sflag:s28] =	ssyncset.done $0x0  }
0x45: {  	s16 =	simm.s32 $0x5100;
	[sflag:s28] =	ssyncadd.s32 $0xFFFFF000  }
0x46: {  	[spmem:s2] =	stream.indirect.scatter.add.f32 [tilespmem:s21], [sflag:$0x6], $0x20, s16, s18, $0xb8;
	[tilespmem:$0x13000] =	vst v63  }
0x47: {  	_ =	swait.ge [sflag:s29], $0x1000  }
0x48: {  	[sflag:s29] =	ssyncset.done $0x0  }
0x49: {  	s4 =	simm.s32 $0x5180;
	[sflag:s29] =	ssyncadd.s32 $0xFFFFF000  }
0x4a: {  	[spmem:s2] =	stream.indirect.scatter.add.f32 [tilespmem:s23], [sflag:$0x6], $0x20, s4, s18, $0xb8;
	[tilespmem:$0x13000] =	vst v63  }
0x4b: {  	_ =	swait.ge [sflag:s30], $0x1000  }
0x4c: {  	[sflag:s30] =	ssyncset.done $0x0  }
0x4d: {  	[sflag:s30] =	ssyncadd.s32 $0xFFFFF000  }
0x4e: {  	_ =	swait.ge [sflag:s30], $0x1000  }
0x4f: {  	[sflag:s30] =	ssyncset.done $0x0  }
0x50: {  	s16 =	simm.s32 $0x200;
	[sflag:s30] =	ssyncadd.s32 $0xFFFFF000  }
0x51: {  	[tilespmem:s17], [sflag:$0x1] =	stream.indirect.gather [hbm4b:s8+s18], $0x20, s16, s18, $0xb8;
	[tilespmem:$0x13000] =	vst v63  }
0x52: {  	s4 =	simm.s32 $0x280  }
0x53: {  	[tilespmem:s19], [sflag:$0x2] =	stream.indirect.gather [hbm4b:s8+s18], $0x20, s4, s18, $0xb8;
	[tilespmem:$0x13000] =	vst v63  }
0x54: {  	_ =	swait.ge [sflag:s31], $0x1000  }
0x55: {  	[sflag:s31] =	ssyncset.done $0x0  }
0x56: {  	[sflag:s31] =	ssyncadd.s32 $0xFFFFF000  }
0x57: {  	_ =	swait.ge [sflag:s31], $0x1000  }
0x58: {  	[sflag:s31] =	ssyncset.done $0x0  }
0x59: {  	s16 =	simm.s32 $0x300;
	[sflag:s31] =	ssyncadd.s32 $0xFFFFF000  }
0x5a: {  	[tilespmem:s21], [sflag:$0x3] =	stream.indirect.gather [hbm4b:s8+s18], $0x20, s16, s18, $0xb8;
	[tilespmem:$0x13000] =	vst v63  }
0x5b: {  	s1 =	simm.s32 $0x380;
	s16 =	simm.s32 $0x800  }
.LBB2_2:
0x5c: {  	[tilespmem:s23], [sflag:$0x4] =	stream.indirect.gather [hbm4b:s8+s18], $0x20, s1, s18, $0xb8;
	[tilespmem:$0x13000] =	vst v63  }
0x5d: {  	s1 =	smov.u32 s16  }
0x5e: {  	p0 =	sne.s32 s16, $0x13000;
	s16 =	sadd.s32 $0x800, s16;
	_ =	swait.ge [sflag:s24], $0x1000  }
0x5f: {  	s1 =	sshra.s32 s1, $0x2;
	[sflag:s24] =	ssyncset.done $0x0  }
0x60: {  	s4 =	sadd.s32 $0x5000, s1;
	[sflag:s24] =	ssyncadd.s32 $0xFFFFF000  }
0x61: {  	[spmem:s2] =	stream.indirect.scatter.add.f32 [tilespmem:s17], [sflag:$0x5], $0x20, s4, s18, $0xb8;
	[tilespmem:$0x13000] =	vst v63  }
0x62: {  	_ =	swait.ge [sflag:s26], $0x1000  }
0x63: {  	[sflag:s26] =	ssyncset.done $0x0  }
0x64: {  	s4 =	sadd.s32 $0x5080, s1;
	[sflag:s26] =	ssyncadd.s32 $0xFFFFF000  }
0x65: {  	[spmem:s2] =	stream.indirect.scatter.add.f32 [tilespmem:s19], [sflag:$0x5], $0x20, s4, s18, $0xb8;
	[tilespmem:$0x13000] =	vst v63  }
0x66: {  	_ =	swait.ge [sflag:s28], $0x1000  }
0x67: {  	[sflag:s28] =	ssyncset.done $0x0  }
0x68: {  	s4 =	sadd.s32 $0x5100, s1;
	[sflag:s28] =	ssyncadd.s32 $0xFFFFF000  }
0x69: {  	[spmem:s2] =	stream.indirect.scatter.add.f32 [tilespmem:s21], [sflag:$0x6], $0x20, s4, s18, $0xb8;
	[tilespmem:$0x13000] =	vst v63  }
0x6a: {  	_ =	swait.ge [sflag:s29], $0x1000  }
0x6b: {  	[sflag:s29] =	ssyncset.done $0x0  }
0x6c: {  	s4 =	sadd.s32 $0x5180, s1;
	[sflag:s29] =	ssyncadd.s32 $0xFFFFF000  }
0x6d: {  	[spmem:s2] =	stream.indirect.scatter.add.f32 [tilespmem:s23], [sflag:$0x6], $0x20, s4, s18, $0xb8;
	[tilespmem:$0x13000] =	vst v63  }
0x6e: {  	_ =	swait.ge [sflag:s30], $0x1000  }
0x6f: {  	[sflag:s30] =	ssyncset.done $0x0  }
0x70: {  	[sflag:s30] =	ssyncadd.s32 $0xFFFFF000  }
0x71: {  	_ =	swait.ge [sflag:s30], $0x1000  }
0x72: {  	[sflag:s30] =	ssyncset.done $0x0  }
0x73: {  	s4 =	sadd.s32 $0x200, s1;
	[sflag:s30] =	ssyncadd.s32 $0xFFFFF000  }
0x74: {  	[tilespmem:s17], [sflag:$0x1] =	stream.indirect.gather [hbm4b:s8+s18], $0x20, s4, s18, $0xb8;
	[tilespmem:$0x13000] =	vst v63  }
0x75: {  	s4 =	sadd.s32 $0x280, s1  }
0x76: {  	[tilespmem:s19], [sflag:$0x2] =	stream.indirect.gather [hbm4b:s8+s18], $0x20, s4, s18, $0xb8;
	[tilespmem:$0x13000] =	vst v63  }
0x77: {  	_ =	swait.ge [sflag:s31], $0x1000  }
0x78: {  	[sflag:s31] =	ssyncset.done $0x0  }
0x79: {  	[sflag:s31] =	ssyncadd.s32 $0xFFFFF000  }
.Ltmp0:
0x7a: {  	_ =	swait.ge [sflag:s31], $0x1000;
	(pc) =	sbr.rel @p0 .LBB2_2-.Ltmp0, $4  }
0x7b: {  	[sflag:s31] =	ssyncset.done $0x0  }
0x7c: {  	s4 =	sadd.s32 $0x300, s1;
	[sflag:s31] =	ssyncadd.s32 $0xFFFFF000  }
0x7d: {  	[tilespmem:s21], [sflag:$0x3] =	stream.indirect.gather [hbm4b:s8+s18], $0x20, s4, s18, $0xb8;
	[tilespmem:$0x13000] =	vst v63  }
0x7e: {  	s1 =	sadd.s32 $0x380, s1  }
0x7f: {  	[tilespmem:s23], [sflag:$0x4] =	stream.indirect.gather [hbm4b:s8+s18], $0x20, s1, s18, $0xb8;
	[tilespmem:$0x13000] =	vst v63  }
0x80: {  	_ =	swait.ge [sflag:s24], $0x1000  }
0x81: {  	[sflag:s24] =	ssyncset.done $0x0  }
0x82: {  	s16 =	simm.s32 $0x9E00;
	[sflag:s24] =	ssyncadd.s32 $0xFFFFF000  }
0x83: {  	[spmem:s2] =	stream.indirect.scatter.add.f32 [tilespmem:s17], [sflag:$0x5], $0x20, s16, s18, $0xb8;
	[tilespmem:$0x13000] =	vst v63  }
0x84: {  	_ =	swait.ge [sflag:s26], $0x1000  }
0x85: {  	[sflag:s26] =	ssyncset.done $0x0  }
0x86: {  	s4 =	simm.s32 $0x9E80;
	[sflag:s26] =	ssyncadd.s32 $0xFFFFF000  }
0x87: {  	[spmem:s2] =	stream.indirect.scatter.add.f32 [tilespmem:s19], [sflag:$0x5], $0x20, s4, s18, $0xb8;
	[tilespmem:$0x13000] =	vst v63  }
0x88: {  	_ =	swait.ge [sflag:s28], $0x1000  }
0x89: {  	[sflag:s28] =	ssyncset.done $0x0  }
0x8a: {  	s16 =	simm.s32 $0x9F00;
	[sflag:s28] =	ssyncadd.s32 $0xFFFFF000  }
0x8b: {  	[spmem:s2] =	stream.indirect.scatter.add.f32 [tilespmem:s21], [sflag:$0x6], $0x20, s16, s18, $0xb8;
	[tilespmem:$0x13000] =	vst v63  }
0x8c: {  	_ =	swait.ge [sflag:s29], $0x1000  }
0x8d: {  	[sflag:s29] =	ssyncset.done $0x0  }
0x8e: {  	s4 =	simm.s32 $0x9F80;
	[sflag:s29] =	ssyncadd.s32 $0xFFFFF000  }
0x8f: {  	[spmem:s2] =	stream.indirect.scatter.add.f32 [tilespmem:s23], [sflag:$0x6], $0x20, s4, s18, $0xb8;
	[tilespmem:$0x13000] =	vst v63  }
0x90: {  	_ =	swait.ge [sflag:s30], $0x1000  }
0x91: {  	[sflag:s30] =	ssyncset.done $0x0  }
0x92: {  	[sflag:s30] =	ssyncadd.s32 $0xFFFFF000  }
0x93: {  	_ =	swait.ge [sflag:s30], $0x1000  }
0x94: {  	[sflag:s30] =	ssyncset.done $0x0  }
0x95: {  	[sflag:s30] =	ssyncadd.s32 $0xFFFFF000  }
0x96: {  	[tilespmem:s17], [sflag:$0x1] =	stream.indirect.gather [hbm4b:s8+s18], $0x20, s3, s18, $0xb8;
	[tilespmem:$0x13000] =	vst v63  }
0x97: {  	_ = 	snop  }
0x98: {  	[tilespmem:s19], [sflag:$0x2] =	stream.indirect.gather [hbm4b:s8+s18], $0x20, s18, s18, $0xb8;
	[tilespmem:$0x13000] =	vst v63  }
0x99: {  	_ =	swait.ge [sflag:s31], $0x1000  }
0x9a: {  	[sflag:s31] =	ssyncset.done $0x0  }
0x9b: {  	[sflag:s31] =	ssyncadd.s32 $0xFFFFF000  }
0x9c: {  	_ =	swait.ge [sflag:s31], $0x1000  }
0x9d: {  	[sflag:s31] =	ssyncset.done $0x0  }
0x9e: {  	[sflag:s31] =	ssyncadd.s32 $0xFFFFF000  }
0x9f: {  	[tilespmem:s21], [sflag:$0x3] =	stream.indirect.gather [hbm4b:s8+s18], $0x20, s20, s18, $0xb8;
	[tilespmem:$0x13000] =	vst v63  }
0xa0: {  	_ = 	snop  }
0xa1: {  	[tilespmem:s23], [sflag:$0x4] =	stream.indirect.gather [hbm4b:s8+s18], $0x20, s22, s18, $0xb8;
	[tilespmem:$0x13000] =	vst v63  }
0xa2: {  	_ =	swait.ge [sflag:s24], $0x1000  }
0xa3: {  	[sflag:s24] =	ssyncset.done $0x0  }
0xa4: {  	[sflag:s24] =	ssyncadd.s32 $0xFFFFF000  }
0xa5: {  	_ =	swait.ge [sflag:s26], $0x1000  }
0xa6: {  	[sflag:s26] =	ssyncset.done $0x0  }
0xa7: {  	[sflag:s26] =	ssyncadd.s32 $0xFFFFF000  }
0xa8: {  	_ =	swait.ge [sflag:s28], $0x1000  }
0xa9: {  	[sflag:s28] =	ssyncset.done $0x0  }
0xaa: {  	[sflag:s28] =	ssyncadd.s32 $0xFFFFF000  }
0xab: {  	_ =	swait.ge [sflag:s29], $0x1000  }
0xac: {  	s0 =	sadd.s32 $0x1, s0;
	s16 =	stileid.u32;
	[sflag:s29] =	ssyncset.done $0x0  }
0xad: {  	p0 =	sne.s32 s0, s10;
	s1 =	sshll.u32 s16, $0x6;
	[sflag:s29] =	ssyncadd.s32 $0xFFFFF000  }
.Ltmp1:
0xae: {  	s1 =	sor.u32 $0x1C07, s1;
	[bflag:$0x0] =	sbarrier.arrive $0xFFFF;
	(pc) =	sbr.rel @p0 .LBB2_1-.Ltmp1, $4  }
0xaf: {  	[hbm:s9], [sflag:s1] =	dma.local [spmem:s25], $0xA00  }
0xb0: {  	_ =	swait.ge [sflag:s15], $0xA00  }
0xb1: {  	[sflag:s15] =	ssyncset.done $0x0  }
0xb2: {  	[sflag:s15] =	ssyncadd.s32 $0xFFFFF600  }
0xb3: {  	_ =	sfence.sel $0x180000  }
0xb4: {  	[bflag:$0x0] =	sbarrier.arrive $0xFFFF  }
0xb5: {  	_ =	strace $0x9000004D  }
0xb6: {  	s0 =	stileid.u32;
	[bflag:$0x2] =	sbarrier.arrive $0xFFFF  }
0xb7: {  	p0 =	sne.s32 s0, $0x0;
	s0 =	rddreg [dreg:$0x3]  }
0xb8: {  	s0 =	sadd.s32 @!p0 $0x100000, s0  }
0xb9: {  	[sflag:s0] =	ssyncadd.tile.s32 @!p0 $0x1;
	_ =	shalt  }
.Lfunc_end2:
_tile_overlayer_lowered:
.L_overlay_start_2:
0xba: {  	(tag) =	ssettag $0x2  }
0xbb: {  	s0 =	rddreg [dreg:$0x0];
	s2 =	stileid.u32  }
0xbc: {  	s1 =	rddreg [dreg:$0x1];
	p0 =	sne.s32 s2, $0x0  }
0xbd: {  	s3 =	rddreg [dreg:$0x2];
	[bflag:$0x3] =	sbarrier.arrive $0xFFFF;
	s2 =	simm.s32 @!p0 $0x1C07  }
0xbe: {  	[timem:s3], [sflag:s2] =	dma.local @!p0 [hbm:s0], s1  }
0xbf: {  	s0 =	simm.s32 @!p0 $0x7  }
0xc0: {  	_ =	swait.ge @!p0 [sflag:s0], s1  }
0xc1: {  	s1 =	ssub.s32 @!p0 $0x0, s1;
	[sflag:s0] =	ssyncset.done @!p0 $0x0  }
0xc2: {  	[sflag:s0] =	ssyncadd.s32 @!p0 s1  }
0xc3: {  	[bflag:$0x3] =	sbarrier.arrive $0xFFFF  }
0xc4: {  	_ =	shalt  }

// kernel: kernel.8.cloned.1.call-start
scs
__scs_entry_jumppad:
0x0: {  	(pc) =	sbr.rel $0x88, $3  }
0x1: {  	(tag) =	ssettag $0x0;
	lr =	simm.s32 $0x1  }
0x2: {  	[smem:$0x3F9B] =	sst lr;
	_ =	strace $0xD0000000  }
0x3: {  	_ = 	snop  }
0x4: {  	_ = 	snop  }
0x5: {  	_ = 	snop  }
0x6: {  	_ = 	snop  }
0x7: {  	_ = 	snop  }
__scs_overlays_trampoline_lowered:
0x8: {  	[smem:$0x3FAA] =	sst s0  }
0x9: {  	[smem:$0x3FAB] =	sst s1  }
0xa: {  	[smem:$0x3FAC] =	sst s2  }
0xb: {  	[smem:$0x3FAD] =	sst s3  }
0xc: {  	[smem:$0x3FAE] =	sst s4  }
0xd: {  	[smem:$0x3FAF] =	sst s5  }
0xe: {  	[smem:$0x3FB0] =	sst s6  }
0xf: {  	[smem:$0x3FB1] =	sst s7  }
0x10: {  	[smem:$0x3FB2] =	sst s8  }
0x11: {  	[smem:$0x3FB3] =	sst s9;
	s0 =	simm.s32 @!p0 $0x0  }
0x12: {  	s1 =	sld [smem:$0x3F99];
	s0 =	simm.s32 @p0 $0x1  }
0x13: {  	[smem:$0x3FB4] =	sst s0;
	s0 =	simm.s32 @!p1 $0x0  }
0x14: {  	s2 =	sld [smem:$0x3F98];
	s0 =	simm.s32 @p1 $0x1  }
0x15: {  	[smem:$0x3FB5] =	sst s0;
	s0 =	simm.s32 @!p2 $0x0  }
0x16: {  	s3 =	sld [smem:$0x3FDB];
	s0 =	simm.s32 @p2 $0x1  }
0x17: {  	s4 =	simm.s32 $0x1BF5;
	[smem:$0x3FB7] =	sst s0  }
0x18: {  	s0 =	sld [smem:$0x3F9A];
	_ =	swait.ge [sflag:s4], $0x0  }
0x19: {  	s7 =	sld [smem:$0x3F9B]  }
0x1a: {  	s8 =	sadd.s32 $0xFFFFE003, lr  }
0x1b: {  	s9 =	sadd.s32 $0xFFFFFEF7, lr;
	s5 =	simm.s32 $0xFFFFFFFF;
	p2 =	slt.u32 s8, $0xFFFFF086  }
0x1c: {  	p1 =	slt.u32 s9, $0xF7A;
	s5 =	simm.s32 @!p2 $0x0  }
0x1d: {  	s5 =	simm.s32 @p1 $0x1;
	p0 =	seq.s32 s7, s2  }
0x1e: {  	s7 =	smul.u32 @!p0 $0xF7A, s2;
	p2 =	seq.s32 @!p0 s5, $0x0  }
0x1f: {  	s9 =	smul.u32 $0xF7A, s1;
	s8 =	simm.s32 @!p0 $0x1BF5;
	p2 =	por !p2, p0  }
0x20: {  	[sflag:s8] =	ssyncset.s32 @!p0 $0xFFFFF086;
	s6 =	sadd.s32 @!p0 s3, s7;
	s7 =	simm.s32 @!p0 $0x108  }
0x21: {  	s3 =	sadd.s32 s3, s9;
	s6 =	sadd.s32 @!p0 $0x88, s6;
	s7 =	simm.s32 @p2 $0x1082  }
0x22: {  	[simem:s7], [sflag:s8] =	dma.local @!p0 [hbm:s6], $0xF7A  }
0x23: {  	s9 =	sor.u32 $0xD0000000, s2;
	s6 =	simm.s32 $0x108;
	_ =	swait.ge @!p0 [sflag:s8], $0x0  }
0x24: {  	s3 =	sadd.s32 $0x88, s3;
	s6 =	simm.s32 @!p1 $0x1082;
	[sflag:s4] =	ssyncset.s32 $0xFFFFF086  }
0x25: {  	[simem:s6], [sflag:s4] =	dma.local [hbm:s3], $0xF7A  }
0x26: {  	[smem:$0x3F9B] =	sst s1;
	(tag) =	ssettag s2;
	_ =	strace s9  }
0x27: {  	s1 =	sld [smem:$0x3FAB]  }
0x28: {  	s2 =	sld [smem:$0x3FAC]  }
0x29: {  	s4 =	sld [smem:$0x3FAE]  }
0x2a: {  	p0 =	seq.s32 s5, $0x0;
	s5 =	sld [smem:$0x3FAF]  }
0x2b: {  	s6 =	sld [smem:$0x3FB0]  }
0x2c: {  	s7 =	sld [smem:$0x3FB1]  }
0x2d: {  	s3 =	simm.s32 $0x108;
	s8 =	sld [smem:$0x3FB2]  }
0x2e: {  	s3 =	simm.s32 @!p0 $0x1082;
	s9 =	sld [smem:$0x3FB3]  }
0x2f: {  	lr =	sadd.s32 s0, s3;
	s0 =	sld [smem:$0x3FAA]  }
0x30: {  	s3 =	sld [smem:$0x3FAD]  }
0x31: {  	[smem:$0x3FB6] =	sst s10  }
0x32: {  	s10 =	sld [smem:$0x3FB4];
	_ =	sdelay $0x3  }
0x33: {  	p0 =	seq.s32 s10, $0x1;
	s10 =	sld [smem:$0x3FB6];
	_ =	sdelay $0x3  }
0x34: {  	[smem:$0x3FB6] =	sst s10  }
0x35: {  	s10 =	sld [smem:$0x3FB5];
	_ =	sdelay $0x3  }
0x36: {  	p1 =	seq.s32 s10, $0x1;
	s10 =	sld [smem:$0x3FB6];
	_ =	sdelay $0x3  }
0x37: {  	[smem:$0x3FB6] =	sst s10  }
0x38: {  	s10 =	sld [smem:$0x3FB7]  }
0x39: {  	_ = 	snop;
	(pc) =	sbr.ind lr, $3  }
0x3a: {  	_ = 	snop  }
0x3b: {  	_ = 	snop  }
0x3c: {  	p2 =	seq.s32 s10, $0x1;
	s10 =	sld [smem:$0x3FB6]  }
0x3d: {  	_ =	shalt  }
0x3e: {  	_ =	shalt  }
0x3f: {  	_ =	shalt  }
0x40: {  	_ =	shalt  }
0x41: {  	_ =	shalt  }
0x42: {  	_ =	shalt  }
0x43: {  	_ =	shalt  }
0x44: {  	_ =	shalt  }
0x45: {  	_ =	shalt  }
0x46: {  	_ =	shalt  }
0x47: {  	_ =	shalt  }
0x48: {  	_ =	shalt  }
0x49: {  	_ =	shalt  }
0x4a: {  	_ =	shalt  }
0x4b: {  	_ =	shalt  }
0x4c: {  	_ =	shalt  }
0x4d: {  	_ =	shalt  }
0x4e: {  	_ =	shalt  }
0x4f: {  	_ =	shalt  }
0x50: {  	_ =	shalt  }
0x51: {  	_ =	shalt  }
0x52: {  	_ =	shalt  }
0x53: {  	_ =	shalt  }
0x54: {  	_ =	shalt  }
0x55: {  	_ =	shalt  }
0x56: {  	_ =	shalt  }
0x57: {  	_ =	shalt  }
0x58: {  	_ =	shalt  }
0x59: {  	_ =	shalt  }
0x5a: {  	_ =	shalt  }
0x5b: {  	_ =	shalt  }
0x5c: {  	_ =	shalt  }
0x5d: {  	_ =	shalt  }
0x5e: {  	_ =	shalt  }
0x5f: {  	_ =	shalt  }
0x60: {  	_ =	shalt  }
0x61: {  	_ =	shalt  }
0x62: {  	_ =	shalt  }
0x63: {  	_ =	shalt  }
0x64: {  	_ =	shalt  }
0x65: {  	_ =	shalt  }
0x66: {  	_ =	shalt  }
0x67: {  	_ =	shalt  }
0x68: {  	_ =	shalt  }
0x69: {  	_ =	shalt  }
0x6a: {  	_ =	shalt  }
0x6b: {  	_ =	shalt  }
0x6c: {  	_ =	shalt  }
0x6d: {  	_ =	shalt  }
0x6e: {  	_ =	shalt  }
0x6f: {  	_ =	shalt  }
0x70: {  	_ =	shalt  }
0x71: {  	_ =	shalt  }
0x72: {  	_ =	shalt  }
0x73: {  	_ =	shalt  }
0x74: {  	_ =	shalt  }
0x75: {  	_ =	shalt  }
0x76: {  	_ =	shalt  }
0x77: {  	_ =	shalt  }
0x78: {  	_ =	shalt  }
0x79: {  	_ =	shalt  }
0x7a: {  	_ =	shalt  }
0x7b: {  	_ =	shalt  }
0x7c: {  	_ =	shalt  }
0x7d: {  	_ =	shalt  }
0x7e: {  	_ =	shalt  }
0x7f: {  	_ =	shalt  }
0x80: {  	_ =	shalt  }
0x81: {  	_ =	shalt  }
0x82: {  	_ =	shalt  }
0x83: {  	_ =	shalt  }
0x84: {  	_ =	shalt  }
0x85: {  	_ =	shalt  }
0x86: {  	_ =	shalt  }
0x87: {  	_ =	shalt  }
.Lfunc_end0:
.L_simem_size_0:
called_computation_lowered:
.L_overlay_start_0:
0x88: {  	s2 =	sld [smem:$0x3FD9]  }
0x89: {  	s3 =	sld [smem:$0x3FFE];
	_ =	sdelay $0x1  }
0x8a: {  	s1 =	srdreg.scid  }
0x8b: {  	s0 =	sand.u32 $0x1, s1  }
0x8c: {  	s17 =	sshll.u32 s0, $0xA;
	s2 =	sadd.s32 s3, s2  }
0x8d: {  	s2 =	sadd.s32 s2, s17  }
0x8e: {  	[smem:$0x3FC2] =	sst s2  }
0x8f: {  	_ = 	snop  }
0x90: {  	s2 =	sld [smem:$0x3FD0];
	(tm) =	ssettm $0x1  }
0x91: {  	s18 =	sld [smem:$0x3FFB];
	_ =	sdelay $0x3  }
0x92: {  	_ =	strace s18  }
0x93: {  	s3 =	sld [smem:$0x3FFC];
	_ =	sdelay $0x3  }
0x94: {  	_ =	strace s3  }
0x95: {  	s3 =	sld [smem:$0x3FFD];
	_ =	sdelay $0x3  }
0x96: {  	_ =	strace s3  }
0x97: {  	_ =	strace $0x8FFFFFFF  }
0x98: {  	s19 =	sld [smem:$0x3FDB];
	_ =	sdelay $0x1  }
0x99: {  	s4 =	simm.s32 $_scs_section_size  }
0x9a: {  	s5 =	simm.s32 $_size__tile_overlayer_lowered;
	s6 =	simm.s32 $_tile_overlayer_lowered  }
0x9b: {  	s22 =	simm.s32 $0x1BFF;
	s21 =	sshll.u32 s6, $0x1;
	s3 =	sadd.s32 s4, s19  }
0x9c: {  	s7 =	simm.s32 $0x0;
	s20 =	sshll.u32 s5, $0x1;
	s5 =	sadd.s32 s21, s3  }
0x9d: {  	[timem:s7], [sflag:s22] =	dma.local [hbm:s5], s20  }
0x9e: {  	_ =	swait.ge [sflag:s22], s20  }
0x9f: {  	s4 =	ssub.s32 $0x0, s20;
	[sflag:s22] =	ssyncset.done $0x0  }
0xa0: {  	[sflag:s22] =	ssyncadd.s32 s4;
	_ =	sdelay $0x1  }
0xa1: {  	s23 =	simm.s32 $0x1B8B  }
0xa2: {  	_ =	swait.ge [sflag:s23], $0x1  }
0xa3: {  	[sflag:s23] =	ssyncset.done $0x0  }
0xa4: {  	s25 =	simm.s32 $0x1B8E;
	s24 =	sld [smem:$0x3FFE];
	[sflag:s23] =	ssyncadd.s32 $0xFFFFFFFF  }
0xa5: {  	s26 =	simm.s32 $execute0_lowered;
	[smem:$0x3FD2] =	sst s25  }
0xa6: {  	s5 =	sshll.u32 s26, $0x1;
	_ =	strace $0x80000046;
	[dreg:$0x1] =	wrdreg $0xFFFFFFFF  }
0xa7: {  	s28 =	simm.s32 $_size_execute0_lowered;
	s3 =	sadd.s32 s3, s5;
	[dreg:$0x0] =	wrdreg $0x0  }
0xa8: {  	s5 =	sshll.u32 s28, $0x1;
	[dreg:$0x2] =	wrdreg s3  }
0xa9: {  	[dreg:$0x3] =	wrdreg s5  }
0xaa: {  	[dreg:$0x4] =	wrdreg $0xC0  }
0xab: {  	_ =	task [dreg:s7], $0x5FFFF  }
0xac: {  	[dreg:$0x1] =	wrdreg $0xFFFFFFFF  }
0xad: {  	[dreg:$0x0] =	wrdreg $0x60  }
0xae: {  	[dreg:$0x2] =	wrdreg s24  }
0xaf: {  	[dreg:$0x3] =	wrdreg s2  }
0xb0: {  	[dreg:$0x4] =	wrdreg $0x2C000  }
0xb1: {  	[dreg:$0x5] =	wrdreg $0x9  }
0xb2: {  	_ =	task.clear_ibuf [dreg:s7], $0x6FFFF;
	_ =	strace $0x90000046  }
0xb3: {  	s29 =	simm.s32 $0x9;
	_ =	strace $0x80000048  }
0xb4: {  	_ =	swait.ge [sflag:s29], $0x1  }
0xb5: {  	[sflag:s29] =	ssyncadd.s32 $0xFFFFFFFF  }
0xb6: {  	_ =	strace $0x90000048  }
0xb7: {  	_ =	sfence  }
0xb8: {  	s30 =	sld [smem:$0x0];
	_ =	sdelay $0x2  }
0xb9: {  	s31 =	sshll.u32 s1, $0xD;
	s1 =	sshrl.u32 s1, $0x2  }
0xba: {  	s3 =	sand.u32 $0x4000, s31;
	s1 =	sadd.s32 s1, s30  }
0xbb: {  	s0 =	sor.u32 s3, s0;
	s1 =	sshll.u32 s1, $0x11  }
0xbc: {  	s0 =	sor.u32 s1, s0  }
0xbd: {  	s0 =	sadd.s32 $0x8F2B, s0  }
0xbe: {  	[sflag:s0] =	ssyncadd.remote.s32 $0x1  }
0xbf: {  	_ =	sfence.sel $0xFFFF  }
0xc0: {  	[dreg:$0x0] =	wrdreg $0xFFFFFFFF;
	(pc) =	sbr.abs _section_cstart, $3  }
0xc1: {  	[dreg:$0x1] =	wrdreg $0xFFFFFFFF  }
0xc2: {  	_ =	task.clear_ibuf [dreg:s7], $0x2FFFF;
	_ =	strace $0x9FFFFFFF  }
0xc3: {  	(tm) =	ssettm $0x7FFFFFFF  }
tec
execute0_lowered:
.L_overlay_start_1:
0x0: {  	(tag) =	ssettag $0x1  }
0x1: {  	s7 =	rddreg [dreg:$0x0];
	s1 =	srdreg.scid  }
0x2: {  	s0 =	stileid.u32;
	s8 =	rddreg [dreg:$0x1]  }
0x3: {  	s2 =	rddreg [dreg:$0x2];
	s3 =	simm.s32 $0x0;
	s14 =	simm.s32 $0x3  }
0x4: {  	s15 =	simm.s32 $0x2800;
	s16 =	simm.s32 $0x80;
	s17 =	simm.s32 $0x1  }
0x5: {  	s18 =	simm.s32 $0x2;
	s21 =	simm.s32 $0x0;
	s6 =	smul.u32 $0x5000, s0  }
0x6: {  	s4 =	sand.u32 $0x1, s1;
	s1 =	rddreg [dreg:$0x3];
	s11 =	smul.u32 $0x1400, s0  }
0x7: {  	[smem:$0x7FF] =	sst s3;
	s19 =	sshll.u32 s0, $0x6;
	s5 =	smul.u32 $0x2800, s4  }
0x8: {  	s9 =	smul.u32 $0x14000, s4;
	s10 =	ssub.s32 $0x2, s4;
	_ =	strace $0x80000047  }
0x9: {  	s4 =	sadd.s32 $0x1A00, s7;
	s19 =	sor.u32 $0x1C03, s19;
	s12 =	sshrl.u32 s10, $0x1  }
0xa: {  	s20 =	sadd.s32 s11, s2;
	s5 =	sadd.s32 s5, s6;
	s10 =	ssub.s32 s10, s12  }
0xb: {  	s9 =	sadd.s32 s11, s9;
	s6 =	sshrl.u32 s6, $0x2;
	s20 =	sshrl.u32 s20, $0x3  }
0xc: {  	s5 =	sshrl.u32 s5, $0x3;
	s9 =	sshrl.u32 s9, $0x3;
	s6 =	sadd.s32 s6, s2  }
0xd: {  	s5 =	sadd.s32 s5, s7;
	s7 =	sadd.s32 $0x1A80, s7;
	s8 =	sadd.s32 s8, s9  }
0xe: {  	s9 =	smax.u32 s10, $0x1;
	s10 =	sadd.s32 $0x400, s6;
	s11 =	sadd.s32 $0x800, s6  }
0xf: {  	s12 =	sadd.s32 $0xC00, s6;
	s13 =	sadd.s32 $0x1000, s6;
	s5 =	sadd.s32 $0x1C00, s5  }
.LBB2_1:
0x10: {  	[tilespmem:s3], [sflag:$0x3] =	stream.linear.gather [hbm4b:s5+s3], $0x2800, $0x38;
	[tilespmem:$0x4000] =	vst v63  }
0x11: {  	_ =	swait.ge [sflag:s14], $0x2800  }
0x12: {  	[sflag:s14] =	ssyncset.done $0x0  }
0x13: {  	[sflag:s14] =	ssyncadd.s32 $0xFFFFD800  }
0x14: {  	[tilespmem:s15], [sflag:$0x3] =	stream.linear.gather [hbm4b:s4+s3], $0x400, $0x38;
	[tilespmem:$0x4000] =	vst v63  }
0x15: {  	_ =	swait.ge [sflag:s14], $0x400  }
0x16: {  	[sflag:s14] =	ssyncset.done $0x0  }
0x17: {  	[sflag:s14] =	ssyncadd.s32 $0xFFFFFC00  }
0x18: {  	[spmem:s6] =	stream.linear.scatter [tilespmem:s15], [sflag:$0x3], $0x400, $0x38;
	[tilespmem:$0x4000] =	vst v63  }
0x19: {  	_ =	swait.ge [sflag:s14], $0x400  }
0x1a: {  	[sflag:s14] =	ssyncset.done $0x0  }
0x1b: {  	[sflag:s14] =	ssyncadd.s32 $0xFFFFFC00  }
0x1c: {  	[spmem:s10] =	stream.linear.scatter [tilespmem:s15], [sflag:$0x3], $0x400, $0x38;
	[tilespmem:$0x4000] =	vst v63  }
0x1d: {  	_ =	swait.ge [sflag:s14], $0x400  }
0x1e: {  	[sflag:s14] =	ssyncset.done $0x0  }
0x1f: {  	[sflag:s14] =	ssyncadd.s32 $0xFFFFFC00  }
0x20: {  	[spmem:s11] =	stream.linear.scatter [tilespmem:s15], [sflag:$0x3], $0x400, $0x38;
	[tilespmem:$0x4000] =	vst v63  }
0x21: {  	_ =	swait.ge [sflag:s14], $0x400  }
0x22: {  	[sflag:s14] =	ssyncset.done $0x0  }
0x23: {  	[sflag:s14] =	ssyncadd.s32 $0xFFFFFC00  }
0x24: {  	[spmem:s12] =	stream.linear.scatter [tilespmem:s15], [sflag:$0x3], $0x400, $0x38;
	[tilespmem:$0x4000] =	vst v63  }
0x25: {  	_ =	swait.ge [sflag:s14], $0x400  }
0x26: {  	[sflag:s14] =	ssyncset.done $0x0  }
0x27: {  	[sflag:s14] =	ssyncadd.s32 $0xFFFFFC00  }
0x28: {  	[spmem:s13] =	stream.linear.scatter [tilespmem:s15], [sflag:$0x3], $0x400, $0x38;
	[tilespmem:$0x4000] =	vst v63  }
0x29: {  	_ =	swait.ge [sflag:s14], $0x400  }
0x2a: {  	[sflag:s14] =	ssyncset.done $0x0  }
0x2b: {  	[sflag:s14] =	ssyncadd.s32 $0xFFFFFC00  }
0x2c: {  	[bflag:$0x0] =	sbarrier.arrive $0xFFFF  }
0x2d: {  	[tilespmem:s15], [sflag:$0x3] =	stream.linear.gather [hbm4b:s7+s3], $0x400, $0x38;
	[tilespmem:$0x4000] =	vst v63  }
0x2e: {  	_ =	swait.ge [sflag:s14], $0x400  }
0x2f: {  	[sflag:s14] =	ssyncset.done $0x0  }
0x30: {  	s22 =	simm.s32 $0x0;
	[sflag:s14] =	ssyncadd.s32 $0xFFFFFC00  }
0x31: {  	[spmem:s2] =	stream.indirect.scatter.add.f32 [tilespmem:s15], [sflag:$0x1], $0x8, s22, s16, $0xb8;
	[tilespmem:$0x4000] =	vst v63  }
0x32: {  	s31 =	simm.s32 $0x80  }
0x33: {  	[spmem:s2] =	stream.indirect.scatter.add.f32 [tilespmem:s15], [sflag:$0x2], $0x8, s31, s16, $0xb8;
	[tilespmem:$0x4000] =	vst v63  }
0x34: {  	_ =	swait.ge [sflag:s17], $0x400  }
0x35: {  	[sflag:s17] =	ssyncset.done $0x0  }
0x36: {  	[sflag:s17] =	ssyncadd.s32 $0xFFFFFC00  }
0x37: {  	_ =	swait.ge [sflag:s18], $0x400  }
0x38: {  	s23 =	simm.s32 $0x800;
	s22 =	simm.s32 $0x400;
	[sflag:s18] =	ssyncset.done $0x0  }
.LBB2_2:
0x39: {  	s24 =	sshra.s32 s22, $0x2  }
0x3a: {  	[sflag:s18] =	ssyncadd.s32 $0xFFFFFC00;
	s22 =	smov.u32 s23;
	s25 =	sadd.s32 $0x400, s23  }
0x3b: {  	[spmem:s2] =	stream.indirect.scatter.add.f32 [tilespmem:s15], [sflag:$0x1], $0x8, s24, s16, $0xb8;
	[tilespmem:$0x4000] =	vst v63  }
0x3c: {  	p0 =	sne.s32 s23, $0x9C00;
	s23 =	sadd.s32 $0x80, s24  }
0x3d: {  	[spmem:s2] =	stream.indirect.scatter.add.f32 [tilespmem:s15], [sflag:$0x2], $0x8, s23, s16, $0xb8;
	[tilespmem:$0x4000] =	vst v63  }
.Ltmp0:
0x3e: {  	_ =	swait.ge [sflag:s17], $0x400;
	(pc) =	sbr.rel @p0 .LBB2_2-.Ltmp0, $4  }
0x3f: {  	[sflag:s17] =	ssyncset.done $0x0  }
0x40: {  	[sflag:s17] =	ssyncadd.s32 $0xFFFFFC00  }
0x41: {  	_ =	swait.ge [sflag:s18], $0x400  }
0x42: {  	s23 =	smov.u32 s25;
	[sflag:s18] =	ssyncset.done $0x0  }
0x43: {  	s22 =	sshra.s32 s22, $0x2;
	[sflag:s18] =	ssyncadd.s32 $0xFFFFFC00  }
0x44: {  	[spmem:s2] =	stream.indirect.scatter.add.f32 [tilespmem:s15], [sflag:$0x1], $0x8, s22, s16, $0xb8;
	[tilespmem:$0x4000] =	vst v63  }
0x45: {  	s22 =	sadd.s32 $0x80, s22  }
0x46: {  	[spmem:s2] =	stream.indirect.scatter.add.f32 [tilespmem:s15], [sflag:$0x2], $0x8, s22, s16, $0xb8;
	[tilespmem:$0x4000] =	vst v63  }
0x47: {  	_ =	swait.ge [sflag:s17], $0x400  }
0x48: {  	[sflag:s17] =	ssyncset.done $0x0  }
0x49: {  	[sflag:s17] =	ssyncadd.s32 $0xFFFFFC00  }
0x4a: {  	_ =	swait.ge [sflag:s18], $0x400  }
0x4b: {  	s21 =	sadd.s32 $0x1, s21;
	[sflag:s18] =	ssyncset.done $0x0  }
0x4c: {  	p0 =	sne.s32 s21, s9;
	[sflag:s18] =	ssyncadd.s32 $0xFFFFFC00  }
.Ltmp1:
0x4d: {  	[bflag:$0x0] =	sbarrier.arrive $0xFFFF;
	(pc) =	sbr.rel @p0 .LBB2_1-.Ltmp1, $4  }
0x4e: {  	[hbm:s8], [sflag:s19] =	dma.local [spmem:s20], $0x280  }
0x4f: {  	_ =	swait.ge [sflag:s14], $0x280  }
0x50: {  	[sflag:s14] =	ssyncset.done $0x0  }
0x51: {  	[sflag:s14] =	ssyncadd.s32 $0xFFFFFD80  }
0x52: {  	_ =	sfence.sel $0x180000  }
0x53: {  	[bflag:$0x0] =	sbarrier.arrive $0xFFFF  }
0x54: {  	p0 =	sne.s32 s0, $0x0;
	_ =	strace $0x90000047  }
0x55: {  	s0 =	sadd.s32 @!p0 $0x100000, s1;
	[bflag:$0x2] =	sbarrier.arrive $0xFFFF  }
0x56: {  	[sflag:s0] =	ssyncadd.tile.s32 @!p0 $0x1;
	_ =	shalt  }
.Lfunc_end2:
_tile_overlayer_lowered:
.L_overlay_start_2:
0x57: {  	(tag) =	ssettag $0x2  }
0x58: {  	s0 =	rddreg [dreg:$0x0];
	s2 =	stileid.u32  }
0x59: {  	s1 =	rddreg [dreg:$0x1];
	p0 =	sne.s32 s2, $0x0  }
0x5a: {  	s3 =	rddreg [dreg:$0x2];
	[bflag:$0x3] =	sbarrier.arrive $0xFFFF;
	s2 =	simm.s32 @!p0 $0x1C03  }
0x5b: {  	[timem:s3], [sflag:s2] =	dma.local @!p0 [hbm:s0], s1  }
0x5c: {  	s0 =	simm.s32 @!p0 $0x3  }
0x5d: {  	_ =	swait.ge @!p0 [sflag:s0], s1  }
0x5e: {  	s1 =	ssub.s32 @!p0 $0x0, s1;
	[sflag:s0] =	ssyncset.done @!p0 $0x0  }
0x5f: {  	[sflag:s0] =	ssyncadd.s32 @!p0 s1  }
0x60: {  	[bflag:$0x3] =	sbarrier.arrive $0xFFFF  }
0x61: {  	_ =	shalt  }

</sc_bundles>
